<compile_context>
chip_gen: v7x
topology: tpu7x:2x2x1
jax: 0.10.2.dev20260603
libtpu: 0.0.44.dev20260713+nightly
codegen_flags: <defaults>
</compile_context>

<pallas_src>
import jax
import jax.numpy as jnp
from jax import lax
from jax.experimental import pallas as pl
from jax.experimental.pallas import tpu as pltpu
from jax.experimental.pallas import tpu_sc as plsc

N = 10000
E = 320000
D = 128
G = 64

NC = 2
NS = 16
NW = NC * NS
EB = 128
ETP = 10240
NBT = ETP // EB
CH = 16
NCHK = NBT // CH
NA = N + 8
NRA = 632
NRL = NA - (NS - 1) * NRA
NRLI = N - (NS - 1) * NRA
EPT = E // NW
EBR = EPT // NBT
EBP = EB - EBR
BR = 400
NBR = N // BR


def _sc_mesh():
    return plsc.VectorSubcoreMesh(core_axis_name="c", subcore_axis_name="s")


def _per_tile_rows(s, mk, last_rows):

    @pl.when(s < NS - 1)
    def _():
        mk(pl.multiple_of(s * NRA, 8), NRA)

    @pl.when(s == NS - 1)
    def _():
        mk((NS - 1) * NRA, last_rows)



def _sc_degree(dst3d, ones_blk, zeros):

    def body(dst_hbm, ones_hbm, zeros_hbm, out_hbm, deg_sh, dst_v, ones_v, sem):
        c = lax.axis_index("c")
        s = lax.axis_index("s")
        _per_tile_rows(s, lambda r0, nr: pltpu.sync_copy(
            zeros_hbm.at[pl.ds(r0, nr)], deg_sh.at[pl.ds(r0, nr)]), NRLI)
        pltpu.sync_copy(ones_hbm, ones_v)
        pltpu.sync_copy(dst_hbm.at[c * NS + s], dst_v)
        plsc.subcore_barrier()

        def fire(j, carry):
            pltpu.async_copy(ones_v, deg_sh.at[dst_v.at[j]], sem, add=True)
            return carry

        lax.fori_loop(0, NBT, fire, 0)

        def drain(j, carry):
            pltpu.make_async_copy(
                ones_v, deg_sh.at[dst_v.at[j]], sem).wait()
            return carry

        lax.fori_loop(0, NBT, drain, 0)
        plsc.subcore_barrier()
        _per_tile_rows(s, lambda r0, nr: pltpu.sync_copy(
            deg_sh.at[pl.ds(r0, nr)], out_hbm.at[c].at[pl.ds(r0, nr)]), NRL)

    f = pl.kernel(
        body,
        out_type=jax.ShapeDtypeStruct((NC, NA, D), jnp.float32),
        mesh=_sc_mesh(),
        scratch_types=[
            pltpu.VMEM_SHARED((NA, D), jnp.float32),
            pltpu.VMEM((NBT, EB), jnp.int32),
            pltpu.VMEM((EB, D), jnp.float32),
            pltpu.SemaphoreType.DMA,
        ],
    )
    return f(dst3d, ones_blk, zeros)



def _sc_aggregate(y, src3d, dst3d, zeros):

    def body(y_hbm, src_hbm, dst_hbm, zeros_hbm, out_hbm,
             acc_sh, src_v, dst_v, rows0, rows1, sem0, sem1, semp):
        c = lax.axis_index("c")
        s = lax.axis_index("s")

        def init(r0, nr):
            @pl.when(c == 0)
            def _():
                pltpu.sync_copy(y_hbm.at[pl.ds(r0, nr)],
                                acc_sh.at[pl.ds(r0, nr)])

            @pl.when(c != 0)
            def _():
                pltpu.sync_copy(zeros_hbm.at[pl.ds(r0, nr)],
                                acc_sh.at[pl.ds(r0, nr)])

        _per_tile_rows(s, init, NRLI)
        wid = c * NS + s
        pltpu.sync_copy(src_hbm.at[wid].at[pl.ds(0, CH)], src_v.at[0])
        pltpu.sync_copy(dst_hbm.at[wid].at[pl.ds(0, CH)], dst_v.at[0])
        plsc.subcore_barrier()

        def chunk_copy(ch, half, make_only):
            f = pltpu.make_async_copy if make_only else pltpu.async_copy
            return (f(src_hbm.at[wid].at[pl.ds(ch * CH, CH)], src_v.at[half],
                      semp),
                    f(dst_hbm.at[wid].at[pl.ds(ch * CH, CH)], dst_v.at[half],
                      semp))

        def start_gather(j, rows, sem):
            idx = src_v.at[(j // CH) % 2].at[j % CH]
            pltpu.async_copy(y_hbm.at[idx], rows, sem)

        def finish(j, rows, sem):
            idx_s = src_v.at[(j // CH) % 2].at[j % CH]
            idx_d = dst_v.at[(j // CH) % 2].at[j % CH]
            pltpu.make_async_copy(y_hbm.at[idx_s], rows, sem).wait()
            pltpu.sync_copy(rows, acc_sh.at[idx_d], add=True)

        start_gather(0, rows0, sem0)

        def step(i, carry):
            j0 = i * 2
            ch = j0 // CH
            k0 = j0 % CH

            @pl.when(jnp.logical_and(k0 == 0, ch + 1 < NCHK))
            def _():
                chunk_copy(ch + 1, 1 - ch % 2, False)

            @pl.when(jnp.logical_and(k0 == CH - 2, j0 + 2 < NBT))
            def _():
                a, b = chunk_copy(ch + 1, 1 - ch % 2, True)
                a.wait()
                b.wait()

            start_gather(j0 + 1, rows1, sem1)
            finish(j0, rows0, sem0)

            @pl.when(j0 + 2 < NBT)
            def _():
                start_gather(j0 + 2, rows0, sem0)

            finish(j0 + 1, rows1, sem1)
            return carry

        lax.fori_loop(0, NBT // 2, step, 0)
        plsc.subcore_barrier()
        _per_tile_rows(s, lambda r0, nr: pltpu.sync_copy(
            acc_sh.at[pl.ds(r0, nr)], out_hbm.at[c].at[pl.ds(r0, nr)]), NRL)

    f = pl.kernel(
        body,
        out_type=jax.ShapeDtypeStruct((NC, NA, D), jnp.float32),
        mesh=_sc_mesh(),
        scratch_types=[
            pltpu.VMEM_SHARED((NA, D), jnp.float32),
            pltpu.VMEM((2, CH, EB), jnp.int32),
            pltpu.VMEM((2, CH, EB), jnp.int32),
            pltpu.VMEM((EB, D), jnp.float32),
            pltpu.VMEM((EB, D), jnp.float32),
            pltpu.SemaphoreType.DMA,
            pltpu.SemaphoreType.DMA,
            pltpu.SemaphoreType.DMA,
        ],
    )
    return f(y, src3d, dst3d, zeros)



def _tc1_body(x_ref, w_ref, degp_ref, y_ref, dinv_ref):
    deg = degp_ref[0, :, 0:16] + degp_ref[1, :, 0:16] + 1.0
    dinv = lax.rsqrt(deg)
    xw = jnp.dot(x_ref[...], w_ref[...], preferred_element_type=jnp.float32)
    y_ref[...] = xw * dinv[:, 0:1]
    dinv_ref[...] = dinv


def _tc1(x, W1, degp):
    return pl.pallas_call(
        _tc1_body,
        grid=(NBR,),
        in_specs=[
            pl.BlockSpec((BR, D), lambda i: (i, 0)),
            pl.BlockSpec((D, D), lambda i: (0, 0)),
            pl.BlockSpec((NC, BR, D), lambda i: (0, i, 0)),
        ],
        out_specs=[
            pl.BlockSpec((BR, D), lambda i: (i, 0)),
            pl.BlockSpec((BR, 16), lambda i: (i, 0)),
        ],
        out_shape=[
            jax.ShapeDtypeStruct((N, D), jnp.float32),
            jax.ShapeDtypeStruct((N, 16), jnp.float32),
        ],
    )(x, W1, degp)


def _tc2_body(accp_ref, dinv_ref, b_ref, w_ref, y2_ref):
    dinv = dinv_ref[...][:, 0:1]
    h = jnp.maximum(dinv * (accp_ref[0] + accp_ref[1]) + b_ref[...], 0.0)
    y2_ref[...] = jnp.dot(h, w_ref[...],
                          preferred_element_type=jnp.float32) * dinv


def _tc2(accp, dinv, b1, W2):
    return pl.pallas_call(
        _tc2_body,
        grid=(NBR,),
        in_specs=[
            pl.BlockSpec((NC, BR, D), lambda i: (0, i, 0)),
            pl.BlockSpec((BR, 16), lambda i: (i, 0)),
            pl.BlockSpec((1, D), lambda i: (0, 0)),
            pl.BlockSpec((D, D), lambda i: (0, 0)),
        ],
        out_specs=pl.BlockSpec((BR, D), lambda i: (i, 0)),
        out_shape=jax.ShapeDtypeStruct((N, D), jnp.float32),
    )(accp, dinv, b1, W2)


def _tc3_body(accp_ref, dinv_ref, b_ref, batch_ref, fcw_ref, fcb_ref,
              out_ref, sums_ref, cnts_ref):
    i = pl.program_id(0)

    @pl.when(i == 0)
    def _():
        sums_ref[...] = jnp.zeros_like(sums_ref)
        cnts_ref[...] = jnp.zeros_like(cnts_ref)

    dinv = dinv_ref[...][:, 0:1]
    h = jnp.maximum(dinv * (accp_ref[0] + accp_ref[1]) + b_ref[...], 0.0)
    gids = lax.broadcasted_iota(jnp.int32, (BR, G), 1)
    oh = (gids == batch_ref[...]).astype(jnp.float32)
    sums_ref[...] += lax.dot_general(oh, h, (((0,), (0,)), ((), ())),
                                     preferred_element_type=jnp.float32)
    cnts_ref[...] += jnp.sum(oh, axis=0)[:, None]

    @pl.when(i == NBR - 1)
    def _():
        pooled = sums_ref[...] / jnp.maximum(cnts_ref[...], 1.0)
        out_ref[...] = jnp.dot(pooled, fcw_ref[...],
                               preferred_element_type=jnp.float32) + fcb_ref[...]


def _tc3(accp, dinv, b2, batch2d, fc_W, fc_b):
    return pl.pallas_call(
        _tc3_body,
        grid=(NBR,),
        in_specs=[
            pl.BlockSpec((NC, BR, D), lambda i: (0, i, 0)),
            pl.BlockSpec((BR, 16), lambda i: (i, 0)),
            pl.BlockSpec((1, D), lambda i: (0, 0)),
            pl.BlockSpec((BR, 1), lambda i: (i, 0)),
            pl.BlockSpec((D, D), lambda i: (0, 0)),
            pl.BlockSpec((1, D), lambda i: (0, 0)),
        ],
        out_specs=pl.BlockSpec((G, D), lambda i: (0, 0)),
        out_shape=jax.ShapeDtypeStruct((G, D), jnp.float32),
        scratch_shapes=[
            pltpu.VMEM((G, D), jnp.float32),
            pltpu.VMEM((G, 1), jnp.float32),
        ],
    )(accp, dinv, b2, batch2d, fc_W, fc_b)



def kernel(x, edge_index, batch, W1, b1, W2, b2, fc_W, fc_b):
    pidx = jnp.arange(NW * NBT * EBP, dtype=jnp.int32).reshape(NW, NBT, EBP)
    src3d = jnp.concatenate(
        [edge_index[0].reshape(NW, NBT, EBR), (pidx * 13) % N], axis=2)
    dst_r = edge_index[1].reshape(NW, NBT, EBR)
    dsta3d = jnp.concatenate([dst_r, N + pidx % 8], axis=2)
    dstd3d = jnp.concatenate(
        [dst_r, jnp.full((NW, NBT, EBP), N, jnp.int32)], axis=2)
    zeros = jnp.zeros((N, D), jnp.float32)
    ones_blk = jnp.ones((EB, D), jnp.float32)

    degp = _sc_degree(dstd3d, ones_blk, zeros)
    y1, dinv = _tc1(x, W1, degp)
    acc1 = _sc_aggregate(y1, src3d, dsta3d, zeros)
    y2 = _tc2(acc1, dinv, b1.reshape(1, D), W2)
    acc2 = _sc_aggregate(y2, src3d, dsta3d, zeros)
    return _tc3(acc2, dinv, b2.reshape(1, D), batch.reshape(N, 1),
                fc_W, fc_b.reshape(1, D))

# --- scband reference (transcript-rebuilt; emitter-appended) ---
"""Pipeline reference for scband-traces-encoder-11287174054679 (READ-ONLY COPY).

The authoritative reference and input builder live on the scoring server;
editing this copy changes nothing except your own understanding.
"""

import jax, jax.numpy as jnp
import numpy as np

N = 10000
E = 320000
D_IN = 128
D_HID = 128
D_OUT = 128
G = 64

def _glorot(key, shape):
    lim = float(np.sqrt(6.0 / (shape[0] + shape[1])))
    return jax.random.uniform(key, shape, dtype=jnp.float32, minval=-lim, maxval=lim)

def setup_inputs(seed: int = 0):
    key = jax.random.key(seed)
    ks = jax.random.split(key, 9)
    x = jax.random.normal(ks[0], (N, D_IN), dtype=jnp.float32)
    edge_index = jax.random.randint(ks[1], (2, E), 0, N, dtype=jnp.int32)
    batch = jnp.sort(jax.random.randint(ks[2], (N,), 0, G, dtype=jnp.int32))
    W1 = _glorot(ks[3], (D_IN, D_HID))
    b1 = jnp.zeros((D_HID,), dtype=jnp.float32)
    W2 = _glorot(ks[4], (D_HID, D_HID))
    b2 = jnp.zeros((D_HID,), dtype=jnp.float32)
    fc_W = _glorot(ks[5], (D_HID, D_OUT))
    fc_b = jnp.zeros((D_OUT,), dtype=jnp.float32)
    return {"x": x, "edge_index": edge_index, "batch": batch,
            "W1": W1, "b1": b1, "W2": W2, "b2": b2,
            "fc_W": fc_W, "fc_b": fc_b}

def _gcn_conv(x, src, dst, W, b, num_nodes):
    # PyG GCNConv: x' = D^{-1/2} (A + I) D^{-1/2} X W + b (self-loops already in src/dst)
    xw = x @ W
    deg = jax.ops.segment_sum(jnp.ones(src.shape[0], dtype=xw.dtype), dst, num_segments=num_nodes)
    deg_inv_sqrt = jnp.where(deg > 0, 1.0 / jnp.sqrt(jnp.maximum(deg, 1e-12)), 0.0)
    norm = deg_inv_sqrt[src] * deg_inv_sqrt[dst]
    msg = xw[src] * norm[:, None]
    out = jax.ops.segment_sum(msg, dst, num_segments=num_nodes)
    return out + b

def reference(x, edge_index, batch, W1, b1, W2, b2, fc_W, fc_b):
    loop = jnp.arange(N, dtype=edge_index.dtype)
    src = jnp.concatenate([edge_index[0], loop])
    dst = jnp.concatenate([edge_index[1], loop])
    # layer 1 (dropout is identity in eval mode)
    h = jax.nn.relu(_gcn_conv(x, src, dst, W1, b1, N))
    # layer 2
    h = jax.nn.relu(_gcn_conv(h, src, dst, W2, b2, N))
    # global mean pool over batch assignment
    sums = jax.ops.segment_sum(h, batch, num_segments=G)
    counts = jax.ops.segment_sum(jnp.ones((N,), dtype=h.dtype), batch, num_segments=G)
    pooled = sums / jnp.maximum(counts, 1.0)[:, None]
    return pooled @ fc_W + fc_b

if __name__ == "__main__":
    import jax
    _d = setup_inputs()
    print(jax.jit(kernel)(*tuple(_d.values())))

</pallas_src>

<mosaic_0001>
#map = affine_map<(d0, d1) -> (0, 0, 0)>
#map1 = affine_map<(d0, d1) -> (0, 0)>
module attributes {stable_mosaic.version = 14 : i64} {
  func.func @body(%arg0: i32, %arg1: i32, %arg2: memref<32x80x128xi32, #tpu.memory_space<hbm>>, %arg3: memref<128x128xf32, #tpu.memory_space<hbm>>, %arg4: memref<10000x128xf32, #tpu.memory_space<hbm>>, %arg5: memref<2x10008x128xf32, #tpu.memory_space<hbm>>, %arg6: memref<10008x128xf32, #tpu.memory_space<vmem_shared>>, %arg7: memref<80x128xi32, #tpu.memory_space<vmem>>, %arg8: memref<128x128xf32, #tpu.memory_space<vmem>>, %arg9: memref<!tpu.dma_semaphore, #tpu.memory_space<semaphore_mem>>) attributes {dimension_semantics = [#tpu.dimension_semantics<core_parallel>, #tpu.dimension_semantics<subcore_parallel>], iteration_bounds = array<i64: 2, 16>, scalar_prefetch = 0 : i64, scratch_operands = 4 : i64, tpu.core_type = #tpu.core_type<sc_vector_subcore>, window_params = [{transform_indices = #map}, {transform_indices = #map1}, {transform_indices = #map1}, {transform_indices = #map}]} {
    %lt3A = arith.constant 15 : i32
    %lt3A_0 = arith.cmpi slt, %arg1, %lt3A : i32
    %convert_element_type3A = arith.extui %lt3A_0 : i1 to i32
    %cond3A = arith.constant 0 : i32
    %cond3A_1 = arith.cmpi ne, %convert_element_type3A, %cond3A : i32
    scf.if %cond3A_1 {
      %mul3A_29 = arith.constant 632 : i32
      %mul3A_30 = arith.muli %arg1, %mul3A_29 : i32
      %multiple_of3A = tpu.assume_multiple %mul3A_30, 8 : i32
      "tpu.region"() ({
        %run_scoped3A = tpu.sem_alloc : memref<!tpu.dma_semaphore, #tpu.memory_space<semaphore_mem>>
        %dma_start3A = arith.constant 0 : i32
        %dma_start3A_31 = tpu.memref_slice %arg6[%multiple_of3A, %dma_start3A] : memref<10008x128xf32, #tpu.memory_space<vmem_shared>> -> memref<632x128xf32, #tpu.memory_space<vmem_shared>>
        %dma_start3A_32 = arith.constant 0 : i32
        %dma_start3A_33 = tpu.memref_slice %arg4[%multiple_of3A, %dma_start3A_32] : memref<10000x128xf32, #tpu.memory_space<hbm>> -> memref<632x128xf32, #tpu.memory_space<hbm>>
        tpu.enqueue_dma source(%dma_start3A_33 : memref<632x128xf32, #tpu.memory_space<hbm>>) target(%dma_start3A_31 : memref<632x128xf32, #tpu.memory_space<vmem_shared>>) target_semaphore(%run_scoped3A : memref<!tpu.dma_semaphore, #tpu.memory_space<semaphore_mem>>)
        %dma_wait3A = arith.constant 0 : i32
        %dma_wait3A_34 = tpu.memref_slice %arg6[%multiple_of3A, %dma_wait3A] : memref<10008x128xf32, #tpu.memory_space<vmem_shared>> -> memref<632x128xf32, #tpu.memory_space<vmem_shared>>
        %dma_wait3A_35 = arith.constant 0 : i32
        %dma_wait3A_36 = tpu.memref_slice %arg4[%multiple_of3A, %dma_wait3A_35] : memref<10000x128xf32, #tpu.memory_space<hbm>> -> memref<632x128xf32, #tpu.memory_space<hbm>>
        tpu.wait_dma2 semaphore(%run_scoped3A : memref<!tpu.dma_semaphore, #tpu.memory_space<semaphore_mem>>) src(%dma_wait3A_36 : memref<632x128xf32, #tpu.memory_space<hbm>>) dst(%dma_wait3A_34 : memref<632x128xf32, #tpu.memory_space<vmem_shared>>)
        tpu.yield
      }) : () -> ()
    } else {
    }
    %eq3A = arith.constant 15 : i32
    %eq3A_2 = arith.cmpi eq, %arg1, %eq3A : i32
    %convert_element_type3A_3 = arith.extui %eq3A_2 : i1 to i32
    %cond3A_4 = arith.constant 0 : i32
    %cond3A_5 = arith.cmpi ne, %convert_element_type3A_3, %cond3A_4 : i32
    scf.if %cond3A_5 {
      "tpu.region"() ({
        %run_scoped3A = tpu.sem_alloc : memref<!tpu.dma_semaphore, #tpu.memory_space<semaphore_mem>>
        %dma_start3A = arith.constant 9480 : i32
        %dma_start3A_29 = arith.constant 0 : i32
        %dma_start3A_30 = tpu.memref_slice %arg6[%dma_start3A, %dma_start3A_29] : memref<10008x128xf32, #tpu.memory_space<vmem_shared>> -> memref<520x128xf32, #tpu.memory_space<vmem_shared>>
        %dma_start3A_31 = arith.constant 9480 : i32
        %dma_start3A_32 = arith.constant 0 : i32
        %dma_start3A_33 = tpu.memref_slice %arg4[%dma_start3A_31, %dma_start3A_32] : memref<10000x128xf32, #tpu.memory_space<hbm>> -> memref<520x128xf32, #tpu.memory_space<hbm>>
        tpu.enqueue_dma source(%dma_start3A_33 : memref<520x128xf32, #tpu.memory_space<hbm>>) target(%dma_start3A_30 : memref<520x128xf32, #tpu.memory_space<vmem_shared>>) target_semaphore(%run_scoped3A : memref<!tpu.dma_semaphore, #tpu.memory_space<semaphore_mem>>)
        %dma_wait3A = arith.constant 9480 : i32
        %dma_wait3A_34 = arith.constant 0 : i32
        %dma_wait3A_35 = tpu.memref_slice %arg6[%dma_wait3A, %dma_wait3A_34] : memref<10008x128xf32, #tpu.memory_space<vmem_shared>> -> memref<520x128xf32, #tpu.memory_space<vmem_shared>>
        %dma_wait3A_36 = arith.constant 9480 : i32
        %dma_wait3A_37 = arith.constant 0 : i32
        %dma_wait3A_38 = tpu.memref_slice %arg4[%dma_wait3A_36, %dma_wait3A_37] : memref<10000x128xf32, #tpu.memory_space<hbm>> -> memref<520x128xf32, #tpu.memory_space<hbm>>
        tpu.wait_dma2 semaphore(%run_scoped3A : memref<!tpu.dma_semaphore, #tpu.memory_space<semaphore_mem>>) src(%dma_wait3A_38 : memref<520x128xf32, #tpu.memory_space<hbm>>) dst(%dma_wait3A_35 : memref<520x128xf32, #tpu.memory_space<vmem_shared>>)
        tpu.yield
      }) : () -> ()
    } else {
    }
    "tpu.region"() ({
      %run_scoped3A = tpu.sem_alloc : memref<!tpu.dma_semaphore, #tpu.memory_space<semaphore_mem>>
      tpu.enqueue_dma source(%arg3 : memref<128x128xf32, #tpu.memory_space<hbm>>) target(%arg8 : memref<128x128xf32, #tpu.memory_space<vmem>>) target_semaphore(%run_scoped3A : memref<!tpu.dma_semaphore, #tpu.memory_space<semaphore_mem>>)
      tpu.wait_dma2 semaphore(%run_scoped3A : memref<!tpu.dma_semaphore, #tpu.memory_space<semaphore_mem>>) src(%arg3 : memref<128x128xf32, #tpu.memory_space<hbm>>) dst(%arg8 : memref<128x128xf32, #tpu.memory_space<vmem>>)
      tpu.yield
    }) : () -> ()
    %mul3A = arith.constant 16 : i32
    %mul3A_6 = arith.muli %arg0, %mul3A : i32
    %add3A = arith.addi %mul3A_6, %arg1 : i32
    "tpu.region"() ({
      %run_scoped3A = tpu.sem_alloc : memref<!tpu.dma_semaphore, #tpu.memory_space<semaphore_mem>>
      %dma_start3A = arith.constant 0 : i32
      %dma_start3A_29 = arith.constant 0 : i32
      %dma_start3A_30 = tpu.memref_slice %arg2[%add3A, %dma_start3A, %dma_start3A_29] : memref<32x80x128xi32, #tpu.memory_space<hbm>> -> memref<1x80x128xi32, #tpu.memory_space<hbm>>
      %dma_start3A_31 = tpu.memref_squeeze %dma_start3A_30 : memref<1x80x128xi32, #tpu.memory_space<hbm>> -> memref<80x128xi32, #tpu.memory_space<hbm>>
      %dma_start3A_32 = arith.constant 0 : i32
      %dma_start3A_33 = arith.constant 0 : i32
      %dma_start3A_34 = tpu.memref_slice %arg2[%add3A, %dma_start3A_32, %dma_start3A_33] : memref<32x80x128xi32, #tpu.memory_space<hbm>> -> memref<1x80x128xi32, #tpu.memory_space<hbm>>
      %dma_start3A_35 = tpu.memref_squeeze %dma_start3A_34 : memref<1x80x128xi32, #tpu.memory_space<hbm>> -> memref<80x128xi32, #tpu.memory_space<hbm>>
      tpu.enqueue_dma source(%dma_start3A_35 : memref<80x128xi32, #tpu.memory_space<hbm>>) target(%arg7 : memref<80x128xi32, #tpu.memory_space<vmem>>) target_semaphore(%run_scoped3A : memref<!tpu.dma_semaphore, #tpu.memory_space<semaphore_mem>>)
      %dma_wait3A = arith.constant 0 : i32
      %dma_wait3A_36 = arith.constant 0 : i32
      %dma_wait3A_37 = tpu.memref_slice %arg2[%add3A, %dma_wait3A, %dma_wait3A_36] : memref<32x80x128xi32, #tpu.memory_space<hbm>> -> memref<1x80x128xi32, #tpu.memory_space<hbm>>
      %dma_wait3A_38 = tpu.memref_squeeze %dma_wait3A_37 : memref<1x80x128xi32, #tpu.memory_space<hbm>> -> memref<80x128xi32, #tpu.memory_space<hbm>>
      %dma_wait3A_39 = arith.constant 0 : i32
      %dma_wait3A_40 = arith.constant 0 : i32
      %dma_wait3A_41 = tpu.memref_slice %arg2[%add3A, %dma_wait3A_39, %dma_wait3A_40] : memref<32x80x128xi32, #tpu.memory_space<hbm>> -> memref<1x80x128xi32, #tpu.memory_space<hbm>>
      %dma_wait3A_42 = tpu.memref_squeeze %dma_wait3A_41 : memref<1x80x128xi32, #tpu.memory_space<hbm>> -> memref<80x128xi32, #tpu.memory_space<hbm>>
      tpu.wait_dma2 semaphore(%run_scoped3A : memref<!tpu.dma_semaphore, #tpu.memory_space<semaphore_mem>>) src(%dma_wait3A_42 : memref<80x128xi32, #tpu.memory_space<hbm>>) dst(%arg7 : memref<80x128xi32, #tpu.memory_space<vmem>>)
      tpu.yield
    }) : () -> ()
    %barrier3A = arith.constant 0 : index
    tpu.barrier barrier_id(%barrier3A)
    %scan3A = arith.constant 0 : i32
    %scan3A_7 = arith.constant 0 : i32
    %scan3A_8 = arith.constant 80 : i32
    %scan3A_9 = arith.addi %scan3A_7, %scan3A_8 : i32
    %scan3A_10 = arith.constant 1 : i32
    scf.for %scan3A_29 = %scan3A_7 to %scan3A_9 step %scan3A_10  : i32 {
      %dma_start3A = arith.constant 0 : i32
      %dma_start3A_30 = tpu.memref_slice %arg7[%scan3A_29, %dma_start3A] : memref<80x128xi32, #tpu.memory_space<vmem>> -> memref<1x128xi32, #tpu.memory_space<vmem>>
      %dma_start3A_31 = tpu.memref_squeeze %dma_start3A_30 : memref<1x128xi32, #tpu.memory_space<vmem>> -> memref<128xi32, #tpu.memory_space<vmem>>
      %dma_start3A_32 = arith.constant 0 : i32
      %dma_start3A_33 = arith.constant 0 : i32
      %dma_start3A_34 = tpu.memref_slice %arg6[%dma_start3A_32, %dma_start3A_33] : memref<10008x128xf32, #tpu.memory_space<vmem_shared>> -> memref<10008x128xf32, #tpu.memory_space<vmem_shared>>
      tpu.enqueue_indirect_dma source(%arg8 : memref<128x128xf32, #tpu.memory_space<vmem>>) target(%dma_start3A_34 : memref<10008x128xf32, #tpu.memory_space<vmem_shared>>) offsets(%dma_start3A_31 : memref<128xi32, #tpu.memory_space<vmem>>) semaphore(%arg9 : memref<!tpu.dma_semaphore, #tpu.memory_space<semaphore_mem>>) {add = true}
    }
    %scan3A_11 = arith.constant 80 : i32
    %scan3A_12 = arith.constant 0 : i32
    %scan3A_13 = arith.constant 0 : i32
    %scan3A_14 = arith.constant 80 : i32
    %scan3A_15 = arith.addi %scan3A_13, %scan3A_14 : i32
    %scan3A_16 = arith.constant 1 : i32
    scf.for %scan3A_29 = %scan3A_13 to %scan3A_15 step %scan3A_16  : i32 {
      %dma_wait3A = arith.constant 0 : i32
      %dma_wait3A_30 = tpu.memref_slice %arg7[%scan3A_29, %dma_wait3A] : memref<80x128xi32, #tpu.memory_space<vmem>> -> memref<1x128xi32, #tpu.memory_space<vmem>>
      %dma_wait3A_31 = tpu.memref_squeeze %dma_wait3A_30 : memref<1x128xi32, #tpu.memory_space<vmem>> -> memref<128xi32, #tpu.memory_space<vmem>>
      %dma_wait3A_32 = arith.constant 0 : i32
      %dma_wait3A_33 = arith.constant 0 : i32
      %dma_wait3A_34 = tpu.memref_slice %arg6[%dma_wait3A_32, %dma_wait3A_33] : memref<10008x128xf32, #tpu.memory_space<vmem_shared>> -> memref<10008x128xf32, #tpu.memory_space<vmem_shared>>
      tpu.wait_indirect_dma semaphore(%arg9 : memref<!tpu.dma_semaphore, #tpu.memory_space<semaphore_mem>>) src(%arg8 : memref<128x128xf32, #tpu.memory_space<vmem>>) dst(%dma_wait3A_34 : memref<10008x128xf32, #tpu.memory_space<vmem_shared>>)
    }
    %scan3A_17 = arith.constant 80 : i32
    %barrier3A_18 = arith.constant 0 : index
    tpu.barrier barrier_id(%barrier3A_18)
    %lt3A_19 = arith.constant 15 : i32
    %lt3A_20 = arith.cmpi slt, %arg1, %lt3A_19 : i32
    %convert_element_type3A_21 = arith.extui %lt3A_20 : i1 to i32
    %cond3A_22 = arith.constant 0 : i32
    %cond3A_23 = arith.cmpi ne, %convert_element_type3A_21, %cond3A_22 : i32
    scf.if %cond3A_23 {
      %mul3A_29 = arith.constant 632 : i32
      %mul3A_30 = arith.muli %arg1, %mul3A_29 : i32
      %multiple_of3A = tpu.assume_multiple %mul3A_30, 8 : i32
      "tpu.region"() ({
        %run_scoped3A = tpu.sem_alloc : memref<!tpu.dma_semaphore, #tpu.memory_space<semaphore_mem>>
        %dma_start3A = arith.constant 0 : i32
        %dma_start3A_31 = arith.constant 0 : i32
        %dma_start3A_32 = tpu.memref_slice %arg5[%arg0, %dma_start3A, %dma_start3A_31] : memref<2x10008x128xf32, #tpu.memory_space<hbm>> -> memref<1x10008x128xf32, #tpu.memory_space<hbm>>
        %dma_start3A_33 = tpu.memref_squeeze %dma_start3A_32 : memref<1x10008x128xf32, #tpu.memory_space<hbm>> -> memref<10008x128xf32, #tpu.memory_space<hbm>>
        %dma_start3A_34 = arith.constant 0 : i32
        %dma_start3A_35 = tpu.memref_slice %dma_start3A_33[%multiple_of3A, %dma_start3A_34] : memref<10008x128xf32, #tpu.memory_space<hbm>> -> memref<632x128xf32, #tpu.memory_space<hbm>>
        %dma_start3A_36 = arith.constant 0 : i32
        %dma_start3A_37 = tpu.memref_slice %arg6[%multiple_of3A, %dma_start3A_36] : memref<10008x128xf32, #tpu.memory_space<vmem_shared>> -> memref<632x128xf32, #tpu.memory_space<vmem_shared>>
        tpu.enqueue_dma source(%dma_start3A_37 : memref<632x128xf32, #tpu.memory_space<vmem_shared>>) target(%dma_start3A_35 : memref<632x128xf32, #tpu.memory_space<hbm>>) target_semaphore(%run_scoped3A : memref<!tpu.dma_semaphore, #tpu.memory_space<semaphore_mem>>)
        %dma_wait3A = arith.constant 0 : i32
        %dma_wait3A_38 = arith.constant 0 : i32
        %dma_wait3A_39 = tpu.memref_slice %arg5[%arg0, %dma_wait3A, %dma_wait3A_38] : memref<2x10008x128xf32, #tpu.memory_space<hbm>> -> memref<1x10008x128xf32, #tpu.memory_space<hbm>>
        %dma_wait3A_40 = tpu.memref_squeeze %dma_wait3A_39 : memref<1x10008x128xf32, #tpu.memory_space<hbm>> -> memref<10008x128xf32, #tpu.memory_space<hbm>>
        %dma_wait3A_41 = arith.constant 0 : i32
        %dma_wait3A_42 = tpu.memref_slice %dma_wait3A_40[%multiple_of3A, %dma_wait3A_41] : memref<10008x128xf32, #tpu.memory_space<hbm>> -> memref<632x128xf32, #tpu.memory_space<hbm>>
        %dma_wait3A_43 = arith.constant 0 : i32
        %dma_wait3A_44 = tpu.memref_slice %arg6[%multiple_of3A, %dma_wait3A_43] : memref<10008x128xf32, #tpu.memory_space<vmem_shared>> -> memref<632x128xf32, #tpu.memory_space<vmem_shared>>
        tpu.wait_dma2 semaphore(%run_scoped3A : memref<!tpu.dma_semaphore, #tpu.memory_space<semaphore_mem>>) src(%dma_wait3A_44 : memref<632x128xf32, #tpu.memory_space<vmem_shared>>) dst(%dma_wait3A_42 : memref<632x128xf32, #tpu.memory_space<hbm>>)
        tpu.yield
      }) : () -> ()
    } else {
    }
    %eq3A_24 = arith.constant 15 : i32
    %eq3A_25 = arith.cmpi eq, %arg1, %eq3A_24 : i32
    %convert_element_type3A_26 = arith.extui %eq3A_25 : i1 to i32
    %cond3A_27 = arith.constant 0 : i32
    %cond3A_28 = arith.cmpi ne, %convert_element_type3A_26, %cond3A_27 : i32
    scf.if %cond3A_28 {
      "tpu.region"() ({
        %run_scoped3A = tpu.sem_alloc : memref<!tpu.dma_semaphore, #tpu.memory_space<semaphore_mem>>
        %dma_start3A = arith.constant 0 : i32
        %dma_start3A_29 = arith.constant 0 : i32
        %dma_start3A_30 = tpu.memref_slice %arg5[%arg0, %dma_start3A, %dma_start3A_29] : memref<2x10008x128xf32, #tpu.memory_space<hbm>> -> memref<1x10008x128xf32, #tpu.memory_space<hbm>>
        %dma_start3A_31 = tpu.memref_squeeze %dma_start3A_30 : memref<1x10008x128xf32, #tpu.memory_space<hbm>> -> memref<10008x128xf32, #tpu.memory_space<hbm>>
        %dma_start3A_32 = arith.constant 9480 : i32
        %dma_start3A_33 = arith.constant 0 : i32
        %dma_start3A_34 = tpu.memref_slice %dma_start3A_31[%dma_start3A_32, %dma_start3A_33] : memref<10008x128xf32, #tpu.memory_space<hbm>> -> memref<528x128xf32, #tpu.memory_space<hbm>>
        %dma_start3A_35 = arith.constant 9480 : i32
        %dma_start3A_36 = arith.constant 0 : i32
        %dma_start3A_37 = tpu.memref_slice %arg6[%dma_start3A_35, %dma_start3A_36] : memref<10008x128xf32, #tpu.memory_space<vmem_shared>> -> memref<528x128xf32, #tpu.memory_space<vmem_shared>>
        tpu.enqueue_dma source(%dma_start3A_37 : memref<528x128xf32, #tpu.memory_space<vmem_shared>>) target(%dma_start3A_34 : memref<528x128xf32, #tpu.memory_space<hbm>>) target_semaphore(%run_scoped3A : memref<!tpu.dma_semaphore, #tpu.memory_space<semaphore_mem>>)
        %dma_wait3A = arith.constant 0 : i32
        %dma_wait3A_38 = arith.constant 0 : i32
        %dma_wait3A_39 = tpu.memref_slice %arg5[%arg0, %dma_wait3A, %dma_wait3A_38] : memref<2x10008x128xf32, #tpu.memory_space<hbm>> -> memref<1x10008x128xf32, #tpu.memory_space<hbm>>
        %dma_wait3A_40 = tpu.memref_squeeze %dma_wait3A_39 : memref<1x10008x128xf32, #tpu.memory_space<hbm>> -> memref<10008x128xf32, #tpu.memory_space<hbm>>
        %dma_wait3A_41 = arith.constant 9480 : i32
        %dma_wait3A_42 = arith.constant 0 : i32
        %dma_wait3A_43 = tpu.memref_slice %dma_wait3A_40[%dma_wait3A_41, %dma_wait3A_42] : memref<10008x128xf32, #tpu.memory_space<hbm>> -> memref<528x128xf32, #tpu.memory_space<hbm>>
        %dma_wait3A_44 = arith.constant 9480 : i32
        %dma_wait3A_45 = arith.constant 0 : i32
        %dma_wait3A_46 = tpu.memref_slice %arg6[%dma_wait3A_44, %dma_wait3A_45] : memref<10008x128xf32, #tpu.memory_space<vmem_shared>> -> memref<528x128xf32, #tpu.memory_space<vmem_shared>>
        tpu.wait_dma2 semaphore(%run_scoped3A : memref<!tpu.dma_semaphore, #tpu.memory_space<semaphore_mem>>) src(%dma_wait3A_46 : memref<528x128xf32, #tpu.memory_space<vmem_shared>>) dst(%dma_wait3A_43 : memref<528x128xf32, #tpu.memory_space<hbm>>)
        tpu.yield
      }) : () -> ()
    } else {
    }
    return
  }
}

#map = affine_map<(d0, d1) -> (0, 0)>
#map1 = affine_map<(d0, d1) -> (0, 0, 0)>
module attributes {stable_mosaic.version = 14 : i64} {
  func.func @body(%arg0: i32, %arg1: i32, %arg2: memref<10000x128xf32, #tpu.memory_space<hbm>>, %arg3: memref<32x80x128xi32, #tpu.memory_space<hbm>>, %arg4: memref<32x80x128xi32, #tpu.memory_space<hbm>>, %arg5: memref<10000x128xf32, #tpu.memory_space<hbm>>, %arg6: memref<2x10008x128xf32, #tpu.memory_space<hbm>>, %arg7: memref<10008x128xf32, #tpu.memory_space<vmem_shared>>, %arg8: memref<2x16x128xi32, #tpu.memory_space<vmem>>, %arg9: memref<2x16x128xi32, #tpu.memory_space<vmem>>, %arg10: memref<128x128xf32, #tpu.memory_space<vmem>>, %arg11: memref<128x128xf32, #tpu.memory_space<vmem>>, %arg12: memref<!tpu.dma_semaphore, #tpu.memory_space<semaphore_mem>>, %arg13: memref<!tpu.dma_semaphore, #tpu.memory_space<semaphore_mem>>, %arg14: memref<!tpu.dma_semaphore, #tpu.memory_space<semaphore_mem>>) attributes {dimension_semantics = [#tpu.dimension_semantics<core_parallel>, #tpu.dimension_semantics<subcore_parallel>], iteration_bounds = array<i64: 2, 16>, scalar_prefetch = 0 : i64, scratch_operands = 8 : i64, tpu.core_type = #tpu.core_type<sc_vector_subcore>, window_params = [{transform_indices = #map}, {transform_indices = #map1}, {transform_indices = #map1}, {transform_indices = #map}, {transform_indices = #map1}]} {
    %lt3A = arith.constant 15 : i32
    %lt3A_0 = arith.cmpi slt, %arg1, %lt3A : i32
    %convert_element_type3A = arith.extui %lt3A_0 : i1 to i32
    %cond3A = arith.constant 0 : i32
    %cond3A_1 = arith.cmpi ne, %convert_element_type3A, %cond3A : i32
    scf.if %cond3A_1 {
      %mul3A_35 = arith.constant 632 : i32
      %mul3A_36 = arith.muli %arg1, %mul3A_35 : i32
      %multiple_of3A = tpu.assume_multiple %mul3A_36, 8 : i32
      %eq3A_37 = arith.constant 0 : i32
      %eq3A_38 = arith.cmpi eq, %arg0, %eq3A_37 : i32
      %convert_element_type3A_39 = arith.extui %eq3A_38 : i1 to i32
      %cond3A_40 = arith.constant 0 : i32
      %cond3A_41 = arith.cmpi ne, %convert_element_type3A_39, %cond3A_40 : i32
      scf.if %cond3A_41 {
        "tpu.region"() ({
          %run_scoped3A_46 = tpu.sem_alloc : memref<!tpu.dma_semaphore, #tpu.memory_space<semaphore_mem>>
          %dma_start3A_47 = arith.constant 0 : i32
          %dma_start3A_48 = tpu.memref_slice %arg7[%multiple_of3A, %dma_start3A_47] : memref<10008x128xf32, #tpu.memory_space<vmem_shared>> -> memref<632x128xf32, #tpu.memory_space<vmem_shared>>
          %dma_start3A_49 = arith.constant 0 : i32
          %dma_start3A_50 = tpu.memref_slice %arg2[%multiple_of3A, %dma_start3A_49] : memref<10000x128xf32, #tpu.memory_space<hbm>> -> memref<632x128xf32, #tpu.memory_space<hbm>>
          tpu.enqueue_dma source(%dma_start3A_50 : memref<632x128xf32, #tpu.memory_space<hbm>>) target(%dma_start3A_48 : memref<632x128xf32, #tpu.memory_space<vmem_shared>>) target_semaphore(%run_scoped3A_46 : memref<!tpu.dma_semaphore, #tpu.memory_space<semaphore_mem>>)
          %dma_wait3A = arith.constant 0 : i32
          %dma_wait3A_51 = tpu.memref_slice %arg7[%multiple_of3A, %dma_wait3A] : memref<10008x128xf32, #tpu.memory_space<vmem_shared>> -> memref<632x128xf32, #tpu.memory_space<vmem_shared>>
          %dma_wait3A_52 = arith.constant 0 : i32
          %dma_wait3A_53 = tpu.memref_slice %arg2[%multiple_of3A, %dma_wait3A_52] : memref<10000x128xf32, #tpu.memory_space<hbm>> -> memref<632x128xf32, #tpu.memory_space<hbm>>
          tpu.wait_dma2 semaphore(%run_scoped3A_46 : memref<!tpu.dma_semaphore, #tpu.memory_space<semaphore_mem>>) src(%dma_wait3A_53 : memref<632x128xf32, #tpu.memory_space<hbm>>) dst(%dma_wait3A_51 : memref<632x128xf32, #tpu.memory_space<vmem_shared>>)
          tpu.yield
        }) : () -> ()
      } else {
      }
      %ne3A = arith.constant 0 : i32
      %ne3A_42 = arith.cmpi ne, %arg0, %ne3A : i32
      %convert_element_type3A_43 = arith.extui %ne3A_42 : i1 to i32
      %cond3A_44 = arith.constant 0 : i32
      %cond3A_45 = arith.cmpi ne, %convert_element_type3A_43, %cond3A_44 : i32
      scf.if %cond3A_45 {
        "tpu.region"() ({
          %run_scoped3A_46 = tpu.sem_alloc : memref<!tpu.dma_semaphore, #tpu.memory_space<semaphore_mem>>
          %dma_start3A_47 = arith.constant 0 : i32
          %dma_start3A_48 = tpu.memref_slice %arg7[%multiple_of3A, %dma_start3A_47] : memref<10008x128xf32, #tpu.memory_space<vmem_shared>> -> memref<632x128xf32, #tpu.memory_space<vmem_shared>>
          %dma_start3A_49 = arith.constant 0 : i32
          %dma_start3A_50 = tpu.memref_slice %arg5[%multiple_of3A, %dma_start3A_49] : memref<10000x128xf32, #tpu.memory_space<hbm>> -> memref<632x128xf32, #tpu.memory_space<hbm>>
          tpu.enqueue_dma source(%dma_start3A_50 : memref<632x128xf32, #tpu.memory_space<hbm>>) target(%dma_start3A_48 : memref<632x128xf32, #tpu.memory_space<vmem_shared>>) target_semaphore(%run_scoped3A_46 : memref<!tpu.dma_semaphore, #tpu.memory_space<semaphore_mem>>)
          %dma_wait3A = arith.constant 0 : i32
          %dma_wait3A_51 = tpu.memref_slice %arg7[%multiple_of3A, %dma_wait3A] : memref<10008x128xf32, #tpu.memory_space<vmem_shared>> -> memref<632x128xf32, #tpu.memory_space<vmem_shared>>
          %dma_wait3A_52 = arith.constant 0 : i32
          %dma_wait3A_53 = tpu.memref_slice %arg5[%multiple_of3A, %dma_wait3A_52] : memref<10000x128xf32, #tpu.memory_space<hbm>> -> memref<632x128xf32, #tpu.memory_space<hbm>>
          tpu.wait_dma2 semaphore(%run_scoped3A_46 : memref<!tpu.dma_semaphore, #tpu.memory_space<semaphore_mem>>) src(%dma_wait3A_53 : memref<632x128xf32, #tpu.memory_space<hbm>>) dst(%dma_wait3A_51 : memref<632x128xf32, #tpu.memory_space<vmem_shared>>)
          tpu.yield
        }) : () -> ()
      } else {
      }
    } else {
    }
    %eq3A = arith.constant 15 : i32
    %eq3A_2 = arith.cmpi eq, %arg1, %eq3A : i32
    %convert_element_type3A_3 = arith.extui %eq3A_2 : i1 to i32
    %cond3A_4 = arith.constant 0 : i32
    %cond3A_5 = arith.cmpi ne, %convert_element_type3A_3, %cond3A_4 : i32
    scf.if %cond3A_5 {
      %eq3A_35 = arith.constant 0 : i32
      %eq3A_36 = arith.cmpi eq, %arg0, %eq3A_35 : i32
      %convert_element_type3A_37 = arith.extui %eq3A_36 : i1 to i32
      %cond3A_38 = arith.constant 0 : i32
      %cond3A_39 = arith.cmpi ne, %convert_element_type3A_37, %cond3A_38 : i32
      scf.if %cond3A_39 {
        "tpu.region"() ({
          %run_scoped3A_44 = tpu.sem_alloc : memref<!tpu.dma_semaphore, #tpu.memory_space<semaphore_mem>>
          %dma_start3A_45 = arith.constant 9480 : i32
          %dma_start3A_46 = arith.constant 0 : i32
          %dma_start3A_47 = tpu.memref_slice %arg7[%dma_start3A_45, %dma_start3A_46] : memref<10008x128xf32, #tpu.memory_space<vmem_shared>> -> memref<520x128xf32, #tpu.memory_space<vmem_shared>>
          %dma_start3A_48 = arith.constant 9480 : i32
          %dma_start3A_49 = arith.constant 0 : i32
          %dma_start3A_50 = tpu.memref_slice %arg2[%dma_start3A_48, %dma_start3A_49] : memref<10000x128xf32, #tpu.memory_space<hbm>> -> memref<520x128xf32, #tpu.memory_space<hbm>>
          tpu.enqueue_dma source(%dma_start3A_50 : memref<520x128xf32, #tpu.memory_space<hbm>>) target(%dma_start3A_47 : memref<520x128xf32, #tpu.memory_space<vmem_shared>>) target_semaphore(%run_scoped3A_44 : memref<!tpu.dma_semaphore, #tpu.memory_space<semaphore_mem>>)
          %dma_wait3A = arith.constant 9480 : i32
          %dma_wait3A_51 = arith.constant 0 : i32
          %dma_wait3A_52 = tpu.memref_slice %arg7[%dma_wait3A, %dma_wait3A_51] : memref<10008x128xf32, #tpu.memory_space<vmem_shared>> -> memref<520x128xf32, #tpu.memory_space<vmem_shared>>
          %dma_wait3A_53 = arith.constant 9480 : i32
          %dma_wait3A_54 = arith.constant 0 : i32
          %dma_wait3A_55 = tpu.memref_slice %arg2[%dma_wait3A_53, %dma_wait3A_54] : memref<10000x128xf32, #tpu.memory_space<hbm>> -> memref<520x128xf32, #tpu.memory_space<hbm>>
          tpu.wait_dma2 semaphore(%run_scoped3A_44 : memref<!tpu.dma_semaphore, #tpu.memory_space<semaphore_mem>>) src(%dma_wait3A_55 : memref<520x128xf32, #tpu.memory_space<hbm>>) dst(%dma_wait3A_52 : memref<520x128xf32, #tpu.memory_space<vmem_shared>>)
          tpu.yield
        }) : () -> ()
      } else {
      }
      %ne3A = arith.constant 0 : i32
      %ne3A_40 = arith.cmpi ne, %arg0, %ne3A : i32
      %convert_element_type3A_41 = arith.extui %ne3A_40 : i1 to i32
      %cond3A_42 = arith.constant 0 : i32
      %cond3A_43 = arith.cmpi ne, %convert_element_type3A_41, %cond3A_42 : i32
      scf.if %cond3A_43 {
        "tpu.region"() ({
          %run_scoped3A_44 = tpu.sem_alloc : memref<!tpu.dma_semaphore, #tpu.memory_space<semaphore_mem>>
          %dma_start3A_45 = arith.constant 9480 : i32
          %dma_start3A_46 = arith.constant 0 : i32
          %dma_start3A_47 = tpu.memref_slice %arg7[%dma_start3A_45, %dma_start3A_46] : memref<10008x128xf32, #tpu.memory_space<vmem_shared>> -> memref<520x128xf32, #tpu.memory_space<vmem_shared>>
          %dma_start3A_48 = arith.constant 9480 : i32
          %dma_start3A_49 = arith.constant 0 : i32
          %dma_start3A_50 = tpu.memref_slice %arg5[%dma_start3A_48, %dma_start3A_49] : memref<10000x128xf32, #tpu.memory_space<hbm>> -> memref<520x128xf32, #tpu.memory_space<hbm>>
          tpu.enqueue_dma source(%dma_start3A_50 : memref<520x128xf32, #tpu.memory_space<hbm>>) target(%dma_start3A_47 : memref<520x128xf32, #tpu.memory_space<vmem_shared>>) target_semaphore(%run_scoped3A_44 : memref<!tpu.dma_semaphore, #tpu.memory_space<semaphore_mem>>)
          %dma_wait3A = arith.constant 9480 : i32
          %dma_wait3A_51 = arith.constant 0 : i32
          %dma_wait3A_52 = tpu.memref_slice %arg7[%dma_wait3A, %dma_wait3A_51] : memref<10008x128xf32, #tpu.memory_space<vmem_shared>> -> memref<520x128xf32, #tpu.memory_space<vmem_shared>>
          %dma_wait3A_53 = arith.constant 9480 : i32
          %dma_wait3A_54 = arith.constant 0 : i32
          %dma_wait3A_55 = tpu.memref_slice %arg5[%dma_wait3A_53, %dma_wait3A_54] : memref<10000x128xf32, #tpu.memory_space<hbm>> -> memref<520x128xf32, #tpu.memory_space<hbm>>
          tpu.wait_dma2 semaphore(%run_scoped3A_44 : memref<!tpu.dma_semaphore, #tpu.memory_space<semaphore_mem>>) src(%dma_wait3A_55 : memref<520x128xf32, #tpu.memory_space<hbm>>) dst(%dma_wait3A_52 : memref<520x128xf32, #tpu.memory_space<vmem_shared>>)
          tpu.yield
        }) : () -> ()
      } else {
      }
    } else {
    }
    %mul3A = arith.constant 16 : i32
    %mul3A_6 = arith.muli %arg0, %mul3A : i32
    %add3A = arith.addi %mul3A_6, %arg1 : i32
    %run_scoped3A = arith.constant 0 : i32
    "tpu.region"() ({
      %run_scoped3A_35 = tpu.sem_alloc : memref<!tpu.dma_semaphore, #tpu.memory_space<semaphore_mem>>
      %dma_start3A_36 = arith.constant 0 : i32
      %dma_start3A_37 = arith.constant 0 : i32
      %dma_start3A_38 = tpu.memref_slice %arg8[%run_scoped3A, %dma_start3A_36, %dma_start3A_37] : memref<2x16x128xi32, #tpu.memory_space<vmem>> -> memref<1x16x128xi32, #tpu.memory_space<vmem>>
      %dma_start3A_39 = tpu.memref_squeeze %dma_start3A_38 : memref<1x16x128xi32, #tpu.memory_space<vmem>> -> memref<16x128xi32, #tpu.memory_space<vmem>>
      %dma_start3A_40 = arith.constant 0 : i32
      %dma_start3A_41 = arith.constant 0 : i32
      %dma_start3A_42 = tpu.memref_slice %arg3[%add3A, %dma_start3A_40, %dma_start3A_41] : memref<32x80x128xi32, #tpu.memory_space<hbm>> -> memref<1x80x128xi32, #tpu.memory_space<hbm>>
      %dma_start3A_43 = tpu.memref_squeeze %dma_start3A_42 : memref<1x80x128xi32, #tpu.memory_space<hbm>> -> memref<80x128xi32, #tpu.memory_space<hbm>>
      %dma_start3A_44 = arith.constant 0 : i32
      %dma_start3A_45 = arith.constant 0 : i32
      %dma_start3A_46 = tpu.memref_slice %dma_start3A_43[%dma_start3A_44, %dma_start3A_45] : memref<80x128xi32, #tpu.memory_space<hbm>> -> memref<16x128xi32, #tpu.memory_space<hbm>>
      %dma_start3A_47 = arith.constant 0 : i32
      %dma_start3A_48 = arith.constant 0 : i32
      %dma_start3A_49 = tpu.memref_slice %arg8[%run_scoped3A, %dma_start3A_47, %dma_start3A_48] : memref<2x16x128xi32, #tpu.memory_space<vmem>> -> memref<1x16x128xi32, #tpu.memory_space<vmem>>
      %dma_start3A_50 = tpu.memref_squeeze %dma_start3A_49 : memref<1x16x128xi32, #tpu.memory_space<vmem>> -> memref<16x128xi32, #tpu.memory_space<vmem>>
      %dma_start3A_51 = arith.constant 0 : i32
      %dma_start3A_52 = arith.constant 0 : i32
      %dma_start3A_53 = tpu.memref_slice %arg3[%add3A, %dma_start3A_51, %dma_start3A_52] : memref<32x80x128xi32, #tpu.memory_space<hbm>> -> memref<1x80x128xi32, #tpu.memory_space<hbm>>
      %dma_start3A_54 = tpu.memref_squeeze %dma_start3A_53 : memref<1x80x128xi32, #tpu.memory_space<hbm>> -> memref<80x128xi32, #tpu.memory_space<hbm>>
      %dma_start3A_55 = arith.constant 0 : i32
      %dma_start3A_56 = arith.constant 0 : i32
      %dma_start3A_57 = tpu.memref_slice %dma_start3A_54[%dma_start3A_55, %dma_start3A_56] : memref<80x128xi32, #tpu.memory_space<hbm>> -> memref<16x128xi32, #tpu.memory_space<hbm>>
      tpu.enqueue_dma source(%dma_start3A_57 : memref<16x128xi32, #tpu.memory_space<hbm>>) target(%dma_start3A_50 : memref<16x128xi32, #tpu.memory_space<vmem>>) target_semaphore(%run_scoped3A_35 : memref<!tpu.dma_semaphore, #tpu.memory_space<semaphore_mem>>)
      %dma_wait3A = arith.constant 0 : i32
      %dma_wait3A_58 = arith.constant 0 : i32
      %dma_wait3A_59 = tpu.memref_slice %arg8[%run_scoped3A, %dma_wait3A, %dma_wait3A_58] : memref<2x16x128xi32, #tpu.memory_space<vmem>> -> memref<1x16x128xi32, #tpu.memory_space<vmem>>
      %dma_wait3A_60 = tpu.memref_squeeze %dma_wait3A_59 : memref<1x16x128xi32, #tpu.memory_space<vmem>> -> memref<16x128xi32, #tpu.memory_space<vmem>>
      %dma_wait3A_61 = arith.constant 0 : i32
      %dma_wait3A_62 = arith.constant 0 : i32
      %dma_wait3A_63 = tpu.memref_slice %arg3[%add3A, %dma_wait3A_61, %dma_wait3A_62] : memref<32x80x128xi32, #tpu.memory_space<hbm>> -> memref<1x80x128xi32, #tpu.memory_space<hbm>>
      %dma_wait3A_64 = tpu.memref_squeeze %dma_wait3A_63 : memref<1x80x128xi32, #tpu.memory_space<hbm>> -> memref<80x128xi32, #tpu.memory_space<hbm>>
      %dma_wait3A_65 = arith.constant 0 : i32
      %dma_wait3A_66 = arith.constant 0 : i32
      %dma_wait3A_67 = tpu.memref_slice %dma_wait3A_64[%dma_wait3A_65, %dma_wait3A_66] : memref<80x128xi32, #tpu.memory_space<hbm>> -> memref<16x128xi32, #tpu.memory_space<hbm>>
      %dma_wait3A_68 = arith.constant 0 : i32
      %dma_wait3A_69 = arith.constant 0 : i32
      %dma_wait3A_70 = tpu.memref_slice %arg8[%run_scoped3A, %dma_wait3A_68, %dma_wait3A_69] : memref<2x16x128xi32, #tpu.memory_space<vmem>> -> memref<1x16x128xi32, #tpu.memory_space<vmem>>
      %dma_wait3A_71 = tpu.memref_squeeze %dma_wait3A_70 : memref<1x16x128xi32, #tpu.memory_space<vmem>> -> memref<16x128xi32, #tpu.memory_space<vmem>>
      %dma_wait3A_72 = arith.constant 0 : i32
      %dma_wait3A_73 = arith.constant 0 : i32
      %dma_wait3A_74 = tpu.memref_slice %arg3[%add3A, %dma_wait3A_72, %dma_wait3A_73] : memref<32x80x128xi32, #tpu.memory_space<hbm>> -> memref<1x80x128xi32, #tpu.memory_space<hbm>>
      %dma_wait3A_75 = tpu.memref_squeeze %dma_wait3A_74 : memref<1x80x128xi32, #tpu.memory_space<hbm>> -> memref<80x128xi32, #tpu.memory_space<hbm>>
      %dma_wait3A_76 = arith.constant 0 : i32
      %dma_wait3A_77 = arith.constant 0 : i32
      %dma_wait3A_78 = tpu.memref_slice %dma_wait3A_75[%dma_wait3A_76, %dma_wait3A_77] : memref<80x128xi32, #tpu.memory_space<hbm>> -> memref<16x128xi32, #tpu.memory_space<hbm>>
      tpu.wait_dma2 semaphore(%run_scoped3A_35 : memref<!tpu.dma_semaphore, #tpu.memory_space<semaphore_mem>>) src(%dma_wait3A_78 : memref<16x128xi32, #tpu.memory_space<hbm>>) dst(%dma_wait3A_71 : memref<16x128xi32, #tpu.memory_space<vmem>>)
      tpu.yield
    }) : () -> ()
    %run_scoped3A_7 = arith.constant 0 : i32
    "tpu.region"() ({
      %run_scoped3A_35 = tpu.sem_alloc : memref<!tpu.dma_semaphore, #tpu.memory_space<semaphore_mem>>
      %dma_start3A_36 = arith.constant 0 : i32
      %dma_start3A_37 = arith.constant 0 : i32
      %dma_start3A_38 = tpu.memref_slice %arg9[%run_scoped3A_7, %dma_start3A_36, %dma_start3A_37] : memref<2x16x128xi32, #tpu.memory_space<vmem>> -> memref<1x16x128xi32, #tpu.memory_space<vmem>>
      %dma_start3A_39 = tpu.memref_squeeze %dma_start3A_38 : memref<1x16x128xi32, #tpu.memory_space<vmem>> -> memref<16x128xi32, #tpu.memory_space<vmem>>
      %dma_start3A_40 = arith.constant 0 : i32
      %dma_start3A_41 = arith.constant 0 : i32
      %dma_start3A_42 = tpu.memref_slice %arg4[%add3A, %dma_start3A_40, %dma_start3A_41] : memref<32x80x128xi32, #tpu.memory_space<hbm>> -> memref<1x80x128xi32, #tpu.memory_space<hbm>>
      %dma_start3A_43 = tpu.memref_squeeze %dma_start3A_42 : memref<1x80x128xi32, #tpu.memory_space<hbm>> -> memref<80x128xi32, #tpu.memory_space<hbm>>
      %dma_start3A_44 = arith.constant 0 : i32
      %dma_start3A_45 = arith.constant 0 : i32
      %dma_start3A_46 = tpu.memref_slice %dma_start3A_43[%dma_start3A_44, %dma_start3A_45] : memref<80x128xi32, #tpu.memory_space<hbm>> -> memref<16x128xi32, #tpu.memory_space<hbm>>
      %dma_start3A_47 = arith.constant 0 : i32
      %dma_start3A_48 = arith.constant 0 : i32
      %dma_start3A_49 = tpu.memref_slice %arg9[%run_scoped3A_7, %dma_start3A_47, %dma_start3A_48] : memref<2x16x128xi32, #tpu.memory_space<vmem>> -> memref<1x16x128xi32, #tpu.memory_space<vmem>>
      %dma_start3A_50 = tpu.memref_squeeze %dma_start3A_49 : memref<1x16x128xi32, #tpu.memory_space<vmem>> -> memref<16x128xi32, #tpu.memory_space<vmem>>
      %dma_start3A_51 = arith.constant 0 : i32
      %dma_start3A_52 = arith.constant 0 : i32
      %dma_start3A_53 = tpu.memref_slice %arg4[%add3A, %dma_start3A_51, %dma_start3A_52] : memref<32x80x128xi32, #tpu.memory_space<hbm>> -> memref<1x80x128xi32, #tpu.memory_space<hbm>>
      %dma_start3A_54 = tpu.memref_squeeze %dma_start3A_53 : memref<1x80x128xi32, #tpu.memory_space<hbm>> -> memref<80x128xi32, #tpu.memory_space<hbm>>
      %dma_start3A_55 = arith.constant 0 : i32
      %dma_start3A_56 = arith.constant 0 : i32
      %dma_start3A_57 = tpu.memref_slice %dma_start3A_54[%dma_start3A_55, %dma_start3A_56] : memref<80x128xi32, #tpu.memory_space<hbm>> -> memref<16x128xi32, #tpu.memory_space<hbm>>
      tpu.enqueue_dma source(%dma_start3A_57 : memref<16x128xi32, #tpu.memory_space<hbm>>) target(%dma_start3A_50 : memref<16x128xi32, #tpu.memory_space<vmem>>) target_semaphore(%run_scoped3A_35 : memref<!tpu.dma_semaphore, #tpu.memory_space<semaphore_mem>>)
      %dma_wait3A = arith.constant 0 : i32
      %dma_wait3A_58 = arith.constant 0 : i32
      %dma_wait3A_59 = tpu.memref_slice %arg9[%run_scoped3A_7, %dma_wait3A, %dma_wait3A_58] : memref<2x16x128xi32, #tpu.memory_space<vmem>> -> memref<1x16x128xi32, #tpu.memory_space<vmem>>
      %dma_wait3A_60 = tpu.memref_squeeze %dma_wait3A_59 : memref<1x16x128xi32, #tpu.memory_space<vmem>> -> memref<16x128xi32, #tpu.memory_space<vmem>>
      %dma_wait3A_61 = arith.constant 0 : i32
      %dma_wait3A_62 = arith.constant 0 : i32
      %dma_wait3A_63 = tpu.memref_slice %arg4[%add3A, %dma_wait3A_61, %dma_wait3A_62] : memref<32x80x128xi32, #tpu.memory_space<hbm>> -> memref<1x80x128xi32, #tpu.memory_space<hbm>>
      %dma_wait3A_64 = tpu.memref_squeeze %dma_wait3A_63 : memref<1x80x128xi32, #tpu.memory_space<hbm>> -> memref<80x128xi32, #tpu.memory_space<hbm>>
      %dma_wait3A_65 = arith.constant 0 : i32
      %dma_wait3A_66 = arith.constant 0 : i32
      %dma_wait3A_67 = tpu.memref_slice %dma_wait3A_64[%dma_wait3A_65, %dma_wait3A_66] : memref<80x128xi32, #tpu.memory_space<hbm>> -> memref<16x128xi32, #tpu.memory_space<hbm>>
      %dma_wait3A_68 = arith.constant 0 : i32
      %dma_wait3A_69 = arith.constant 0 : i32
      %dma_wait3A_70 = tpu.memref_slice %arg9[%run_scoped3A_7, %dma_wait3A_68, %dma_wait3A_69] : memref<2x16x128xi32, #tpu.memory_space<vmem>> -> memref<1x16x128xi32, #tpu.memory_space<vmem>>
      %dma_wait3A_71 = tpu.memref_squeeze %dma_wait3A_70 : memref<1x16x128xi32, #tpu.memory_space<vmem>> -> memref<16x128xi32, #tpu.memory_space<vmem>>
      %dma_wait3A_72 = arith.constant 0 : i32
      %dma_wait3A_73 = arith.constant 0 : i32
      %dma_wait3A_74 = tpu.memref_slice %arg4[%add3A, %dma_wait3A_72, %dma_wait3A_73] : memref<32x80x128xi32, #tpu.memory_space<hbm>> -> memref<1x80x128xi32, #tpu.memory_space<hbm>>
      %dma_wait3A_75 = tpu.memref_squeeze %dma_wait3A_74 : memref<1x80x128xi32, #tpu.memory_space<hbm>> -> memref<80x128xi32, #tpu.memory_space<hbm>>
      %dma_wait3A_76 = arith.constant 0 : i32
      %dma_wait3A_77 = arith.constant 0 : i32
      %dma_wait3A_78 = tpu.memref_slice %dma_wait3A_75[%dma_wait3A_76, %dma_wait3A_77] : memref<80x128xi32, #tpu.memory_space<hbm>> -> memref<16x128xi32, #tpu.memory_space<hbm>>
      tpu.wait_dma2 semaphore(%run_scoped3A_35 : memref<!tpu.dma_semaphore, #tpu.memory_space<semaphore_mem>>) src(%dma_wait3A_78 : memref<16x128xi32, #tpu.memory_space<hbm>>) dst(%dma_wait3A_71 : memref<16x128xi32, #tpu.memory_space<vmem>>)
      tpu.yield
    }) : () -> ()
    %barrier3A = arith.constant 0 : index
    tpu.barrier barrier_id(%barrier3A)
    %dma_start3A = arith.constant 0 : i32
    %dma_start3A_8 = arith.constant 0 : i32
    %dma_start3A_9 = arith.constant 0 : i32
    %dma_start3A_10 = arith.constant 0 : i32
    %dma_start3A_11 = tpu.memref_slice %arg8[%dma_start3A, %dma_start3A_9, %dma_start3A_10] : memref<2x16x128xi32, #tpu.memory_space<vmem>> -> memref<1x16x128xi32, #tpu.memory_space<vmem>>
    %dma_start3A_12 = tpu.memref_squeeze %dma_start3A_11 : memref<1x16x128xi32, #tpu.memory_space<vmem>> -> memref<16x128xi32, #tpu.memory_space<vmem>>
    %dma_start3A_13 = arith.constant 0 : i32
    %dma_start3A_14 = tpu.memref_slice %dma_start3A_12[%dma_start3A_8, %dma_start3A_13] : memref<16x128xi32, #tpu.memory_space<vmem>> -> memref<1x128xi32, #tpu.memory_space<vmem>>
    %dma_start3A_15 = tpu.memref_squeeze %dma_start3A_14 : memref<1x128xi32, #tpu.memory_space<vmem>> -> memref<128xi32, #tpu.memory_space<vmem>>
    %dma_start3A_16 = arith.constant 0 : i32
    %dma_start3A_17 = arith.constant 0 : i32
    %dma_start3A_18 = tpu.memref_slice %arg2[%dma_start3A_16, %dma_start3A_17] : memref<10000x128xf32, #tpu.memory_space<hbm>> -> memref<10000x128xf32, #tpu.memory_space<hbm>>
    tpu.enqueue_indirect_dma source(%dma_start3A_18 : memref<10000x128xf32, #tpu.memory_space<hbm>>) target(%arg10 : memref<128x128xf32, #tpu.memory_space<vmem>>) offsets(%dma_start3A_15 : memref<128xi32, #tpu.memory_space<vmem>>) semaphore(%arg12 : memref<!tpu.dma_semaphore, #tpu.memory_space<semaphore_mem>>)
    %scan3A = arith.constant 0 : i32
    %scan3A_19 = arith.constant 0 : i32
    %scan3A_20 = arith.constant 40 : i32
    %scan3A_21 = arith.addi %scan3A_19, %scan3A_20 : i32
    %scan3A_22 = arith.constant 1 : i32
    scf.for %scan3A_35 = %scan3A_19 to %scan3A_21 step %scan3A_22  : i32 {
      %mul3A_36 = arith.constant 2 : i32
      %mul3A_37 = arith.muli %scan3A_35, %mul3A_36 : i32
      %jit3A = arith.constant 16 : i32
      %div3A = arith.divsi %mul3A_37, %jit3A : i32
      %sign3A = arith.constant 0 : i32
      %sign3A_38 = arith.cmpi sgt, %mul3A_37, %sign3A : i32
      %sign3A_39 = arith.extui %sign3A_38 : i1 to i32
      %sign3A_40 = arith.constant 0 : i32
      %sign3A_41 = arith.cmpi slt, %mul3A_37, %sign3A_40 : i32
      %sign3A_42 = arith.extui %sign3A_41 : i1 to i32
      %sign3A_43 = arith.subi %sign3A_39, %sign3A_42 : i32
      %sign3A_44 = arith.constant 0 : i32
      %sign3A_45 = arith.cmpi sgt, %jit3A, %sign3A_44 : i32
      %sign3A_46 = arith.extui %sign3A_45 : i1 to i32
      %sign3A_47 = arith.constant 0 : i32
      %sign3A_48 = arith.cmpi slt, %jit3A, %sign3A_47 : i32
      %sign3A_49 = arith.extui %sign3A_48 : i1 to i32
      %sign3A_50 = arith.subi %sign3A_46, %sign3A_49 : i32
      %ne3A = arith.cmpi ne, %sign3A_43, %sign3A_50 : i32
      %rem3A = arith.remsi %mul3A_37, %jit3A : i32
      %ne3A_51 = arith.constant 0 : i32
      %ne3A_52 = arith.cmpi ne, %rem3A, %ne3A_51 : i32
      %and3A = arith.andi %ne3A, %ne3A_52 : i1
      %sub3A = arith.constant 1 : i32
      %sub3A_53 = arith.subi %div3A, %sub3A : i32
      %select_n3A = arith.select %and3A, %sub3A_53, %div3A : i32
      %jit3A_54 = arith.constant 16 : i32
      %eq3A_55 = arith.constant 0 : i32
      %eq3A_56 = arith.cmpi eq, %jit3A_54, %eq3A_55 : i32
      %jit3A_57 = arith.constant 1 : i32
      %select_n3A_58 = arith.select %eq3A_56, %jit3A_57, %jit3A_54 : i32
      %rem3A_59 = arith.remsi %mul3A_37, %select_n3A_58 : i32
      %ne3A_60 = arith.constant 0 : i32
      %ne3A_61 = arith.cmpi ne, %rem3A_59, %ne3A_60 : i32
      %lt3A_62 = arith.constant 0 : i32
      %lt3A_63 = arith.cmpi slt, %rem3A_59, %lt3A_62 : i32
      %lt3A_64 = arith.constant 0 : i32
      %lt3A_65 = arith.cmpi slt, %select_n3A_58, %lt3A_64 : i32
      %ne3A_66 = arith.xori %lt3A_63, %lt3A_65 : i1
      %and3A_67 = arith.andi %ne3A_66, %ne3A_61 : i1
      %add3A_68 = arith.addi %rem3A_59, %select_n3A_58 : i32
      %select_n3A_69 = arith.select %and3A_67, %add3A_68, %rem3A_59 : i32
      %eq3A_70 = arith.constant 0 : i32
      %eq3A_71 = arith.cmpi eq, %select_n3A_69, %eq3A_70 : i32
      %add3A_72 = arith.constant 1 : i32
      %add3A_73 = arith.addi %select_n3A, %add3A_72 : i32
      %lt3A_74 = arith.constant 5 : i32
      %lt3A_75 = arith.cmpi slt, %add3A_73, %lt3A_74 : i32
      %and3A_76 = arith.andi %eq3A_71, %lt3A_75 : i1
      %convert_element_type3A_77 = arith.extui %and3A_76 : i1 to i32
      %cond3A_78 = arith.constant 0 : i32
      %cond3A_79 = arith.cmpi ne, %convert_element_type3A_77, %cond3A_78 : i32
      scf.if %cond3A_79 {
        %add3A_410 = arith.constant 1 : i32
        %add3A_411 = arith.addi %select_n3A, %add3A_410 : i32
        %jit3A_412 = arith.constant 2 : i32
        %eq3A_413 = arith.constant 0 : i32
        %eq3A_414 = arith.cmpi eq, %jit3A_412, %eq3A_413 : i32
        %jit3A_415 = arith.constant 1 : i32
        %select_n3A_416 = arith.select %eq3A_414, %jit3A_415, %jit3A_412 : i32
        %rem3A_417 = arith.remsi %select_n3A, %select_n3A_416 : i32
        %ne3A_418 = arith.constant 0 : i32
        %ne3A_419 = arith.cmpi ne, %rem3A_417, %ne3A_418 : i32
        %lt3A_420 = arith.constant 0 : i32
        %lt3A_421 = arith.cmpi slt, %rem3A_417, %lt3A_420 : i32
        %lt3A_422 = arith.constant 0 : i32
        %lt3A_423 = arith.cmpi slt, %select_n3A_416, %lt3A_422 : i32
        %ne3A_424 = arith.xori %lt3A_421, %lt3A_423 : i1
        %and3A_425 = arith.andi %ne3A_424, %ne3A_419 : i1
        %add3A_426 = arith.addi %rem3A_417, %select_n3A_416 : i32
        %select_n3A_427 = arith.select %and3A_425, %add3A_426, %rem3A_417 : i32
        %sub3A_428 = arith.constant 1 : i32
        %sub3A_429 = arith.subi %sub3A_428, %select_n3A_427 : i32
        %mul3A_430 = arith.constant 16 : i32
        %mul3A_431 = arith.muli %add3A_411, %mul3A_430 : i32
        %dma_start3A_432 = arith.constant 0 : i32
        %dma_start3A_433 = arith.constant 0 : i32
        %dma_start3A_434 = tpu.memref_slice %arg8[%sub3A_429, %dma_start3A_432, %dma_start3A_433] : memref<2x16x128xi32, #tpu.memory_space<vmem>> -> memref<1x16x128xi32, #tpu.memory_space<vmem>>
        %dma_start3A_435 = tpu.memref_squeeze %dma_start3A_434 : memref<1x16x128xi32, #tpu.memory_space<vmem>> -> memref<16x128xi32, #tpu.memory_space<vmem>>
        %dma_start3A_436 = arith.constant 0 : i32
        %dma_start3A_437 = arith.constant 0 : i32
        %dma_start3A_438 = tpu.memref_slice %arg3[%add3A, %dma_start3A_436, %dma_start3A_437] : memref<32x80x128xi32, #tpu.memory_space<hbm>> -> memref<1x80x128xi32, #tpu.memory_space<hbm>>
        %dma_start3A_439 = tpu.memref_squeeze %dma_start3A_438 : memref<1x80x128xi32, #tpu.memory_space<hbm>> -> memref<80x128xi32, #tpu.memory_space<hbm>>
        %dma_start3A_440 = arith.constant 0 : i32
        %dma_start3A_441 = tpu.memref_slice %dma_start3A_439[%mul3A_431, %dma_start3A_440] : memref<80x128xi32, #tpu.memory_space<hbm>> -> memref<16x128xi32, #tpu.memory_space<hbm>>
        %dma_start3A_442 = arith.constant 0 : i32
        %dma_start3A_443 = arith.constant 0 : i32
        %dma_start3A_444 = tpu.memref_slice %arg8[%sub3A_429, %dma_start3A_442, %dma_start3A_443] : memref<2x16x128xi32, #tpu.memory_space<vmem>> -> memref<1x16x128xi32, #tpu.memory_space<vmem>>
        %dma_start3A_445 = tpu.memref_squeeze %dma_start3A_444 : memref<1x16x128xi32, #tpu.memory_space<vmem>> -> memref<16x128xi32, #tpu.memory_space<vmem>>
        %dma_start3A_446 = arith.constant 0 : i32
        %dma_start3A_447 = arith.constant 0 : i32
        %dma_start3A_448 = tpu.memref_slice %arg3[%add3A, %dma_start3A_446, %dma_start3A_447] : memref<32x80x128xi32, #tpu.memory_space<hbm>> -> memref<1x80x128xi32, #tpu.memory_space<hbm>>
        %dma_start3A_449 = tpu.memref_squeeze %dma_start3A_448 : memref<1x80x128xi32, #tpu.memory_space<hbm>> -> memref<80x128xi32, #tpu.memory_space<hbm>>
        %dma_start3A_450 = arith.constant 0 : i32
        %dma_start3A_451 = tpu.memref_slice %dma_start3A_449[%mul3A_431, %dma_start3A_450] : memref<80x128xi32, #tpu.memory_space<hbm>> -> memref<16x128xi32, #tpu.memory_space<hbm>>
        tpu.enqueue_dma source(%dma_start3A_451 : memref<16x128xi32, #tpu.memory_space<hbm>>) target(%dma_start3A_445 : memref<16x128xi32, #tpu.memory_space<vmem>>) target_semaphore(%arg14 : memref<!tpu.dma_semaphore, #tpu.memory_space<semaphore_mem>>)
        %mul3A_452 = arith.constant 16 : i32
        %mul3A_453 = arith.muli %add3A_411, %mul3A_452 : i32
        %dma_start3A_454 = arith.constant 0 : i32
        %dma_start3A_455 = arith.constant 0 : i32
        %dma_start3A_456 = tpu.memref_slice %arg9[%sub3A_429, %dma_start3A_454, %dma_start3A_455] : memref<2x16x128xi32, #tpu.memory_space<vmem>> -> memref<1x16x128xi32, #tpu.memory_space<vmem>>
        %dma_start3A_457 = tpu.memref_squeeze %dma_start3A_456 : memref<1x16x128xi32, #tpu.memory_space<vmem>> -> memref<16x128xi32, #tpu.memory_space<vmem>>
        %dma_start3A_458 = arith.constant 0 : i32
        %dma_start3A_459 = arith.constant 0 : i32
        %dma_start3A_460 = tpu.memref_slice %arg4[%add3A, %dma_start3A_458, %dma_start3A_459] : memref<32x80x128xi32, #tpu.memory_space<hbm>> -> memref<1x80x128xi32, #tpu.memory_space<hbm>>
        %dma_start3A_461 = tpu.memref_squeeze %dma_start3A_460 : memref<1x80x128xi32, #tpu.memory_space<hbm>> -> memref<80x128xi32, #tpu.memory_space<hbm>>
        %dma_start3A_462 = arith.constant 0 : i32
        %dma_start3A_463 = tpu.memref_slice %dma_start3A_461[%mul3A_453, %dma_start3A_462] : memref<80x128xi32, #tpu.memory_space<hbm>> -> memref<16x128xi32, #tpu.memory_space<hbm>>
        %dma_start3A_464 = arith.constant 0 : i32
        %dma_start3A_465 = arith.constant 0 : i32
        %dma_start3A_466 = tpu.memref_slice %arg9[%sub3A_429, %dma_start3A_464, %dma_start3A_465] : memref<2x16x128xi32, #tpu.memory_space<vmem>> -> memref<1x16x128xi32, #tpu.memory_space<vmem>>
        %dma_start3A_467 = tpu.memref_squeeze %dma_start3A_466 : memref<1x16x128xi32, #tpu.memory_space<vmem>> -> memref<16x128xi32, #tpu.memory_space<vmem>>
        %dma_start3A_468 = arith.constant 0 : i32
        %dma_start3A_469 = arith.constant 0 : i32
        %dma_start3A_470 = tpu.memref_slice %arg4[%add3A, %dma_start3A_468, %dma_start3A_469] : memref<32x80x128xi32, #tpu.memory_space<hbm>> -> memref<1x80x128xi32, #tpu.memory_space<hbm>>
        %dma_start3A_471 = tpu.memref_squeeze %dma_start3A_470 : memref<1x80x128xi32, #tpu.memory_space<hbm>> -> memref<80x128xi32, #tpu.memory_space<hbm>>
        %dma_start3A_472 = arith.constant 0 : i32
        %dma_start3A_473 = tpu.memref_slice %dma_start3A_471[%mul3A_453, %dma_start3A_472] : memref<80x128xi32, #tpu.memory_space<hbm>> -> memref<16x128xi32, #tpu.memory_space<hbm>>
        tpu.enqueue_dma source(%dma_start3A_473 : memref<16x128xi32, #tpu.memory_space<hbm>>) target(%dma_start3A_467 : memref<16x128xi32, #tpu.memory_space<vmem>>) target_semaphore(%arg14 : memref<!tpu.dma_semaphore, #tpu.memory_space<semaphore_mem>>)
      } else {
      }
      %eq3A_80 = arith.constant 14 : i32
      %eq3A_81 = arith.cmpi eq, %select_n3A_69, %eq3A_80 : i32
      %add3A_82 = arith.constant 2 : i32
      %add3A_83 = arith.addi %mul3A_37, %add3A_82 : i32
      %lt3A_84 = arith.constant 80 : i32
      %lt3A_85 = arith.cmpi slt, %add3A_83, %lt3A_84 : i32
      %and3A_86 = arith.andi %eq3A_81, %lt3A_85 : i1
      %convert_element_type3A_87 = arith.extui %and3A_86 : i1 to i32
      %cond3A_88 = arith.constant 0 : i32
      %cond3A_89 = arith.cmpi ne, %convert_element_type3A_87, %cond3A_88 : i32
      scf.if %cond3A_89 {
        %add3A_410 = arith.constant 1 : i32
        %add3A_411 = arith.addi %select_n3A, %add3A_410 : i32
        %jit3A_412 = arith.constant 2 : i32
        %eq3A_413 = arith.constant 0 : i32
        %eq3A_414 = arith.cmpi eq, %jit3A_412, %eq3A_413 : i32
        %jit3A_415 = arith.constant 1 : i32
        %select_n3A_416 = arith.select %eq3A_414, %jit3A_415, %jit3A_412 : i32
        %rem3A_417 = arith.remsi %select_n3A, %select_n3A_416 : i32
        %ne3A_418 = arith.constant 0 : i32
        %ne3A_419 = arith.cmpi ne, %rem3A_417, %ne3A_418 : i32
        %lt3A_420 = arith.constant 0 : i32
        %lt3A_421 = arith.cmpi slt, %rem3A_417, %lt3A_420 : i32
        %lt3A_422 = arith.constant 0 : i32
        %lt3A_423 = arith.cmpi slt, %select_n3A_416, %lt3A_422 : i32
        %ne3A_424 = arith.xori %lt3A_421, %lt3A_423 : i1
        %and3A_425 = arith.andi %ne3A_424, %ne3A_419 : i1
        %add3A_426 = arith.addi %rem3A_417, %select_n3A_416 : i32
        %select_n3A_427 = arith.select %and3A_425, %add3A_426, %rem3A_417 : i32
        %sub3A_428 = arith.constant 1 : i32
        %sub3A_429 = arith.subi %sub3A_428, %select_n3A_427 : i32
        %mul3A_430 = arith.constant 16 : i32
        %mul3A_431 = arith.muli %add3A_411, %mul3A_430 : i32
        %mul3A_432 = arith.constant 16 : i32
        %mul3A_433 = arith.muli %add3A_411, %mul3A_432 : i32
        %dma_wait3A_434 = arith.constant 0 : i32
        %dma_wait3A_435 = arith.constant 0 : i32
        %dma_wait3A_436 = tpu.memref_slice %arg8[%sub3A_429, %dma_wait3A_434, %dma_wait3A_435] : memref<2x16x128xi32, #tpu.memory_space<vmem>> -> memref<1x16x128xi32, #tpu.memory_space<vmem>>
        %dma_wait3A_437 = tpu.memref_squeeze %dma_wait3A_436 : memref<1x16x128xi32, #tpu.memory_space<vmem>> -> memref<16x128xi32, #tpu.memory_space<vmem>>
        %dma_wait3A_438 = arith.constant 0 : i32
        %dma_wait3A_439 = arith.constant 0 : i32
        %dma_wait3A_440 = tpu.memref_slice %arg3[%add3A, %dma_wait3A_438, %dma_wait3A_439] : memref<32x80x128xi32, #tpu.memory_space<hbm>> -> memref<1x80x128xi32, #tpu.memory_space<hbm>>
        %dma_wait3A_441 = tpu.memref_squeeze %dma_wait3A_440 : memref<1x80x128xi32, #tpu.memory_space<hbm>> -> memref<80x128xi32, #tpu.memory_space<hbm>>
        %dma_wait3A_442 = arith.constant 0 : i32
        %dma_wait3A_443 = tpu.memref_slice %dma_wait3A_441[%mul3A_431, %dma_wait3A_442] : memref<80x128xi32, #tpu.memory_space<hbm>> -> memref<16x128xi32, #tpu.memory_space<hbm>>
        %dma_wait3A_444 = arith.constant 0 : i32
        %dma_wait3A_445 = arith.constant 0 : i32
        %dma_wait3A_446 = tpu.memref_slice %arg8[%sub3A_429, %dma_wait3A_444, %dma_wait3A_445] : memref<2x16x128xi32, #tpu.memory_space<vmem>> -> memref<1x16x128xi32, #tpu.memory_space<vmem>>
        %dma_wait3A_447 = tpu.memref_squeeze %dma_wait3A_446 : memref<1x16x128xi32, #tpu.memory_space<vmem>> -> memref<16x128xi32, #tpu.memory_space<vmem>>
        %dma_wait3A_448 = arith.constant 0 : i32
        %dma_wait3A_449 = arith.constant 0 : i32
        %dma_wait3A_450 = tpu.memref_slice %arg3[%add3A, %dma_wait3A_448, %dma_wait3A_449] : memref<32x80x128xi32, #tpu.memory_space<hbm>> -> memref<1x80x128xi32, #tpu.memory_space<hbm>>
        %dma_wait3A_451 = tpu.memref_squeeze %dma_wait3A_450 : memref<1x80x128xi32, #tpu.memory_space<hbm>> -> memref<80x128xi32, #tpu.memory_space<hbm>>
        %dma_wait3A_452 = arith.constant 0 : i32
        %dma_wait3A_453 = tpu.memref_slice %dma_wait3A_451[%mul3A_431, %dma_wait3A_452] : memref<80x128xi32, #tpu.memory_space<hbm>> -> memref<16x128xi32, #tpu.memory_space<hbm>>
        tpu.wait_dma2 semaphore(%arg14 : memref<!tpu.dma_semaphore, #tpu.memory_space<semaphore_mem>>) src(%dma_wait3A_453 : memref<16x128xi32, #tpu.memory_space<hbm>>) dst(%dma_wait3A_447 : memref<16x128xi32, #tpu.memory_space<vmem>>)
        %dma_wait3A_454 = arith.constant 0 : i32
        %dma_wait3A_455 = arith.constant 0 : i32
        %dma_wait3A_456 = tpu.memref_slice %arg9[%sub3A_429, %dma_wait3A_454, %dma_wait3A_455] : memref<2x16x128xi32, #tpu.memory_space<vmem>> -> memref<1x16x128xi32, #tpu.memory_space<vmem>>
        %dma_wait3A_457 = tpu.memref_squeeze %dma_wait3A_456 : memref<1x16x128xi32, #tpu.memory_space<vmem>> -> memref<16x128xi32, #tpu.memory_space<vmem>>
        %dma_wait3A_458 = arith.constant 0 : i32
        %dma_wait3A_459 = arith.constant 0 : i32
        %dma_wait3A_460 = tpu.memref_slice %arg4[%add3A, %dma_wait3A_458, %dma_wait3A_459] : memref<32x80x128xi32, #tpu.memory_space<hbm>> -> memref<1x80x128xi32, #tpu.memory_space<hbm>>
        %dma_wait3A_461 = tpu.memref_squeeze %dma_wait3A_460 : memref<1x80x128xi32, #tpu.memory_space<hbm>> -> memref<80x128xi32, #tpu.memory_space<hbm>>
        %dma_wait3A_462 = arith.constant 0 : i32
        %dma_wait3A_463 = tpu.memref_slice %dma_wait3A_461[%mul3A_433, %dma_wait3A_462] : memref<80x128xi32, #tpu.memory_space<hbm>> -> memref<16x128xi32, #tpu.memory_space<hbm>>
        %dma_wait3A_464 = arith.constant 0 : i32
        %dma_wait3A_465 = arith.constant 0 : i32
        %dma_wait3A_466 = tpu.memref_slice %arg9[%sub3A_429, %dma_wait3A_464, %dma_wait3A_465] : memref<2x16x128xi32, #tpu.memory_space<vmem>> -> memref<1x16x128xi32, #tpu.memory_space<vmem>>
        %dma_wait3A_467 = tpu.memref_squeeze %dma_wait3A_466 : memref<1x16x128xi32, #tpu.memory_space<vmem>> -> memref<16x128xi32, #tpu.memory_space<vmem>>
        %dma_wait3A_468 = arith.constant 0 : i32
        %dma_wait3A_469 = arith.constant 0 : i32
        %dma_wait3A_470 = tpu.memref_slice %arg4[%add3A, %dma_wait3A_468, %dma_wait3A_469] : memref<32x80x128xi32, #tpu.memory_space<hbm>> -> memref<1x80x128xi32, #tpu.memory_space<hbm>>
        %dma_wait3A_471 = tpu.memref_squeeze %dma_wait3A_470 : memref<1x80x128xi32, #tpu.memory_space<hbm>> -> memref<80x128xi32, #tpu.memory_space<hbm>>
        %dma_wait3A_472 = arith.constant 0 : i32
        %dma_wait3A_473 = tpu.memref_slice %dma_wait3A_471[%mul3A_433, %dma_wait3A_472] : memref<80x128xi32, #tpu.memory_space<hbm>> -> memref<16x128xi32, #tpu.memory_space<hbm>>
        tpu.wait_dma2 semaphore(%arg14 : memref<!tpu.dma_semaphore, #tpu.memory_space<semaphore_mem>>) src(%dma_wait3A_473 : memref<16x128xi32, #tpu.memory_space<hbm>>) dst(%dma_wait3A_467 : memref<16x128xi32, #tpu.memory_space<vmem>>)
      } else {
      }
      %add3A_90 = arith.constant 1 : i32
      %add3A_91 = arith.addi %mul3A_37, %add3A_90 : i32
      %jit3A_92 = arith.constant 16 : i32
      %div3A_93 = arith.divsi %add3A_91, %jit3A_92 : i32
      %sign3A_94 = arith.constant 0 : i32
      %sign3A_95 = arith.cmpi sgt, %add3A_91, %sign3A_94 : i32
      %sign3A_96 = arith.extui %sign3A_95 : i1 to i32
      %sign3A_97 = arith.constant 0 : i32
      %sign3A_98 = arith.cmpi slt, %add3A_91, %sign3A_97 : i32
      %sign3A_99 = arith.extui %sign3A_98 : i1 to i32
      %sign3A_100 = arith.subi %sign3A_96, %sign3A_99 : i32
      %sign3A_101 = arith.constant 0 : i32
      %sign3A_102 = arith.cmpi sgt, %jit3A_92, %sign3A_101 : i32
      %sign3A_103 = arith.extui %sign3A_102 : i1 to i32
      %sign3A_104 = arith.constant 0 : i32
      %sign3A_105 = arith.cmpi slt, %jit3A_92, %sign3A_104 : i32
      %sign3A_106 = arith.extui %sign3A_105 : i1 to i32
      %sign3A_107 = arith.subi %sign3A_103, %sign3A_106 : i32
      %ne3A_108 = arith.cmpi ne, %sign3A_100, %sign3A_107 : i32
      %rem3A_109 = arith.remsi %add3A_91, %jit3A_92 : i32
      %ne3A_110 = arith.constant 0 : i32
      %ne3A_111 = arith.cmpi ne, %rem3A_109, %ne3A_110 : i32
      %and3A_112 = arith.andi %ne3A_108, %ne3A_111 : i1
      %sub3A_113 = arith.constant 1 : i32
      %sub3A_114 = arith.subi %div3A_93, %sub3A_113 : i32
      %select_n3A_115 = arith.select %and3A_112, %sub3A_114, %div3A_93 : i32
      %jit3A_116 = arith.constant 2 : i32
      %eq3A_117 = arith.constant 0 : i32
      %eq3A_118 = arith.cmpi eq, %jit3A_116, %eq3A_117 : i32
      %jit3A_119 = arith.constant 1 : i32
      %select_n3A_120 = arith.select %eq3A_118, %jit3A_119, %jit3A_116 : i32
      %rem3A_121 = arith.remsi %select_n3A_115, %select_n3A_120 : i32
      %ne3A_122 = arith.constant 0 : i32
      %ne3A_123 = arith.cmpi ne, %rem3A_121, %ne3A_122 : i32
      %lt3A_124 = arith.constant 0 : i32
      %lt3A_125 = arith.cmpi slt, %rem3A_121, %lt3A_124 : i32
      %lt3A_126 = arith.constant 0 : i32
      %lt3A_127 = arith.cmpi slt, %select_n3A_120, %lt3A_126 : i32
      %ne3A_128 = arith.xori %lt3A_125, %lt3A_127 : i1
      %and3A_129 = arith.andi %ne3A_128, %ne3A_123 : i1
      %add3A_130 = arith.addi %rem3A_121, %select_n3A_120 : i32
      %select_n3A_131 = arith.select %and3A_129, %add3A_130, %rem3A_121 : i32
      %jit3A_132 = arith.constant 16 : i32
      %eq3A_133 = arith.constant 0 : i32
      %eq3A_134 = arith.cmpi eq, %jit3A_132, %eq3A_133 : i32
      %jit3A_135 = arith.constant 1 : i32
      %select_n3A_136 = arith.select %eq3A_134, %jit3A_135, %jit3A_132 : i32
      %rem3A_137 = arith.remsi %add3A_91, %select_n3A_136 : i32
      %ne3A_138 = arith.constant 0 : i32
      %ne3A_139 = arith.cmpi ne, %rem3A_137, %ne3A_138 : i32
      %lt3A_140 = arith.constant 0 : i32
      %lt3A_141 = arith.cmpi slt, %rem3A_137, %lt3A_140 : i32
      %lt3A_142 = arith.constant 0 : i32
      %lt3A_143 = arith.cmpi slt, %select_n3A_136, %lt3A_142 : i32
      %ne3A_144 = arith.xori %lt3A_141, %lt3A_143 : i1
      %and3A_145 = arith.andi %ne3A_144, %ne3A_139 : i1
      %add3A_146 = arith.addi %rem3A_137, %select_n3A_136 : i32
      %select_n3A_147 = arith.select %and3A_145, %add3A_146, %rem3A_137 : i32
      %dma_start3A_148 = arith.constant 0 : i32
      %dma_start3A_149 = arith.constant 0 : i32
      %dma_start3A_150 = tpu.memref_slice %arg8[%select_n3A_131, %dma_start3A_148, %dma_start3A_149] : memref<2x16x128xi32, #tpu.memory_space<vmem>> -> memref<1x16x128xi32, #tpu.memory_space<vmem>>
      %dma_start3A_151 = tpu.memref_squeeze %dma_start3A_150 : memref<1x16x128xi32, #tpu.memory_space<vmem>> -> memref<16x128xi32, #tpu.memory_space<vmem>>
      %dma_start3A_152 = arith.constant 0 : i32
      %dma_start3A_153 = tpu.memref_slice %dma_start3A_151[%select_n3A_147, %dma_start3A_152] : memref<16x128xi32, #tpu.memory_space<vmem>> -> memref<1x128xi32, #tpu.memory_space<vmem>>
      %dma_start3A_154 = tpu.memref_squeeze %dma_start3A_153 : memref<1x128xi32, #tpu.memory_space<vmem>> -> memref<128xi32, #tpu.memory_space<vmem>>
      %dma_start3A_155 = arith.constant 0 : i32
      %dma_start3A_156 = arith.constant 0 : i32
      %dma_start3A_157 = tpu.memref_slice %arg2[%dma_start3A_155, %dma_start3A_156] : memref<10000x128xf32, #tpu.memory_space<hbm>> -> memref<10000x128xf32, #tpu.memory_space<hbm>>
      tpu.enqueue_indirect_dma source(%dma_start3A_157 : memref<10000x128xf32, #tpu.memory_space<hbm>>) target(%arg11 : memref<128x128xf32, #tpu.memory_space<vmem>>) offsets(%dma_start3A_154 : memref<128xi32, #tpu.memory_space<vmem>>) semaphore(%arg13 : memref<!tpu.dma_semaphore, #tpu.memory_space<semaphore_mem>>)
      %jit3A_158 = arith.constant 16 : i32
      %div3A_159 = arith.divsi %mul3A_37, %jit3A_158 : i32
      %sign3A_160 = arith.constant 0 : i32
      %sign3A_161 = arith.cmpi sgt, %mul3A_37, %sign3A_160 : i32
      %sign3A_162 = arith.extui %sign3A_161 : i1 to i32
      %sign3A_163 = arith.constant 0 : i32
      %sign3A_164 = arith.cmpi slt, %mul3A_37, %sign3A_163 : i32
      %sign3A_165 = arith.extui %sign3A_164 : i1 to i32
      %sign3A_166 = arith.subi %sign3A_162, %sign3A_165 : i32
      %sign3A_167 = arith.constant 0 : i32
      %sign3A_168 = arith.cmpi sgt, %jit3A_158, %sign3A_167 : i32
      %sign3A_169 = arith.extui %sign3A_168 : i1 to i32
      %sign3A_170 = arith.constant 0 : i32
      %sign3A_171 = arith.cmpi slt, %jit3A_158, %sign3A_170 : i32
      %sign3A_172 = arith.extui %sign3A_171 : i1 to i32
      %sign3A_173 = arith.subi %sign3A_169, %sign3A_172 : i32
      %ne3A_174 = arith.cmpi ne, %sign3A_166, %sign3A_173 : i32
      %rem3A_175 = arith.remsi %mul3A_37, %jit3A_158 : i32
      %ne3A_176 = arith.constant 0 : i32
      %ne3A_177 = arith.cmpi ne, %rem3A_175, %ne3A_176 : i32
      %and3A_178 = arith.andi %ne3A_174, %ne3A_177 : i1
      %sub3A_179 = arith.constant 1 : i32
      %sub3A_180 = arith.subi %div3A_159, %sub3A_179 : i32
      %select_n3A_181 = arith.select %and3A_178, %sub3A_180, %div3A_159 : i32
      %jit3A_182 = arith.constant 2 : i32
      %eq3A_183 = arith.constant 0 : i32
      %eq3A_184 = arith.cmpi eq, %jit3A_182, %eq3A_183 : i32
      %jit3A_185 = arith.constant 1 : i32
      %select_n3A_186 = arith.select %eq3A_184, %jit3A_185, %jit3A_182 : i32
      %rem3A_187 = arith.remsi %select_n3A_181, %select_n3A_186 : i32
      %ne3A_188 = arith.constant 0 : i32
      %ne3A_189 = arith.cmpi ne, %rem3A_187, %ne3A_188 : i32
      %lt3A_190 = arith.constant 0 : i32
      %lt3A_191 = arith.cmpi slt, %rem3A_187, %lt3A_190 : i32
      %lt3A_192 = arith.constant 0 : i32
      %lt3A_193 = arith.cmpi slt, %select_n3A_186, %lt3A_192 : i32
      %ne3A_194 = arith.xori %lt3A_191, %lt3A_193 : i1
      %and3A_195 = arith.andi %ne3A_194, %ne3A_189 : i1
      %add3A_196 = arith.addi %rem3A_187, %select_n3A_186 : i32
      %select_n3A_197 = arith.select %and3A_195, %add3A_196, %rem3A_187 : i32
      %jit3A_198 = arith.constant 16 : i32
      %eq3A_199 = arith.constant 0 : i32
      %eq3A_200 = arith.cmpi eq, %jit3A_198, %eq3A_199 : i32
      %jit3A_201 = arith.constant 1 : i32
      %select_n3A_202 = arith.select %eq3A_200, %jit3A_201, %jit3A_198 : i32
      %rem3A_203 = arith.remsi %mul3A_37, %select_n3A_202 : i32
      %ne3A_204 = arith.constant 0 : i32
      %ne3A_205 = arith.cmpi ne, %rem3A_203, %ne3A_204 : i32
      %lt3A_206 = arith.constant 0 : i32
      %lt3A_207 = arith.cmpi slt, %rem3A_203, %lt3A_206 : i32
      %lt3A_208 = arith.constant 0 : i32
      %lt3A_209 = arith.cmpi slt, %select_n3A_202, %lt3A_208 : i32
      %ne3A_210 = arith.xori %lt3A_207, %lt3A_209 : i1
      %and3A_211 = arith.andi %ne3A_210, %ne3A_205 : i1
      %add3A_212 = arith.addi %rem3A_203, %select_n3A_202 : i32
      %select_n3A_213 = arith.select %and3A_211, %add3A_212, %rem3A_203 : i32
      %jit3A_214 = arith.constant 16 : i32
      %div3A_215 = arith.divsi %mul3A_37, %jit3A_214 : i32
      %sign3A_216 = arith.constant 0 : i32
      %sign3A_217 = arith.cmpi sgt, %mul3A_37, %sign3A_216 : i32
      %sign3A_218 = arith.extui %sign3A_217 : i1 to i32
      %sign3A_219 = arith.constant 0 : i32
      %sign3A_220 = arith.cmpi slt, %mul3A_37, %sign3A_219 : i32
      %sign3A_221 = arith.extui %sign3A_220 : i1 to i32
      %sign3A_222 = arith.subi %sign3A_218, %sign3A_221 : i32
      %sign3A_223 = arith.constant 0 : i32
      %sign3A_224 = arith.cmpi sgt, %jit3A_214, %sign3A_223 : i32
      %sign3A_225 = arith.extui %sign3A_224 : i1 to i32
      %sign3A_226 = arith.constant 0 : i32
      %sign3A_227 = arith.cmpi slt, %jit3A_214, %sign3A_226 : i32
      %sign3A_228 = arith.extui %sign3A_227 : i1 to i32
      %sign3A_229 = arith.subi %sign3A_225, %sign3A_228 : i32
      %ne3A_230 = arith.cmpi ne, %sign3A_222, %sign3A_229 : i32
      %rem3A_231 = arith.remsi %mul3A_37, %jit3A_214 : i32
      %ne3A_232 = arith.constant 0 : i32
      %ne3A_233 = arith.cmpi ne, %rem3A_231, %ne3A_232 : i32
      %and3A_234 = arith.andi %ne3A_230, %ne3A_233 : i1
      %sub3A_235 = arith.constant 1 : i32
      %sub3A_236 = arith.subi %div3A_215, %sub3A_235 : i32
      %select_n3A_237 = arith.select %and3A_234, %sub3A_236, %div3A_215 : i32
      %jit3A_238 = arith.constant 2 : i32
      %eq3A_239 = arith.constant 0 : i32
      %eq3A_240 = arith.cmpi eq, %jit3A_238, %eq3A_239 : i32
      %jit3A_241 = arith.constant 1 : i32
      %select_n3A_242 = arith.select %eq3A_240, %jit3A_241, %jit3A_238 : i32
      %rem3A_243 = arith.remsi %select_n3A_237, %select_n3A_242 : i32
      %ne3A_244 = arith.constant 0 : i32
      %ne3A_245 = arith.cmpi ne, %rem3A_243, %ne3A_244 : i32
      %lt3A_246 = arith.constant 0 : i32
      %lt3A_247 = arith.cmpi slt, %rem3A_243, %lt3A_246 : i32
      %lt3A_248 = arith.constant 0 : i32
      %lt3A_249 = arith.cmpi slt, %select_n3A_242, %lt3A_248 : i32
      %ne3A_250 = arith.xori %lt3A_247, %lt3A_249 : i1
      %and3A_251 = arith.andi %ne3A_250, %ne3A_245 : i1
      %add3A_252 = arith.addi %rem3A_243, %select_n3A_242 : i32
      %select_n3A_253 = arith.select %and3A_251, %add3A_252, %rem3A_243 : i32
      %jit3A_254 = arith.constant 16 : i32
      %eq3A_255 = arith.constant 0 : i32
      %eq3A_256 = arith.cmpi eq, %jit3A_254, %eq3A_255 : i32
      %jit3A_257 = arith.constant 1 : i32
      %select_n3A_258 = arith.select %eq3A_256, %jit3A_257, %jit3A_254 : i32
      %rem3A_259 = arith.remsi %mul3A_37, %select_n3A_258 : i32
      %ne3A_260 = arith.constant 0 : i32
      %ne3A_261 = arith.cmpi ne, %rem3A_259, %ne3A_260 : i32
      %lt3A_262 = arith.constant 0 : i32
      %lt3A_263 = arith.cmpi slt, %rem3A_259, %lt3A_262 : i32
      %lt3A_264 = arith.constant 0 : i32
      %lt3A_265 = arith.cmpi slt, %select_n3A_258, %lt3A_264 : i32
      %ne3A_266 = arith.xori %lt3A_263, %lt3A_265 : i1
      %and3A_267 = arith.andi %ne3A_266, %ne3A_261 : i1
      %add3A_268 = arith.addi %rem3A_259, %select_n3A_258 : i32
      %select_n3A_269 = arith.select %and3A_267, %add3A_268, %rem3A_259 : i32
      %dma_wait3A = arith.constant 0 : i32
      %dma_wait3A_270 = arith.constant 0 : i32
      %dma_wait3A_271 = tpu.memref_slice %arg8[%select_n3A_197, %dma_wait3A, %dma_wait3A_270] : memref<2x16x128xi32, #tpu.memory_space<vmem>> -> memref<1x16x128xi32, #tpu.memory_space<vmem>>
      %dma_wait3A_272 = tpu.memref_squeeze %dma_wait3A_271 : memref<1x16x128xi32, #tpu.memory_space<vmem>> -> memref<16x128xi32, #tpu.memory_space<vmem>>
      %dma_wait3A_273 = arith.constant 0 : i32
      %dma_wait3A_274 = tpu.memref_slice %dma_wait3A_272[%select_n3A_213, %dma_wait3A_273] : memref<16x128xi32, #tpu.memory_space<vmem>> -> memref<1x128xi32, #tpu.memory_space<vmem>>
      %dma_wait3A_275 = tpu.memref_squeeze %dma_wait3A_274 : memref<1x128xi32, #tpu.memory_space<vmem>> -> memref<128xi32, #tpu.memory_space<vmem>>
      %dma_wait3A_276 = arith.constant 0 : i32
      %dma_wait3A_277 = arith.constant 0 : i32
      %dma_wait3A_278 = tpu.memref_slice %arg2[%dma_wait3A_276, %dma_wait3A_277] : memref<10000x128xf32, #tpu.memory_space<hbm>> -> memref<10000x128xf32, #tpu.memory_space<hbm>>
      tpu.wait_indirect_dma semaphore(%arg12 : memref<!tpu.dma_semaphore, #tpu.memory_space<semaphore_mem>>) src(%dma_wait3A_278 : memref<10000x128xf32, #tpu.memory_space<hbm>>) dst(%arg10 : memref<128x128xf32, #tpu.memory_space<vmem>>)
      "tpu.region"() ({
        %run_scoped3A_410 = tpu.sem_alloc : memref<!tpu.dma_semaphore, #tpu.memory_space<semaphore_mem>>
        %dma_start3A_411 = arith.constant 0 : i32
        %dma_start3A_412 = arith.constant 0 : i32
        %dma_start3A_413 = tpu.memref_slice %arg9[%select_n3A_253, %dma_start3A_411, %dma_start3A_412] : memref<2x16x128xi32, #tpu.memory_space<vmem>> -> memref<1x16x128xi32, #tpu.memory_space<vmem>>
        %dma_start3A_414 = tpu.memref_squeeze %dma_start3A_413 : memref<1x16x128xi32, #tpu.memory_space<vmem>> -> memref<16x128xi32, #tpu.memory_space<vmem>>
        %dma_start3A_415 = arith.constant 0 : i32
        %dma_start3A_416 = tpu.memref_slice %dma_start3A_414[%select_n3A_269, %dma_start3A_415] : memref<16x128xi32, #tpu.memory_space<vmem>> -> memref<1x128xi32, #tpu.memory_space<vmem>>
        %dma_start3A_417 = tpu.memref_squeeze %dma_start3A_416 : memref<1x128xi32, #tpu.memory_space<vmem>> -> memref<128xi32, #tpu.memory_space<vmem>>
        %dma_start3A_418 = arith.constant 0 : i32
        %dma_start3A_419 = arith.constant 0 : i32
        %dma_start3A_420 = tpu.memref_slice %arg7[%dma_start3A_418, %dma_start3A_419] : memref<10008x128xf32, #tpu.memory_space<vmem_shared>> -> memref<10008x128xf32, #tpu.memory_space<vmem_shared>>
        tpu.enqueue_indirect_dma source(%arg10 : memref<128x128xf32, #tpu.memory_space<vmem>>) target(%dma_start3A_420 : memref<10008x128xf32, #tpu.memory_space<vmem_shared>>) offsets(%dma_start3A_417 : memref<128xi32, #tpu.memory_space<vmem>>) semaphore(%run_scoped3A_410 : memref<!tpu.dma_semaphore, #tpu.memory_space<semaphore_mem>>) {add = true}
        %dma_wait3A_421 = arith.constant 0 : i32
        %dma_wait3A_422 = arith.constant 0 : i32
        %dma_wait3A_423 = tpu.memref_slice %arg9[%select_n3A_253, %dma_wait3A_421, %dma_wait3A_422] : memref<2x16x128xi32, #tpu.memory_space<vmem>> -> memref<1x16x128xi32, #tpu.memory_space<vmem>>
        %dma_wait3A_424 = tpu.memref_squeeze %dma_wait3A_423 : memref<1x16x128xi32, #tpu.memory_space<vmem>> -> memref<16x128xi32, #tpu.memory_space<vmem>>
        %dma_wait3A_425 = arith.constant 0 : i32
        %dma_wait3A_426 = tpu.memref_slice %dma_wait3A_424[%select_n3A_269, %dma_wait3A_425] : memref<16x128xi32, #tpu.memory_space<vmem>> -> memref<1x128xi32, #tpu.memory_space<vmem>>
        %dma_wait3A_427 = tpu.memref_squeeze %dma_wait3A_426 : memref<1x128xi32, #tpu.memory_space<vmem>> -> memref<128xi32, #tpu.memory_space<vmem>>
        %dma_wait3A_428 = arith.constant 0 : i32
        %dma_wait3A_429 = arith.constant 0 : i32
        %dma_wait3A_430 = tpu.memref_slice %arg7[%dma_wait3A_428, %dma_wait3A_429] : memref<10008x128xf32, #tpu.memory_space<vmem_shared>> -> memref<10008x128xf32, #tpu.memory_space<vmem_shared>>
        tpu.wait_indirect_dma semaphore(%run_scoped3A_410 : memref<!tpu.dma_semaphore, #tpu.memory_space<semaphore_mem>>) src(%arg10 : memref<128x128xf32, #tpu.memory_space<vmem>>) dst(%dma_wait3A_430 : memref<10008x128xf32, #tpu.memory_space<vmem_shared>>)
        tpu.yield
      }) : () -> ()
      %add3A_279 = arith.constant 2 : i32
      %add3A_280 = arith.addi %mul3A_37, %add3A_279 : i32
      %lt3A_281 = arith.constant 80 : i32
      %lt3A_282 = arith.cmpi slt, %add3A_280, %lt3A_281 : i32
      %convert_element_type3A_283 = arith.extui %lt3A_282 : i1 to i32
      %cond3A_284 = arith.constant 0 : i32
      %cond3A_285 = arith.cmpi ne, %convert_element_type3A_283, %cond3A_284 : i32
      scf.if %cond3A_285 {
        %add3A_410 = arith.constant 2 : i32
        %add3A_411 = arith.addi %mul3A_37, %add3A_410 : i32
        %jit3A_412 = arith.constant 16 : i32
        %div3A_413 = arith.divsi %add3A_411, %jit3A_412 : i32
        %sign3A_414 = arith.constant 0 : i32
        %sign3A_415 = arith.cmpi sgt, %add3A_411, %sign3A_414 : i32
        %sign3A_416 = arith.extui %sign3A_415 : i1 to i32
        %sign3A_417 = arith.constant 0 : i32
        %sign3A_418 = arith.cmpi slt, %add3A_411, %sign3A_417 : i32
        %sign3A_419 = arith.extui %sign3A_418 : i1 to i32
        %sign3A_420 = arith.subi %sign3A_416, %sign3A_419 : i32
        %sign3A_421 = arith.constant 0 : i32
        %sign3A_422 = arith.cmpi sgt, %jit3A_412, %sign3A_421 : i32
        %sign3A_423 = arith.extui %sign3A_422 : i1 to i32
        %sign3A_424 = arith.constant 0 : i32
        %sign3A_425 = arith.cmpi slt, %jit3A_412, %sign3A_424 : i32
        %sign3A_426 = arith.extui %sign3A_425 : i1 to i32
        %sign3A_427 = arith.subi %sign3A_423, %sign3A_426 : i32
        %ne3A_428 = arith.cmpi ne, %sign3A_420, %sign3A_427 : i32
        %rem3A_429 = arith.remsi %add3A_411, %jit3A_412 : i32
        %ne3A_430 = arith.constant 0 : i32
        %ne3A_431 = arith.cmpi ne, %rem3A_429, %ne3A_430 : i32
        %and3A_432 = arith.andi %ne3A_428, %ne3A_431 : i1
        %sub3A_433 = arith.constant 1 : i32
        %sub3A_434 = arith.subi %div3A_413, %sub3A_433 : i32
        %select_n3A_435 = arith.select %and3A_432, %sub3A_434, %div3A_413 : i32
        %jit3A_436 = arith.constant 2 : i32
        %eq3A_437 = arith.constant 0 : i32
        %eq3A_438 = arith.cmpi eq, %jit3A_436, %eq3A_437 : i32
        %jit3A_439 = arith.constant 1 : i32
        %select_n3A_440 = arith.select %eq3A_438, %jit3A_439, %jit3A_436 : i32
        %rem3A_441 = arith.remsi %select_n3A_435, %select_n3A_440 : i32
        %ne3A_442 = arith.constant 0 : i32
        %ne3A_443 = arith.cmpi ne, %rem3A_441, %ne3A_442 : i32
        %lt3A_444 = arith.constant 0 : i32
        %lt3A_445 = arith.cmpi slt, %rem3A_441, %lt3A_444 : i32
        %lt3A_446 = arith.constant 0 : i32
        %lt3A_447 = arith.cmpi slt, %select_n3A_440, %lt3A_446 : i32
        %ne3A_448 = arith.xori %lt3A_445, %lt3A_447 : i1
        %and3A_449 = arith.andi %ne3A_448, %ne3A_443 : i1
        %add3A_450 = arith.addi %rem3A_441, %select_n3A_440 : i32
        %select_n3A_451 = arith.select %and3A_449, %add3A_450, %rem3A_441 : i32
        %jit3A_452 = arith.constant 16 : i32
        %eq3A_453 = arith.constant 0 : i32
        %eq3A_454 = arith.cmpi eq, %jit3A_452, %eq3A_453 : i32
        %jit3A_455 = arith.constant 1 : i32
        %select_n3A_456 = arith.select %eq3A_454, %jit3A_455, %jit3A_452 : i32
        %rem3A_457 = arith.remsi %add3A_411, %select_n3A_456 : i32
        %ne3A_458 = arith.constant 0 : i32
        %ne3A_459 = arith.cmpi ne, %rem3A_457, %ne3A_458 : i32
        %lt3A_460 = arith.constant 0 : i32
        %lt3A_461 = arith.cmpi slt, %rem3A_457, %lt3A_460 : i32
        %lt3A_462 = arith.constant 0 : i32
        %lt3A_463 = arith.cmpi slt, %select_n3A_456, %lt3A_462 : i32
        %ne3A_464 = arith.xori %lt3A_461, %lt3A_463 : i1
        %and3A_465 = arith.andi %ne3A_464, %ne3A_459 : i1
        %add3A_466 = arith.addi %rem3A_457, %select_n3A_456 : i32
        %select_n3A_467 = arith.select %and3A_465, %add3A_466, %rem3A_457 : i32
        %dma_start3A_468 = arith.constant 0 : i32
        %dma_start3A_469 = arith.constant 0 : i32
        %dma_start3A_470 = tpu.memref_slice %arg8[%select_n3A_451, %dma_start3A_468, %dma_start3A_469] : memref<2x16x128xi32, #tpu.memory_space<vmem>> -> memref<1x16x128xi32, #tpu.memory_space<vmem>>
        %dma_start3A_471 = tpu.memref_squeeze %dma_start3A_470 : memref<1x16x128xi32, #tpu.memory_space<vmem>> -> memref<16x128xi32, #tpu.memory_space<vmem>>
        %dma_start3A_472 = arith.constant 0 : i32
        %dma_start3A_473 = tpu.memref_slice %dma_start3A_471[%select_n3A_467, %dma_start3A_472] : memref<16x128xi32, #tpu.memory_space<vmem>> -> memref<1x128xi32, #tpu.memory_space<vmem>>
        %dma_start3A_474 = tpu.memref_squeeze %dma_start3A_473 : memref<1x128xi32, #tpu.memory_space<vmem>> -> memref<128xi32, #tpu.memory_space<vmem>>
        %dma_start3A_475 = arith.constant 0 : i32
        %dma_start3A_476 = arith.constant 0 : i32
        %dma_start3A_477 = tpu.memref_slice %arg2[%dma_start3A_475, %dma_start3A_476] : memref<10000x128xf32, #tpu.memory_space<hbm>> -> memref<10000x128xf32, #tpu.memory_space<hbm>>
        tpu.enqueue_indirect_dma source(%dma_start3A_477 : memref<10000x128xf32, #tpu.memory_space<hbm>>) target(%arg10 : memref<128x128xf32, #tpu.memory_space<vmem>>) offsets(%dma_start3A_474 : memref<128xi32, #tpu.memory_space<vmem>>) semaphore(%arg12 : memref<!tpu.dma_semaphore, #tpu.memory_space<semaphore_mem>>)
      } else {
      }
      %add3A_286 = arith.constant 1 : i32
      %add3A_287 = arith.addi %mul3A_37, %add3A_286 : i32
      %jit3A_288 = arith.constant 16 : i32
      %div3A_289 = arith.divsi %add3A_287, %jit3A_288 : i32
      %sign3A_290 = arith.constant 0 : i32
      %sign3A_291 = arith.cmpi sgt, %add3A_287, %sign3A_290 : i32
      %sign3A_292 = arith.extui %sign3A_291 : i1 to i32
      %sign3A_293 = arith.constant 0 : i32
      %sign3A_294 = arith.cmpi slt, %add3A_287, %sign3A_293 : i32
      %sign3A_295 = arith.extui %sign3A_294 : i1 to i32
      %sign3A_296 = arith.subi %sign3A_292, %sign3A_295 : i32
      %sign3A_297 = arith.constant 0 : i32
      %sign3A_298 = arith.cmpi sgt, %jit3A_288, %sign3A_297 : i32
      %sign3A_299 = arith.extui %sign3A_298 : i1 to i32
      %sign3A_300 = arith.constant 0 : i32
      %sign3A_301 = arith.cmpi slt, %jit3A_288, %sign3A_300 : i32
      %sign3A_302 = arith.extui %sign3A_301 : i1 to i32
      %sign3A_303 = arith.subi %sign3A_299, %sign3A_302 : i32
      %ne3A_304 = arith.cmpi ne, %sign3A_296, %sign3A_303 : i32
      %rem3A_305 = arith.remsi %add3A_287, %jit3A_288 : i32
      %ne3A_306 = arith.constant 0 : i32
      %ne3A_307 = arith.cmpi ne, %rem3A_305, %ne3A_306 : i32
      %and3A_308 = arith.andi %ne3A_304, %ne3A_307 : i1
      %sub3A_309 = arith.constant 1 : i32
      %sub3A_310 = arith.subi %div3A_289, %sub3A_309 : i32
      %select_n3A_311 = arith.select %and3A_308, %sub3A_310, %div3A_289 : i32
      %jit3A_312 = arith.constant 2 : i32
      %eq3A_313 = arith.constant 0 : i32
      %eq3A_314 = arith.cmpi eq, %jit3A_312, %eq3A_313 : i32
      %jit3A_315 = arith.constant 1 : i32
      %select_n3A_316 = arith.select %eq3A_314, %jit3A_315, %jit3A_312 : i32
      %rem3A_317 = arith.remsi %select_n3A_311, %select_n3A_316 : i32
      %ne3A_318 = arith.constant 0 : i32
      %ne3A_319 = arith.cmpi ne, %rem3A_317, %ne3A_318 : i32
      %lt3A_320 = arith.constant 0 : i32
      %lt3A_321 = arith.cmpi slt, %rem3A_317, %lt3A_320 : i32
      %lt3A_322 = arith.constant 0 : i32
      %lt3A_323 = arith.cmpi slt, %select_n3A_316, %lt3A_322 : i32
      %ne3A_324 = arith.xori %lt3A_321, %lt3A_323 : i1
      %and3A_325 = arith.andi %ne3A_324, %ne3A_319 : i1
      %add3A_326 = arith.addi %rem3A_317, %select_n3A_316 : i32
      %select_n3A_327 = arith.select %and3A_325, %add3A_326, %rem3A_317 : i32
      %jit3A_328 = arith.constant 16 : i32
      %eq3A_329 = arith.constant 0 : i32
      %eq3A_330 = arith.cmpi eq, %jit3A_328, %eq3A_329 : i32
      %jit3A_331 = arith.constant 1 : i32
      %select_n3A_332 = arith.select %eq3A_330, %jit3A_331, %jit3A_328 : i32
      %rem3A_333 = arith.remsi %add3A_287, %select_n3A_332 : i32
      %ne3A_334 = arith.constant 0 : i32
      %ne3A_335 = arith.cmpi ne, %rem3A_333, %ne3A_334 : i32
      %lt3A_336 = arith.constant 0 : i32
      %lt3A_337 = arith.cmpi slt, %rem3A_333, %lt3A_336 : i32
      %lt3A_338 = arith.constant 0 : i32
      %lt3A_339 = arith.cmpi slt, %select_n3A_332, %lt3A_338 : i32
      %ne3A_340 = arith.xori %lt3A_337, %lt3A_339 : i1
      %and3A_341 = arith.andi %ne3A_340, %ne3A_335 : i1
      %add3A_342 = arith.addi %rem3A_333, %select_n3A_332 : i32
      %select_n3A_343 = arith.select %and3A_341, %add3A_342, %rem3A_333 : i32
      %jit3A_344 = arith.constant 16 : i32
      %div3A_345 = arith.divsi %add3A_287, %jit3A_344 : i32
      %sign3A_346 = arith.constant 0 : i32
      %sign3A_347 = arith.cmpi sgt, %add3A_287, %sign3A_346 : i32
      %sign3A_348 = arith.extui %sign3A_347 : i1 to i32
      %sign3A_349 = arith.constant 0 : i32
      %sign3A_350 = arith.cmpi slt, %add3A_287, %sign3A_349 : i32
      %sign3A_351 = arith.extui %sign3A_350 : i1 to i32
      %sign3A_352 = arith.subi %sign3A_348, %sign3A_351 : i32
      %sign3A_353 = arith.constant 0 : i32
      %sign3A_354 = arith.cmpi sgt, %jit3A_344, %sign3A_353 : i32
      %sign3A_355 = arith.extui %sign3A_354 : i1 to i32
      %sign3A_356 = arith.constant 0 : i32
      %sign3A_357 = arith.cmpi slt, %jit3A_344, %sign3A_356 : i32
      %sign3A_358 = arith.extui %sign3A_357 : i1 to i32
      %sign3A_359 = arith.subi %sign3A_355, %sign3A_358 : i32
      %ne3A_360 = arith.cmpi ne, %sign3A_352, %sign3A_359 : i32
      %rem3A_361 = arith.remsi %add3A_287, %jit3A_344 : i32
      %ne3A_362 = arith.constant 0 : i32
      %ne3A_363 = arith.cmpi ne, %rem3A_361, %ne3A_362 : i32
      %and3A_364 = arith.andi %ne3A_360, %ne3A_363 : i1
      %sub3A_365 = arith.constant 1 : i32
      %sub3A_366 = arith.subi %div3A_345, %sub3A_365 : i32
      %select_n3A_367 = arith.select %and3A_364, %sub3A_366, %div3A_345 : i32
      %jit3A_368 = arith.constant 2 : i32
      %eq3A_369 = arith.constant 0 : i32
      %eq3A_370 = arith.cmpi eq, %jit3A_368, %eq3A_369 : i32
      %jit3A_371 = arith.constant 1 : i32
      %select_n3A_372 = arith.select %eq3A_370, %jit3A_371, %jit3A_368 : i32
      %rem3A_373 = arith.remsi %select_n3A_367, %select_n3A_372 : i32
      %ne3A_374 = arith.constant 0 : i32
      %ne3A_375 = arith.cmpi ne, %rem3A_373, %ne3A_374 : i32
      %lt3A_376 = arith.constant 0 : i32
      %lt3A_377 = arith.cmpi slt, %rem3A_373, %lt3A_376 : i32
      %lt3A_378 = arith.constant 0 : i32
      %lt3A_379 = arith.cmpi slt, %select_n3A_372, %lt3A_378 : i32
      %ne3A_380 = arith.xori %lt3A_377, %lt3A_379 : i1
      %and3A_381 = arith.andi %ne3A_380, %ne3A_375 : i1
      %add3A_382 = arith.addi %rem3A_373, %select_n3A_372 : i32
      %select_n3A_383 = arith.select %and3A_381, %add3A_382, %rem3A_373 : i32
      %jit3A_384 = arith.constant 16 : i32
      %eq3A_385 = arith.constant 0 : i32
      %eq3A_386 = arith.cmpi eq, %jit3A_384, %eq3A_385 : i32
      %jit3A_387 = arith.constant 1 : i32
      %select_n3A_388 = arith.select %eq3A_386, %jit3A_387, %jit3A_384 : i32
      %rem3A_389 = arith.remsi %add3A_287, %select_n3A_388 : i32
      %ne3A_390 = arith.constant 0 : i32
      %ne3A_391 = arith.cmpi ne, %rem3A_389, %ne3A_390 : i32
      %lt3A_392 = arith.constant 0 : i32
      %lt3A_393 = arith.cmpi slt, %rem3A_389, %lt3A_392 : i32
      %lt3A_394 = arith.constant 0 : i32
      %lt3A_395 = arith.cmpi slt, %select_n3A_388, %lt3A_394 : i32
      %ne3A_396 = arith.xori %lt3A_393, %lt3A_395 : i1
      %and3A_397 = arith.andi %ne3A_396, %ne3A_391 : i1
      %add3A_398 = arith.addi %rem3A_389, %select_n3A_388 : i32
      %select_n3A_399 = arith.select %and3A_397, %add3A_398, %rem3A_389 : i32
      %dma_wait3A_400 = arith.constant 0 : i32
      %dma_wait3A_401 = arith.constant 0 : i32
      %dma_wait3A_402 = tpu.memref_slice %arg8[%select_n3A_327, %dma_wait3A_400, %dma_wait3A_401] : memref<2x16x128xi32, #tpu.memory_space<vmem>> -> memref<1x16x128xi32, #tpu.memory_space<vmem>>
      %dma_wait3A_403 = tpu.memref_squeeze %dma_wait3A_402 : memref<1x16x128xi32, #tpu.memory_space<vmem>> -> memref<16x128xi32, #tpu.memory_space<vmem>>
      %dma_wait3A_404 = arith.constant 0 : i32
      %dma_wait3A_405 = tpu.memref_slice %dma_wait3A_403[%select_n3A_343, %dma_wait3A_404] : memref<16x128xi32, #tpu.memory_space<vmem>> -> memref<1x128xi32, #tpu.memory_space<vmem>>
      %dma_wait3A_406 = tpu.memref_squeeze %dma_wait3A_405 : memref<1x128xi32, #tpu.memory_space<vmem>> -> memref<128xi32, #tpu.memory_space<vmem>>
      %dma_wait3A_407 = arith.constant 0 : i32
      %dma_wait3A_408 = arith.constant 0 : i32
      %dma_wait3A_409 = tpu.memref_slice %arg2[%dma_wait3A_407, %dma_wait3A_408] : memref<10000x128xf32, #tpu.memory_space<hbm>> -> memref<10000x128xf32, #tpu.memory_space<hbm>>
      tpu.wait_indirect_dma semaphore(%arg13 : memref<!tpu.dma_semaphore, #tpu.memory_space<semaphore_mem>>) src(%dma_wait3A_409 : memref<10000x128xf32, #tpu.memory_space<hbm>>) dst(%arg11 : memref<128x128xf32, #tpu.memory_space<vmem>>)
      "tpu.region"() ({
        %run_scoped3A_410 = tpu.sem_alloc : memref<!tpu.dma_semaphore, #tpu.memory_space<semaphore_mem>>
        %dma_start3A_411 = arith.constant 0 : i32
        %dma_start3A_412 = arith.constant 0 : i32
        %dma_start3A_413 = tpu.memref_slice %arg9[%select_n3A_383, %dma_start3A_411, %dma_start3A_412] : memref<2x16x128xi32, #tpu.memory_space<vmem>> -> memref<1x16x128xi32, #tpu.memory_space<vmem>>
        %dma_start3A_414 = tpu.memref_squeeze %dma_start3A_413 : memref<1x16x128xi32, #tpu.memory_space<vmem>> -> memref<16x128xi32, #tpu.memory_space<vmem>>
        %dma_start3A_415 = arith.constant 0 : i32
        %dma_start3A_416 = tpu.memref_slice %dma_start3A_414[%select_n3A_399, %dma_start3A_415] : memref<16x128xi32, #tpu.memory_space<vmem>> -> memref<1x128xi32, #tpu.memory_space<vmem>>
        %dma_start3A_417 = tpu.memref_squeeze %dma_start3A_416 : memref<1x128xi32, #tpu.memory_space<vmem>> -> memref<128xi32, #tpu.memory_space<vmem>>
        %dma_start3A_418 = arith.constant 0 : i32
        %dma_start3A_419 = arith.constant 0 : i32
        %dma_start3A_420 = tpu.memref_slice %arg7[%dma_start3A_418, %dma_start3A_419] : memref<10008x128xf32, #tpu.memory_space<vmem_shared>> -> memref<10008x128xf32, #tpu.memory_space<vmem_shared>>
        tpu.enqueue_indirect_dma source(%arg11 : memref<128x128xf32, #tpu.memory_space<vmem>>) target(%dma_start3A_420 : memref<10008x128xf32, #tpu.memory_space<vmem_shared>>) offsets(%dma_start3A_417 : memref<128xi32, #tpu.memory_space<vmem>>) semaphore(%run_scoped3A_410 : memref<!tpu.dma_semaphore, #tpu.memory_space<semaphore_mem>>) {add = true}
        %dma_wait3A_421 = arith.constant 0 : i32
        %dma_wait3A_422 = arith.constant 0 : i32
        %dma_wait3A_423 = tpu.memref_slice %arg9[%select_n3A_383, %dma_wait3A_421, %dma_wait3A_422] : memref<2x16x128xi32, #tpu.memory_space<vmem>> -> memref<1x16x128xi32, #tpu.memory_space<vmem>>
        %dma_wait3A_424 = tpu.memref_squeeze %dma_wait3A_423 : memref<1x16x128xi32, #tpu.memory_space<vmem>> -> memref<16x128xi32, #tpu.memory_space<vmem>>
        %dma_wait3A_425 = arith.constant 0 : i32
        %dma_wait3A_426 = tpu.memref_slice %dma_wait3A_424[%select_n3A_399, %dma_wait3A_425] : memref<16x128xi32, #tpu.memory_space<vmem>> -> memref<1x128xi32, #tpu.memory_space<vmem>>
        %dma_wait3A_427 = tpu.memref_squeeze %dma_wait3A_426 : memref<1x128xi32, #tpu.memory_space<vmem>> -> memref<128xi32, #tpu.memory_space<vmem>>
        %dma_wait3A_428 = arith.constant 0 : i32
        %dma_wait3A_429 = arith.constant 0 : i32
        %dma_wait3A_430 = tpu.memref_slice %arg7[%dma_wait3A_428, %dma_wait3A_429] : memref<10008x128xf32, #tpu.memory_space<vmem_shared>> -> memref<10008x128xf32, #tpu.memory_space<vmem_shared>>
        tpu.wait_indirect_dma semaphore(%run_scoped3A_410 : memref<!tpu.dma_semaphore, #tpu.memory_space<semaphore_mem>>) src(%arg11 : memref<128x128xf32, #tpu.memory_space<vmem>>) dst(%dma_wait3A_430 : memref<10008x128xf32, #tpu.memory_space<vmem_shared>>)
        tpu.yield
      }) : () -> ()
    }
    %scan3A_23 = arith.constant 40 : i32
    %barrier3A_24 = arith.constant 0 : index
    tpu.barrier barrier_id(%barrier3A_24)
    %lt3A_25 = arith.constant 15 : i32
    %lt3A_26 = arith.cmpi slt, %arg1, %lt3A_25 : i32
    %convert_element_type3A_27 = arith.extui %lt3A_26 : i1 to i32
    %cond3A_28 = arith.constant 0 : i32
    %cond3A_29 = arith.cmpi ne, %convert_element_type3A_27, %cond3A_28 : i32
    scf.if %cond3A_29 {
      %mul3A_35 = arith.constant 632 : i32
      %mul3A_36 = arith.muli %arg1, %mul3A_35 : i32
      %multiple_of3A = tpu.assume_multiple %mul3A_36, 8 : i32
      "tpu.region"() ({
        %run_scoped3A_37 = tpu.sem_alloc : memref<!tpu.dma_semaphore, #tpu.memory_space<semaphore_mem>>
        %dma_start3A_38 = arith.constant 0 : i32
        %dma_start3A_39 = arith.constant 0 : i32
        %dma_start3A_40 = tpu.memref_slice %arg6[%arg0, %dma_start3A_38, %dma_start3A_39] : memref<2x10008x128xf32, #tpu.memory_space<hbm>> -> memref<1x10008x128xf32, #tpu.memory_space<hbm>>
        %dma_start3A_41 = tpu.memref_squeeze %dma_start3A_40 : memref<1x10008x128xf32, #tpu.memory_space<hbm>> -> memref<10008x128xf32, #tpu.memory_space<hbm>>
        %dma_start3A_42 = arith.constant 0 : i32
        %dma_start3A_43 = tpu.memref_slice %dma_start3A_41[%multiple_of3A, %dma_start3A_42] : memref<10008x128xf32, #tpu.memory_space<hbm>> -> memref<632x128xf32, #tpu.memory_space<hbm>>
        %dma_start3A_44 = arith.constant 0 : i32
        %dma_start3A_45 = tpu.memref_slice %arg7[%multiple_of3A, %dma_start3A_44] : memref<10008x128xf32, #tpu.memory_space<vmem_shared>> -> memref<632x128xf32, #tpu.memory_space<vmem_shared>>
        tpu.enqueue_dma source(%dma_start3A_45 : memref<632x128xf32, #tpu.memory_space<vmem_shared>>) target(%dma_start3A_43 : memref<632x128xf32, #tpu.memory_space<hbm>>) target_semaphore(%run_scoped3A_37 : memref<!tpu.dma_semaphore, #tpu.memory_space<semaphore_mem>>)
        %dma_wait3A = arith.constant 0 : i32
        %dma_wait3A_46 = arith.constant 0 : i32
        %dma_wait3A_47 = tpu.memref_slice %arg6[%arg0, %dma_wait3A, %dma_wait3A_46] : memref<2x10008x128xf32, #tpu.memory_space<hbm>> -> memref<1x10008x128xf32, #tpu.memory_space<hbm>>
        %dma_wait3A_48 = tpu.memref_squeeze %dma_wait3A_47 : memref<1x10008x128xf32, #tpu.memory_space<hbm>> -> memref<10008x128xf32, #tpu.memory_space<hbm>>
        %dma_wait3A_49 = arith.constant 0 : i32
        %dma_wait3A_50 = tpu.memref_slice %dma_wait3A_48[%multiple_of3A, %dma_wait3A_49] : memref<10008x128xf32, #tpu.memory_space<hbm>> -> memref<632x128xf32, #tpu.memory_space<hbm>>
        %dma_wait3A_51 = arith.constant 0 : i32
        %dma_wait3A_52 = tpu.memref_slice %arg7[%multiple_of3A, %dma_wait3A_51] : memref<10008x128xf32, #tpu.memory_space<vmem_shared>> -> memref<632x128xf32, #tpu.memory_space<vmem_shared>>
        tpu.wait_dma2 semaphore(%run_scoped3A_37 : memref<!tpu.dma_semaphore, #tpu.memory_space<semaphore_mem>>) src(%dma_wait3A_52 : memref<632x128xf32, #tpu.memory_space<vmem_shared>>) dst(%dma_wait3A_50 : memref<632x128xf32, #tpu.memory_space<hbm>>)
        tpu.yield
      }) : () -> ()
    } else {
    }
    %eq3A_30 = arith.constant 15 : i32
    %eq3A_31 = arith.cmpi eq, %arg1, %eq3A_30 : i32
    %convert_element_type3A_32 = arith.extui %eq3A_31 : i1 to i32
    %cond3A_33 = arith.constant 0 : i32
    %cond3A_34 = arith.cmpi ne, %convert_element_type3A_32, %cond3A_33 : i32
    scf.if %cond3A_34 {
      "tpu.region"() ({
        %run_scoped3A_35 = tpu.sem_alloc : memref<!tpu.dma_semaphore, #tpu.memory_space<semaphore_mem>>
        %dma_start3A_36 = arith.constant 0 : i32
        %dma_start3A_37 = arith.constant 0 : i32
        %dma_start3A_38 = tpu.memref_slice %arg6[%arg0, %dma_start3A_36, %dma_start3A_37] : memref<2x10008x128xf32, #tpu.memory_space<hbm>> -> memref<1x10008x128xf32, #tpu.memory_space<hbm>>
        %dma_start3A_39 = tpu.memref_squeeze %dma_start3A_38 : memref<1x10008x128xf32, #tpu.memory_space<hbm>> -> memref<10008x128xf32, #tpu.memory_space<hbm>>
        %dma_start3A_40 = arith.constant 9480 : i32
        %dma_start3A_41 = arith.constant 0 : i32
        %dma_start3A_42 = tpu.memref_slice %dma_start3A_39[%dma_start3A_40, %dma_start3A_41] : memref<10008x128xf32, #tpu.memory_space<hbm>> -> memref<528x128xf32, #tpu.memory_space<hbm>>
        %dma_start3A_43 = arith.constant 9480 : i32
        %dma_start3A_44 = arith.constant 0 : i32
        %dma_start3A_45 = tpu.memref_slice %arg7[%dma_start3A_43, %dma_start3A_44] : memref<10008x128xf32, #tpu.memory_space<vmem_shared>> -> memref<528x128xf32, #tpu.memory_space<vmem_shared>>
        tpu.enqueue_dma source(%dma_start3A_45 : memref<528x128xf32, #tpu.memory_space<vmem_shared>>) target(%dma_start3A_42 : memref<528x128xf32, #tpu.memory_space<hbm>>) target_semaphore(%run_scoped3A_35 : memref<!tpu.dma_semaphore, #tpu.memory_space<semaphore_mem>>)
        %dma_wait3A = arith.constant 0 : i32
        %dma_wait3A_46 = arith.constant 0 : i32
        %dma_wait3A_47 = tpu.memref_slice %arg6[%arg0, %dma_wait3A, %dma_wait3A_46] : memref<2x10008x128xf32, #tpu.memory_space<hbm>> -> memref<1x10008x128xf32, #tpu.memory_space<hbm>>
        %dma_wait3A_48 = tpu.memref_squeeze %dma_wait3A_47 : memref<1x10008x128xf32, #tpu.memory_space<hbm>> -> memref<10008x128xf32, #tpu.memory_space<hbm>>
        %dma_wait3A_49 = arith.constant 9480 : i32
        %dma_wait3A_50 = arith.constant 0 : i32
        %dma_wait3A_51 = tpu.memref_slice %dma_wait3A_48[%dma_wait3A_49, %dma_wait3A_50] : memref<10008x128xf32, #tpu.memory_space<hbm>> -> memref<528x128xf32, #tpu.memory_space<hbm>>
        %dma_wait3A_52 = arith.constant 9480 : i32
        %dma_wait3A_53 = arith.constant 0 : i32
        %dma_wait3A_54 = tpu.memref_slice %arg7[%dma_wait3A_52, %dma_wait3A_53] : memref<10008x128xf32, #tpu.memory_space<vmem_shared>> -> memref<528x128xf32, #tpu.memory_space<vmem_shared>>
        tpu.wait_dma2 semaphore(%run_scoped3A_35 : memref<!tpu.dma_semaphore, #tpu.memory_space<semaphore_mem>>) src(%dma_wait3A_54 : memref<528x128xf32, #tpu.memory_space<vmem_shared>>) dst(%dma_wait3A_51 : memref<528x128xf32, #tpu.memory_space<hbm>>)
        tpu.yield
      }) : () -> ()
    } else {
    }
    return
  }
}

#map = affine_map<(d0, d1) -> (0, 0)>
#map1 = affine_map<(d0, d1) -> (0, 0, 0)>
module attributes {stable_mosaic.version = 14 : i64} {
  func.func @body(%arg0: i32, %arg1: i32, %arg2: memref<10000x128xf32, #tpu.memory_space<hbm>>, %arg3: memref<32x80x128xi32, #tpu.memory_space<hbm>>, %arg4: memref<32x80x128xi32, #tpu.memory_space<hbm>>, %arg5: memref<10000x128xf32, #tpu.memory_space<hbm>>, %arg6: memref<2x10008x128xf32, #tpu.memory_space<hbm>>, %arg7: memref<10008x128xf32, #tpu.memory_space<vmem_shared>>, %arg8: memref<2x16x128xi32, #tpu.memory_space<vmem>>, %arg9: memref<2x16x128xi32, #tpu.memory_space<vmem>>, %arg10: memref<128x128xf32, #tpu.memory_space<vmem>>, %arg11: memref<128x128xf32, #tpu.memory_space<vmem>>, %arg12: memref<!tpu.dma_semaphore, #tpu.memory_space<semaphore_mem>>, %arg13: memref<!tpu.dma_semaphore, #tpu.memory_space<semaphore_mem>>, %arg14: memref<!tpu.dma_semaphore, #tpu.memory_space<semaphore_mem>>) attributes {dimension_semantics = [#tpu.dimension_semantics<core_parallel>, #tpu.dimension_semantics<subcore_parallel>], iteration_bounds = array<i64: 2, 16>, scalar_prefetch = 0 : i64, scratch_operands = 8 : i64, tpu.core_type = #tpu.core_type<sc_vector_subcore>, window_params = [{transform_indices = #map}, {transform_indices = #map1}, {transform_indices = #map1}, {transform_indices = #map}, {transform_indices = #map1}]} {
    %lt3A = arith.constant 15 : i32
    %lt3A_0 = arith.cmpi slt, %arg1, %lt3A : i32
    %convert_element_type3A = arith.extui %lt3A_0 : i1 to i32
    %cond3A = arith.constant 0 : i32
    %cond3A_1 = arith.cmpi ne, %convert_element_type3A, %cond3A : i32
    scf.if %cond3A_1 {
      %mul3A_35 = arith.constant 632 : i32
      %mul3A_36 = arith.muli %arg1, %mul3A_35 : i32
      %multiple_of3A = tpu.assume_multiple %mul3A_36, 8 : i32
      %eq3A_37 = arith.constant 0 : i32
      %eq3A_38 = arith.cmpi eq, %arg0, %eq3A_37 : i32
      %convert_element_type3A_39 = arith.extui %eq3A_38 : i1 to i32
      %cond3A_40 = arith.constant 0 : i32
      %cond3A_41 = arith.cmpi ne, %convert_element_type3A_39, %cond3A_40 : i32
      scf.if %cond3A_41 {
        "tpu.region"() ({
          %run_scoped3A_46 = tpu.sem_alloc : memref<!tpu.dma_semaphore, #tpu.memory_space<semaphore_mem>>
          %dma_start3A_47 = arith.constant 0 : i32
          %dma_start3A_48 = tpu.memref_slice %arg7[%multiple_of3A, %dma_start3A_47] : memref<10008x128xf32, #tpu.memory_space<vmem_shared>> -> memref<632x128xf32, #tpu.memory_space<vmem_shared>>
          %dma_start3A_49 = arith.constant 0 : i32
          %dma_start3A_50 = tpu.memref_slice %arg2[%multiple_of3A, %dma_start3A_49] : memref<10000x128xf32, #tpu.memory_space<hbm>> -> memref<632x128xf32, #tpu.memory_space<hbm>>
          tpu.enqueue_dma source(%dma_start3A_50 : memref<632x128xf32, #tpu.memory_space<hbm>>) target(%dma_start3A_48 : memref<632x128xf32, #tpu.memory_space<vmem_shared>>) target_semaphore(%run_scoped3A_46 : memref<!tpu.dma_semaphore, #tpu.memory_space<semaphore_mem>>)
          %dma_wait3A = arith.constant 0 : i32
          %dma_wait3A_51 = tpu.memref_slice %arg7[%multiple_of3A, %dma_wait3A] : memref<10008x128xf32, #tpu.memory_space<vmem_shared>> -> memref<632x128xf32, #tpu.memory_space<vmem_shared>>
          %dma_wait3A_52 = arith.constant 0 : i32
          %dma_wait3A_53 = tpu.memref_slice %arg2[%multiple_of3A, %dma_wait3A_52] : memref<10000x128xf32, #tpu.memory_space<hbm>> -> memref<632x128xf32, #tpu.memory_space<hbm>>
          tpu.wait_dma2 semaphore(%run_scoped3A_46 : memref<!tpu.dma_semaphore, #tpu.memory_space<semaphore_mem>>) src(%dma_wait3A_53 : memref<632x128xf32, #tpu.memory_space<hbm>>) dst(%dma_wait3A_51 : memref<632x128xf32, #tpu.memory_space<vmem_shared>>)
          tpu.yield
        }) : () -> ()
      } else {
      }
      %ne3A = arith.constant 0 : i32
      %ne3A_42 = arith.cmpi ne, %arg0, %ne3A : i32
      %convert_element_type3A_43 = arith.extui %ne3A_42 : i1 to i32
      %cond3A_44 = arith.constant 0 : i32
      %cond3A_45 = arith.cmpi ne, %convert_element_type3A_43, %cond3A_44 : i32
      scf.if %cond3A_45 {
        "tpu.region"() ({
          %run_scoped3A_46 = tpu.sem_alloc : memref<!tpu.dma_semaphore, #tpu.memory_space<semaphore_mem>>
          %dma_start3A_47 = arith.constant 0 : i32
          %dma_start3A_48 = tpu.memref_slice %arg7[%multiple_of3A, %dma_start3A_47] : memref<10008x128xf32, #tpu.memory_space<vmem_shared>> -> memref<632x128xf32, #tpu.memory_space<vmem_shared>>
          %dma_start3A_49 = arith.constant 0 : i32
          %dma_start3A_50 = tpu.memref_slice %arg5[%multiple_of3A, %dma_start3A_49] : memref<10000x128xf32, #tpu.memory_space<hbm>> -> memref<632x128xf32, #tpu.memory_space<hbm>>
          tpu.enqueue_dma source(%dma_start3A_50 : memref<632x128xf32, #tpu.memory_space<hbm>>) target(%dma_start3A_48 : memref<632x128xf32, #tpu.memory_space<vmem_shared>>) target_semaphore(%run_scoped3A_46 : memref<!tpu.dma_semaphore, #tpu.memory_space<semaphore_mem>>)
          %dma_wait3A = arith.constant 0 : i32
          %dma_wait3A_51 = tpu.memref_slice %arg7[%multiple_of3A, %dma_wait3A] : memref<10008x128xf32, #tpu.memory_space<vmem_shared>> -> memref<632x128xf32, #tpu.memory_space<vmem_shared>>
          %dma_wait3A_52 = arith.constant 0 : i32
          %dma_wait3A_53 = tpu.memref_slice %arg5[%multiple_of3A, %dma_wait3A_52] : memref<10000x128xf32, #tpu.memory_space<hbm>> -> memref<632x128xf32, #tpu.memory_space<hbm>>
          tpu.wait_dma2 semaphore(%run_scoped3A_46 : memref<!tpu.dma_semaphore, #tpu.memory_space<semaphore_mem>>) src(%dma_wait3A_53 : memref<632x128xf32, #tpu.memory_space<hbm>>) dst(%dma_wait3A_51 : memref<632x128xf32, #tpu.memory_space<vmem_shared>>)
          tpu.yield
        }) : () -> ()
      } else {
      }
    } else {
    }
    %eq3A = arith.constant 15 : i32
    %eq3A_2 = arith.cmpi eq, %arg1, %eq3A : i32
    %convert_element_type3A_3 = arith.extui %eq3A_2 : i1 to i32
    %cond3A_4 = arith.constant 0 : i32
    %cond3A_5 = arith.cmpi ne, %convert_element_type3A_3, %cond3A_4 : i32
    scf.if %cond3A_5 {
      %eq3A_35 = arith.constant 0 : i32
      %eq3A_36 = arith.cmpi eq, %arg0, %eq3A_35 : i32
      %convert_element_type3A_37 = arith.extui %eq3A_36 : i1 to i32
      %cond3A_38 = arith.constant 0 : i32
      %cond3A_39 = arith.cmpi ne, %convert_element_type3A_37, %cond3A_38 : i32
      scf.if %cond3A_39 {
        "tpu.region"() ({
          %run_scoped3A_44 = tpu.sem_alloc : memref<!tpu.dma_semaphore, #tpu.memory_space<semaphore_mem>>
          %dma_start3A_45 = arith.constant 9480 : i32
          %dma_start3A_46 = arith.constant 0 : i32
          %dma_start3A_47 = tpu.memref_slice %arg7[%dma_start3A_45, %dma_start3A_46] : memref<10008x128xf32, #tpu.memory_space<vmem_shared>> -> memref<520x128xf32, #tpu.memory_space<vmem_shared>>
          %dma_start3A_48 = arith.constant 9480 : i32
          %dma_start3A_49 = arith.constant 0 : i32
          %dma_start3A_50 = tpu.memref_slice %arg2[%dma_start3A_48, %dma_start3A_49] : memref<10000x128xf32, #tpu.memory_space<hbm>> -> memref<520x128xf32, #tpu.memory_space<hbm>>
          tpu.enqueue_dma source(%dma_start3A_50 : memref<520x128xf32, #tpu.memory_space<hbm>>) target(%dma_start3A_47 : memref<520x128xf32, #tpu.memory_space<vmem_shared>>) target_semaphore(%run_scoped3A_44 : memref<!tpu.dma_semaphore, #tpu.memory_space<semaphore_mem>>)
          %dma_wait3A = arith.constant 9480 : i32
          %dma_wait3A_51 = arith.constant 0 : i32
          %dma_wait3A_52 = tpu.memref_slice %arg7[%dma_wait3A, %dma_wait3A_51] : memref<10008x128xf32, #tpu.memory_space<vmem_shared>> -> memref<520x128xf32, #tpu.memory_space<vmem_shared>>
          %dma_wait3A_53 = arith.constant 9480 : i32
          %dma_wait3A_54 = arith.constant 0 : i32
          %dma_wait3A_55 = tpu.memref_slice %arg2[%dma_wait3A_53, %dma_wait3A_54] : memref<10000x128xf32, #tpu.memory_space<hbm>> -> memref<520x128xf32, #tpu.memory_space<hbm>>
          tpu.wait_dma2 semaphore(%run_scoped3A_44 : memref<!tpu.dma_semaphore, #tpu.memory_space<semaphore_mem>>) src(%dma_wait3A_55 : memref<520x128xf32, #tpu.memory_space<hbm>>) dst(%dma_wait3A_52 : memref<520x128xf32, #tpu.memory_space<vmem_shared>>)
          tpu.yield
        }) : () -> ()
      } else {
      }
      %ne3A = arith.constant 0 : i32
      %ne3A_40 = arith.cmpi ne, %arg0, %ne3A : i32
      %convert_element_type3A_41 = arith.extui %ne3A_40 : i1 to i32
      %cond3A_42 = arith.constant 0 : i32
      %cond3A_43 = arith.cmpi ne, %convert_element_type3A_41, %cond3A_42 : i32
      scf.if %cond3A_43 {
        "tpu.region"() ({
          %run_scoped3A_44 = tpu.sem_alloc : memref<!tpu.dma_semaphore, #tpu.memory_space<semaphore_mem>>
          %dma_start3A_45 = arith.constant 9480 : i32
          %dma_start3A_46 = arith.constant 0 : i32
          %dma_start3A_47 = tpu.memref_slice %arg7[%dma_start3A_45, %dma_start3A_46] : memref<10008x128xf32, #tpu.memory_space<vmem_shared>> -> memref<520x128xf32, #tpu.memory_space<vmem_shared>>
          %dma_start3A_48 = arith.constant 9480 : i32
          %dma_start3A_49 = arith.constant 0 : i32
          %dma_start3A_50 = tpu.memref_slice %arg5[%dma_start3A_48, %dma_start3A_49] : memref<10000x128xf32, #tpu.memory_space<hbm>> -> memref<520x128xf32, #tpu.memory_space<hbm>>
          tpu.enqueue_dma source(%dma_start3A_50 : memref<520x128xf32, #tpu.memory_space<hbm>>) target(%dma_start3A_47 : memref<520x128xf32, #tpu.memory_space<vmem_shared>>) target_semaphore(%run_scoped3A_44 : memref<!tpu.dma_semaphore, #tpu.memory_space<semaphore_mem>>)
          %dma_wait3A = arith.constant 9480 : i32
          %dma_wait3A_51 = arith.constant 0 : i32
          %dma_wait3A_52 = tpu.memref_slice %arg7[%dma_wait3A, %dma_wait3A_51] : memref<10008x128xf32, #tpu.memory_space<vmem_shared>> -> memref<520x128xf32, #tpu.memory_space<vmem_shared>>
          %dma_wait3A_53 = arith.constant 9480 : i32
          %dma_wait3A_54 = arith.constant 0 : i32
          %dma_wait3A_55 = tpu.memref_slice %arg5[%dma_wait3A_53, %dma_wait3A_54] : memref<10000x128xf32, #tpu.memory_space<hbm>> -> memref<520x128xf32, #tpu.memory_space<hbm>>
          tpu.wait_dma2 semaphore(%run_scoped3A_44 : memref<!tpu.dma_semaphore, #tpu.memory_space<semaphore_mem>>) src(%dma_wait3A_55 : memref<520x128xf32, #tpu.memory_space<hbm>>) dst(%dma_wait3A_52 : memref<520x128xf32, #tpu.memory_space<vmem_shared>>)
          tpu.yield
        }) : () -> ()
      } else {
      }
    } else {
    }
    %mul3A = arith.constant 16 : i32
    %mul3A_6 = arith.muli %arg0, %mul3A : i32
    %add3A = arith.addi %mul3A_6, %arg1 : i32
    %run_scoped3A = arith.constant 0 : i32
    "tpu.region"() ({
      %run_scoped3A_35 = tpu.sem_alloc : memref<!tpu.dma_semaphore, #tpu.memory_space<semaphore_mem>>
      %dma_start3A_36 = arith.constant 0 : i32
      %dma_start3A_37 = arith.constant 0 : i32
      %dma_start3A_38 = tpu.memref_slice %arg8[%run_scoped3A, %dma_start3A_36, %dma_start3A_37] : memref<2x16x128xi32, #tpu.memory_space<vmem>> -> memref<1x16x128xi32, #tpu.memory_space<vmem>>
      %dma_start3A_39 = tpu.memref_squeeze %dma_start3A_38 : memref<1x16x128xi32, #tpu.memory_space<vmem>> -> memref<16x128xi32, #tpu.memory_space<vmem>>
      %dma_start3A_40 = arith.constant 0 : i32
      %dma_start3A_41 = arith.constant 0 : i32
      %dma_start3A_42 = tpu.memref_slice %arg3[%add3A, %dma_start3A_40, %dma_start3A_41] : memref<32x80x128xi32, #tpu.memory_space<hbm>> -> memref<1x80x128xi32, #tpu.memory_space<hbm>>
      %dma_start3A_43 = tpu.memref_squeeze %dma_start3A_42 : memref<1x80x128xi32, #tpu.memory_space<hbm>> -> memref<80x128xi32, #tpu.memory_space<hbm>>
      %dma_start3A_44 = arith.constant 0 : i32
      %dma_start3A_45 = arith.constant 0 : i32
      %dma_start3A_46 = tpu.memref_slice %dma_start3A_43[%dma_start3A_44, %dma_start3A_45] : memref<80x128xi32, #tpu.memory_space<hbm>> -> memref<16x128xi32, #tpu.memory_space<hbm>>
      %dma_start3A_47 = arith.constant 0 : i32
      %dma_start3A_48 = arith.constant 0 : i32
      %dma_start3A_49 = tpu.memref_slice %arg8[%run_scoped3A, %dma_start3A_47, %dma_start3A_48] : memref<2x16x128xi32, #tpu.memory_space<vmem>> -> memref<1x16x128xi32, #tpu.memory_space<vmem>>
      %dma_start3A_50 = tpu.memref_squeeze %dma_start3A_49 : memref<1x16x128xi32, #tpu.memory_space<vmem>> -> memref<16x128xi32, #tpu.memory_space<vmem>>
      %dma_start3A_51 = arith.constant 0 : i32
      %dma_start3A_52 = arith.constant 0 : i32
      %dma_start3A_53 = tpu.memref_slice %arg3[%add3A, %dma_start3A_51, %dma_start3A_52] : memref<32x80x128xi32, #tpu.memory_space<hbm>> -> memref<1x80x128xi32, #tpu.memory_space<hbm>>
      %dma_start3A_54 = tpu.memref_squeeze %dma_start3A_53 : memref<1x80x128xi32, #tpu.memory_space<hbm>> -> memref<80x128xi32, #tpu.memory_space<hbm>>
      %dma_start3A_55 = arith.constant 0 : i32
      %dma_start3A_56 = arith.constant 0 : i32
      %dma_start3A_57 = tpu.memref_slice %dma_start3A_54[%dma_start3A_55, %dma_start3A_56] : memref<80x128xi32, #tpu.memory_space<hbm>> -> memref<16x128xi32, #tpu.memory_space<hbm>>
      tpu.enqueue_dma source(%dma_start3A_57 : memref<16x128xi32, #tpu.memory_space<hbm>>) target(%dma_start3A_50 : memref<16x128xi32, #tpu.memory_space<vmem>>) target_semaphore(%run_scoped3A_35 : memref<!tpu.dma_semaphore, #tpu.memory_space<semaphore_mem>>)
      %dma_wait3A = arith.constant 0 : i32
      %dma_wait3A_58 = arith.constant 0 : i32
      %dma_wait3A_59 = tpu.memref_slice %arg8[%run_scoped3A, %dma_wait3A, %dma_wait3A_58] : memref<2x16x128xi32, #tpu.memory_space<vmem>> -> memref<1x16x128xi32, #tpu.memory_space<vmem>>
      %dma_wait3A_60 = tpu.memref_squeeze %dma_wait3A_59 : memref<1x16x128xi32, #tpu.memory_space<vmem>> -> memref<16x128xi32, #tpu.memory_space<vmem>>
      %dma_wait3A_61 = arith.constant 0 : i32
      %dma_wait3A_62 = arith.constant 0 : i32
      %dma_wait3A_63 = tpu.memref_slice %arg3[%add3A, %dma_wait3A_61, %dma_wait3A_62] : memref<32x80x128xi32, #tpu.memory_space<hbm>> -> memref<1x80x128xi32, #tpu.memory_space<hbm>>
      %dma_wait3A_64 = tpu.memref_squeeze %dma_wait3A_63 : memref<1x80x128xi32, #tpu.memory_space<hbm>> -> memref<80x128xi32, #tpu.memory_space<hbm>>
      %dma_wait3A_65 = arith.constant 0 : i32
      %dma_wait3A_66 = arith.constant 0 : i32
      %dma_wait3A_67 = tpu.memref_slice %dma_wait3A_64[%dma_wait3A_65, %dma_wait3A_66] : memref<80x128xi32, #tpu.memory_space<hbm>> -> memref<16x128xi32, #tpu.memory_space<hbm>>
      %dma_wait3A_68 = arith.constant 0 : i32
      %dma_wait3A_69 = arith.constant 0 : i32
      %dma_wait3A_70 = tpu.memref_slice %arg8[%run_scoped3A, %dma_wait3A_68, %dma_wait3A_69] : memref<2x16x128xi32, #tpu.memory_space<vmem>> -> memref<1x16x128xi32, #tpu.memory_space<vmem>>
      %dma_wait3A_71 = tpu.memref_squeeze %dma_wait3A_70 : memref<1x16x128xi32, #tpu.memory_space<vmem>> -> memref<16x128xi32, #tpu.memory_space<vmem>>
      %dma_wait3A_72 = arith.constant 0 : i32
      %dma_wait3A_73 = arith.constant 0 : i32
      %dma_wait3A_74 = tpu.memref_slice %arg3[%add3A, %dma_wait3A_72, %dma_wait3A_73] : memref<32x80x128xi32, #tpu.memory_space<hbm>> -> memref<1x80x128xi32, #tpu.memory_space<hbm>>
      %dma_wait3A_75 = tpu.memref_squeeze %dma_wait3A_74 : memref<1x80x128xi32, #tpu.memory_space<hbm>> -> memref<80x128xi32, #tpu.memory_space<hbm>>
      %dma_wait3A_76 = arith.constant 0 : i32
      %dma_wait3A_77 = arith.constant 0 : i32
      %dma_wait3A_78 = tpu.memref_slice %dma_wait3A_75[%dma_wait3A_76, %dma_wait3A_77] : memref<80x128xi32, #tpu.memory_space<hbm>> -> memref<16x128xi32, #tpu.memory_space<hbm>>
      tpu.wait_dma2 semaphore(%run_scoped3A_35 : memref<!tpu.dma_semaphore, #tpu.memory_space<semaphore_mem>>) src(%dma_wait3A_78 : memref<16x128xi32, #tpu.memory_space<hbm>>) dst(%dma_wait3A_71 : memref<16x128xi32, #tpu.memory_space<vmem>>)
      tpu.yield
    }) : () -> ()
    %run_scoped3A_7 = arith.constant 0 : i32
    "tpu.region"() ({
      %run_scoped3A_35 = tpu.sem_alloc : memref<!tpu.dma_semaphore, #tpu.memory_space<semaphore_mem>>
      %dma_start3A_36 = arith.constant 0 : i32
      %dma_start3A_37 = arith.constant 0 : i32
      %dma_start3A_38 = tpu.memref_slice %arg9[%run_scoped3A_7, %dma_start3A_36, %dma_start3A_37] : memref<2x16x128xi32, #tpu.memory_space<vmem>> -> memref<1x16x128xi32, #tpu.memory_space<vmem>>
      %dma_start3A_39 = tpu.memref_squeeze %dma_start3A_38 : memref<1x16x128xi32, #tpu.memory_space<vmem>> -> memref<16x128xi32, #tpu.memory_space<vmem>>
      %dma_start3A_40 = arith.constant 0 : i32
      %dma_start3A_41 = arith.constant 0 : i32
      %dma_start3A_42 = tpu.memref_slice %arg4[%add3A, %dma_start3A_40, %dma_start3A_41] : memref<32x80x128xi32, #tpu.memory_space<hbm>> -> memref<1x80x128xi32, #tpu.memory_space<hbm>>
      %dma_start3A_43 = tpu.memref_squeeze %dma_start3A_42 : memref<1x80x128xi32, #tpu.memory_space<hbm>> -> memref<80x128xi32, #tpu.memory_space<hbm>>
      %dma_start3A_44 = arith.constant 0 : i32
      %dma_start3A_45 = arith.constant 0 : i32
      %dma_start3A_46 = tpu.memref_slice %dma_start3A_43[%dma_start3A_44, %dma_start3A_45] : memref<80x128xi32, #tpu.memory_space<hbm>> -> memref<16x128xi32, #tpu.memory_space<hbm>>
      %dma_start3A_47 = arith.constant 0 : i32
      %dma_start3A_48 = arith.constant 0 : i32
      %dma_start3A_49 = tpu.memref_slice %arg9[%run_scoped3A_7, %dma_start3A_47, %dma_start3A_48] : memref<2x16x128xi32, #tpu.memory_space<vmem>> -> memref<1x16x128xi32, #tpu.memory_space<vmem>>
      %dma_start3A_50 = tpu.memref_squeeze %dma_start3A_49 : memref<1x16x128xi32, #tpu.memory_space<vmem>> -> memref<16x128xi32, #tpu.memory_space<vmem>>
      %dma_start3A_51 = arith.constant 0 : i32
      %dma_start3A_52 = arith.constant 0 : i32
      %dma_start3A_53 = tpu.memref_slice %arg4[%add3A, %dma_start3A_51, %dma_start3A_52] : memref<32x80x128xi32, #tpu.memory_space<hbm>> -> memref<1x80x128xi32, #tpu.memory_space<hbm>>
      %dma_start3A_54 = tpu.memref_squeeze %dma_start3A_53 : memref<1x80x128xi32, #tpu.memory_space<hbm>> -> memref<80x128xi32, #tpu.memory_space<hbm>>
      %dma_start3A_55 = arith.constant 0 : i32
      %dma_start3A_56 = arith.constant 0 : i32
      %dma_start3A_57 = tpu.memref_slice %dma_start3A_54[%dma_start3A_55, %dma_start3A_56] : memref<80x128xi32, #tpu.memory_space<hbm>> -> memref<16x128xi32, #tpu.memory_space<hbm>>
      tpu.enqueue_dma source(%dma_start3A_57 : memref<16x128xi32, #tpu.memory_space<hbm>>) target(%dma_start3A_50 : memref<16x128xi32, #tpu.memory_space<vmem>>) target_semaphore(%run_scoped3A_35 : memref<!tpu.dma_semaphore, #tpu.memory_space<semaphore_mem>>)
      %dma_wait3A = arith.constant 0 : i32
      %dma_wait3A_58 = arith.constant 0 : i32
      %dma_wait3A_59 = tpu.memref_slice %arg9[%run_scoped3A_7, %dma_wait3A, %dma_wait3A_58] : memref<2x16x128xi32, #tpu.memory_space<vmem>> -> memref<1x16x128xi32, #tpu.memory_space<vmem>>
      %dma_wait3A_60 = tpu.memref_squeeze %dma_wait3A_59 : memref<1x16x128xi32, #tpu.memory_space<vmem>> -> memref<16x128xi32, #tpu.memory_space<vmem>>
      %dma_wait3A_61 = arith.constant 0 : i32
      %dma_wait3A_62 = arith.constant 0 : i32
      %dma_wait3A_63 = tpu.memref_slice %arg4[%add3A, %dma_wait3A_61, %dma_wait3A_62] : memref<32x80x128xi32, #tpu.memory_space<hbm>> -> memref<1x80x128xi32, #tpu.memory_space<hbm>>
      %dma_wait3A_64 = tpu.memref_squeeze %dma_wait3A_63 : memref<1x80x128xi32, #tpu.memory_space<hbm>> -> memref<80x128xi32, #tpu.memory_space<hbm>>
      %dma_wait3A_65 = arith.constant 0 : i32
      %dma_wait3A_66 = arith.constant 0 : i32
      %dma_wait3A_67 = tpu.memref_slice %dma_wait3A_64[%dma_wait3A_65, %dma_wait3A_66] : memref<80x128xi32, #tpu.memory_space<hbm>> -> memref<16x128xi32, #tpu.memory_space<hbm>>
      %dma_wait3A_68 = arith.constant 0 : i32
      %dma_wait3A_69 = arith.constant 0 : i32
      %dma_wait3A_70 = tpu.memref_slice %arg9[%run_scoped3A_7, %dma_wait3A_68, %dma_wait3A_69] : memref<2x16x128xi32, #tpu.memory_space<vmem>> -> memref<1x16x128xi32, #tpu.memory_space<vmem>>
      %dma_wait3A_71 = tpu.memref_squeeze %dma_wait3A_70 : memref<1x16x128xi32, #tpu.memory_space<vmem>> -> memref<16x128xi32, #tpu.memory_space<vmem>>
      %dma_wait3A_72 = arith.constant 0 : i32
      %dma_wait3A_73 = arith.constant 0 : i32
      %dma_wait3A_74 = tpu.memref_slice %arg4[%add3A, %dma_wait3A_72, %dma_wait3A_73] : memref<32x80x128xi32, #tpu.memory_space<hbm>> -> memref<1x80x128xi32, #tpu.memory_space<hbm>>
      %dma_wait3A_75 = tpu.memref_squeeze %dma_wait3A_74 : memref<1x80x128xi32, #tpu.memory_space<hbm>> -> memref<80x128xi32, #tpu.memory_space<hbm>>
      %dma_wait3A_76 = arith.constant 0 : i32
      %dma_wait3A_77 = arith.constant 0 : i32
      %dma_wait3A_78 = tpu.memref_slice %dma_wait3A_75[%dma_wait3A_76, %dma_wait3A_77] : memref<80x128xi32, #tpu.memory_space<hbm>> -> memref<16x128xi32, #tpu.memory_space<hbm>>
      tpu.wait_dma2 semaphore(%run_scoped3A_35 : memref<!tpu.dma_semaphore, #tpu.memory_space<semaphore_mem>>) src(%dma_wait3A_78 : memref<16x128xi32, #tpu.memory_space<hbm>>) dst(%dma_wait3A_71 : memref<16x128xi32, #tpu.memory_space<vmem>>)
      tpu.yield
    }) : () -> ()
    %barrier3A = arith.constant 0 : index
    tpu.barrier barrier_id(%barrier3A)
    %dma_start3A = arith.constant 0 : i32
    %dma_start3A_8 = arith.constant 0 : i32
    %dma_start3A_9 = arith.constant 0 : i32
    %dma_start3A_10 = arith.constant 0 : i32
    %dma_start3A_11 = tpu.memref_slice %arg8[%dma_start3A, %dma_start3A_9, %dma_start3A_10] : memref<2x16x128xi32, #tpu.memory_space<vmem>> -> memref<1x16x128xi32, #tpu.memory_space<vmem>>
    %dma_start3A_12 = tpu.memref_squeeze %dma_start3A_11 : memref<1x16x128xi32, #tpu.memory_space<vmem>> -> memref<16x128xi32, #tpu.memory_space<vmem>>
    %dma_start3A_13 = arith.constant 0 : i32
    %dma_start3A_14 = tpu.memref_slice %dma_start3A_12[%dma_start3A_8, %dma_start3A_13] : memref<16x128xi32, #tpu.memory_space<vmem>> -> memref<1x128xi32, #tpu.memory_space<vmem>>
    %dma_start3A_15 = tpu.memref_squeeze %dma_start3A_14 : memref<1x128xi32, #tpu.memory_space<vmem>> -> memref<128xi32, #tpu.memory_space<vmem>>
    %dma_start3A_16 = arith.constant 0 : i32
    %dma_start3A_17 = arith.constant 0 : i32
    %dma_start3A_18 = tpu.memref_slice %arg2[%dma_start3A_16, %dma_start3A_17] : memref<10000x128xf32, #tpu.memory_space<hbm>> -> memref<10000x128xf32, #tpu.memory_space<hbm>>
    tpu.enqueue_indirect_dma source(%dma_start3A_18 : memref<10000x128xf32, #tpu.memory_space<hbm>>) target(%arg10 : memref<128x128xf32, #tpu.memory_space<vmem>>) offsets(%dma_start3A_15 : memref<128xi32, #tpu.memory_space<vmem>>) semaphore(%arg12 : memref<!tpu.dma_semaphore, #tpu.memory_space<semaphore_mem>>)
    %scan3A = arith.constant 0 : i32
    %scan3A_19 = arith.constant 0 : i32
    %scan3A_20 = arith.constant 40 : i32
    %scan3A_21 = arith.addi %scan3A_19, %scan3A_20 : i32
    %scan3A_22 = arith.constant 1 : i32
    scf.for %scan3A_35 = %scan3A_19 to %scan3A_21 step %scan3A_22  : i32 {
      %mul3A_36 = arith.constant 2 : i32
      %mul3A_37 = arith.muli %scan3A_35, %mul3A_36 : i32
      %jit3A = arith.constant 16 : i32
      %div3A = arith.divsi %mul3A_37, %jit3A : i32
      %sign3A = arith.constant 0 : i32
      %sign3A_38 = arith.cmpi sgt, %mul3A_37, %sign3A : i32
      %sign3A_39 = arith.extui %sign3A_38 : i1 to i32
      %sign3A_40 = arith.constant 0 : i32
      %sign3A_41 = arith.cmpi slt, %mul3A_37, %sign3A_40 : i32
      %sign3A_42 = arith.extui %sign3A_41 : i1 to i32
      %sign3A_43 = arith.subi %sign3A_39, %sign3A_42 : i32
      %sign3A_44 = arith.constant 0 : i32
      %sign3A_45 = arith.cmpi sgt, %jit3A, %sign3A_44 : i32
      %sign3A_46 = arith.extui %sign3A_45 : i1 to i32
      %sign3A_47 = arith.constant 0 : i32
      %sign3A_48 = arith.cmpi slt, %jit3A, %sign3A_47 : i32
      %sign3A_49 = arith.extui %sign3A_48 : i1 to i32
      %sign3A_50 = arith.subi %sign3A_46, %sign3A_49 : i32
      %ne3A = arith.cmpi ne, %sign3A_43, %sign3A_50 : i32
      %rem3A = arith.remsi %mul3A_37, %jit3A : i32
      %ne3A_51 = arith.constant 0 : i32
      %ne3A_52 = arith.cmpi ne, %rem3A, %ne3A_51 : i32
      %and3A = arith.andi %ne3A, %ne3A_52 : i1
      %sub3A = arith.constant 1 : i32
      %sub3A_53 = arith.subi %div3A, %sub3A : i32
      %select_n3A = arith.select %and3A, %sub3A_53, %div3A : i32
      %jit3A_54 = arith.constant 16 : i32
      %eq3A_55 = arith.constant 0 : i32
      %eq3A_56 = arith.cmpi eq, %jit3A_54, %eq3A_55 : i32
      %jit3A_57 = arith.constant 1 : i32
      %select_n3A_58 = arith.select %eq3A_56, %jit3A_57, %jit3A_54 : i32
      %rem3A_59 = arith.remsi %mul3A_37, %select_n3A_58 : i32
      %ne3A_60 = arith.constant 0 : i32
      %ne3A_61 = arith.cmpi ne, %rem3A_59, %ne3A_60 : i32
      %lt3A_62 = arith.constant 0 : i32
      %lt3A_63 = arith.cmpi slt, %rem3A_59, %lt3A_62 : i32
      %lt3A_64 = arith.constant 0 : i32
      %lt3A_65 = arith.cmpi slt, %select_n3A_58, %lt3A_64 : i32
      %ne3A_66 = arith.xori %lt3A_63, %lt3A_65 : i1
      %and3A_67 = arith.andi %ne3A_66, %ne3A_61 : i1
      %add3A_68 = arith.addi %rem3A_59, %select_n3A_58 : i32
      %select_n3A_69 = arith.select %and3A_67, %add3A_68, %rem3A_59 : i32
      %eq3A_70 = arith.constant 0 : i32
      %eq3A_71 = arith.cmpi eq, %select_n3A_69, %eq3A_70 : i32
      %add3A_72 = arith.constant 1 : i32
      %add3A_73 = arith.addi %select_n3A, %add3A_72 : i32
      %lt3A_74 = arith.constant 5 : i32
      %lt3A_75 = arith.cmpi slt, %add3A_73, %lt3A_74 : i32
      %and3A_76 = arith.andi %eq3A_71, %lt3A_75 : i1
      %convert_element_type3A_77 = arith.extui %and3A_76 : i1 to i32
      %cond3A_78 = arith.constant 0 : i32
      %cond3A_79 = arith.cmpi ne, %convert_element_type3A_77, %cond3A_78 : i32
      scf.if %cond3A_79 {
        %add3A_410 = arith.constant 1 : i32
        %add3A_411 = arith.addi %select_n3A, %add3A_410 : i32
        %jit3A_412 = arith.constant 2 : i32
        %eq3A_413 = arith.constant 0 : i32
        %eq3A_414 = arith.cmpi eq, %jit3A_412, %eq3A_413 : i32
        %jit3A_415 = arith.constant 1 : i32
        %select_n3A_416 = arith.select %eq3A_414, %jit3A_415, %jit3A_412 : i32
        %rem3A_417 = arith.remsi %select_n3A, %select_n3A_416 : i32
        %ne3A_418 = arith.constant 0 : i32
        %ne3A_419 = arith.cmpi ne, %rem3A_417, %ne3A_418 : i32
        %lt3A_420 = arith.constant 0 : i32
        %lt3A_421 = arith.cmpi slt, %rem3A_417, %lt3A_420 : i32
        %lt3A_422 = arith.constant 0 : i32
        %lt3A_423 = arith.cmpi slt, %select_n3A_416, %lt3A_422 : i32
        %ne3A_424 = arith.xori %lt3A_421, %lt3A_423 : i1
        %and3A_425 = arith.andi %ne3A_424, %ne3A_419 : i1
        %add3A_426 = arith.addi %rem3A_417, %select_n3A_416 : i32
        %select_n3A_427 = arith.select %and3A_425, %add3A_426, %rem3A_417 : i32
        %sub3A_428 = arith.constant 1 : i32
        %sub3A_429 = arith.subi %sub3A_428, %select_n3A_427 : i32
        %mul3A_430 = arith.constant 16 : i32
        %mul3A_431 = arith.muli %add3A_411, %mul3A_430 : i32
        %dma_start3A_432 = arith.constant 0 : i32
        %dma_start3A_433 = arith.constant 0 : i32
        %dma_start3A_434 = tpu.memref_slice %arg8[%sub3A_429, %dma_start3A_432, %dma_start3A_433] : memref<2x16x128xi32, #tpu.memory_space<vmem>> -> memref<1x16x128xi32, #tpu.memory_space<vmem>>
        %dma_start3A_435 = tpu.memref_squeeze %dma_start3A_434 : memref<1x16x128xi32, #tpu.memory_space<vmem>> -> memref<16x128xi32, #tpu.memory_space<vmem>>
        %dma_start3A_436 = arith.constant 0 : i32
        %dma_start3A_437 = arith.constant 0 : i32
        %dma_start3A_438 = tpu.memref_slice %arg3[%add3A, %dma_start3A_436, %dma_start3A_437] : memref<32x80x128xi32, #tpu.memory_space<hbm>> -> memref<1x80x128xi32, #tpu.memory_space<hbm>>
        %dma_start3A_439 = tpu.memref_squeeze %dma_start3A_438 : memref<1x80x128xi32, #tpu.memory_space<hbm>> -> memref<80x128xi32, #tpu.memory_space<hbm>>
        %dma_start3A_440 = arith.constant 0 : i32
        %dma_start3A_441 = tpu.memref_slice %dma_start3A_439[%mul3A_431, %dma_start3A_440] : memref<80x128xi32, #tpu.memory_space<hbm>> -> memref<16x128xi32, #tpu.memory_space<hbm>>
        %dma_start3A_442 = arith.constant 0 : i32
        %dma_start3A_443 = arith.constant 0 : i32
        %dma_start3A_444 = tpu.memref_slice %arg8[%sub3A_429, %dma_start3A_442, %dma_start3A_443] : memref<2x16x128xi32, #tpu.memory_space<vmem>> -> memref<1x16x128xi32, #tpu.memory_space<vmem>>
        %dma_start3A_445 = tpu.memref_squeeze %dma_start3A_444 : memref<1x16x128xi32, #tpu.memory_space<vmem>> -> memref<16x128xi32, #tpu.memory_space<vmem>>
        %dma_start3A_446 = arith.constant 0 : i32
        %dma_start3A_447 = arith.constant 0 : i32
        %dma_start3A_448 = tpu.memref_slice %arg3[%add3A, %dma_start3A_446, %dma_start3A_447] : memref<32x80x128xi32, #tpu.memory_space<hbm>> -> memref<1x80x128xi32, #tpu.memory_space<hbm>>
        %dma_start3A_449 = tpu.memref_squeeze %dma_start3A_448 : memref<1x80x128xi32, #tpu.memory_space<hbm>> -> memref<80x128xi32, #tpu.memory_space<hbm>>
        %dma_start3A_450 = arith.constant 0 : i32
        %dma_start3A_451 = tpu.memref_slice %dma_start3A_449[%mul3A_431, %dma_start3A_450] : memref<80x128xi32, #tpu.memory_space<hbm>> -> memref<16x128xi32, #tpu.memory_space<hbm>>
        tpu.enqueue_dma source(%dma_start3A_451 : memref<16x128xi32, #tpu.memory_space<hbm>>) target(%dma_start3A_445 : memref<16x128xi32, #tpu.memory_space<vmem>>) target_semaphore(%arg14 : memref<!tpu.dma_semaphore, #tpu.memory_space<semaphore_mem>>)
        %mul3A_452 = arith.constant 16 : i32
        %mul3A_453 = arith.muli %add3A_411, %mul3A_452 : i32
        %dma_start3A_454 = arith.constant 0 : i32
        %dma_start3A_455 = arith.constant 0 : i32
        %dma_start3A_456 = tpu.memref_slice %arg9[%sub3A_429, %dma_start3A_454, %dma_start3A_455] : memref<2x16x128xi32, #tpu.memory_space<vmem>> -> memref<1x16x128xi32, #tpu.memory_space<vmem>>
        %dma_start3A_457 = tpu.memref_squeeze %dma_start3A_456 : memref<1x16x128xi32, #tpu.memory_space<vmem>> -> memref<16x128xi32, #tpu.memory_space<vmem>>
        %dma_start3A_458 = arith.constant 0 : i32
        %dma_start3A_459 = arith.constant 0 : i32
        %dma_start3A_460 = tpu.memref_slice %arg4[%add3A, %dma_start3A_458, %dma_start3A_459] : memref<32x80x128xi32, #tpu.memory_space<hbm>> -> memref<1x80x128xi32, #tpu.memory_space<hbm>>
        %dma_start3A_461 = tpu.memref_squeeze %dma_start3A_460 : memref<1x80x128xi32, #tpu.memory_space<hbm>> -> memref<80x128xi32, #tpu.memory_space<hbm>>
        %dma_start3A_462 = arith.constant 0 : i32
        %dma_start3A_463 = tpu.memref_slice %dma_start3A_461[%mul3A_453, %dma_start3A_462] : memref<80x128xi32, #tpu.memory_space<hbm>> -> memref<16x128xi32, #tpu.memory_space<hbm>>
        %dma_start3A_464 = arith.constant 0 : i32
        %dma_start3A_465 = arith.constant 0 : i32
        %dma_start3A_466 = tpu.memref_slice %arg9[%sub3A_429, %dma_start3A_464, %dma_start3A_465] : memref<2x16x128xi32, #tpu.memory_space<vmem>> -> memref<1x16x128xi32, #tpu.memory_space<vmem>>
        %dma_start3A_467 = tpu.memref_squeeze %dma_start3A_466 : memref<1x16x128xi32, #tpu.memory_space<vmem>> -> memref<16x128xi32, #tpu.memory_space<vmem>>
        %dma_start3A_468 = arith.constant 0 : i32
        %dma_start3A_469 = arith.constant 0 : i32
        %dma_start3A_470 = tpu.memref_slice %arg4[%add3A, %dma_start3A_468, %dma_start3A_469] : memref<32x80x128xi32, #tpu.memory_space<hbm>> -> memref<1x80x128xi32, #tpu.memory_space<hbm>>
        %dma_start3A_471 = tpu.memref_squeeze %dma_start3A_470 : memref<1x80x128xi32, #tpu.memory_space<hbm>> -> memref<80x128xi32, #tpu.memory_space<hbm>>
        %dma_start3A_472 = arith.constant 0 : i32
        %dma_start3A_473 = tpu.memref_slice %dma_start3A_471[%mul3A_453, %dma_start3A_472] : memref<80x128xi32, #tpu.memory_space<hbm>> -> memref<16x128xi32, #tpu.memory_space<hbm>>
        tpu.enqueue_dma source(%dma_start3A_473 : memref<16x128xi32, #tpu.memory_space<hbm>>) target(%dma_start3A_467 : memref<16x128xi32, #tpu.memory_space<vmem>>) target_semaphore(%arg14 : memref<!tpu.dma_semaphore, #tpu.memory_space<semaphore_mem>>)
      } else {
      }
      %eq3A_80 = arith.constant 14 : i32
      %eq3A_81 = arith.cmpi eq, %select_n3A_69, %eq3A_80 : i32
      %add3A_82 = arith.constant 2 : i32
      %add3A_83 = arith.addi %mul3A_37, %add3A_82 : i32
      %lt3A_84 = arith.constant 80 : i32
      %lt3A_85 = arith.cmpi slt, %add3A_83, %lt3A_84 : i32
      %and3A_86 = arith.andi %eq3A_81, %lt3A_85 : i1
      %convert_element_type3A_87 = arith.extui %and3A_86 : i1 to i32
      %cond3A_88 = arith.constant 0 : i32
      %cond3A_89 = arith.cmpi ne, %convert_element_type3A_87, %cond3A_88 : i32
      scf.if %cond3A_89 {
        %add3A_410 = arith.constant 1 : i32
        %add3A_411 = arith.addi %select_n3A, %add3A_410 : i32
        %jit3A_412 = arith.constant 2 : i32
        %eq3A_413 = arith.constant 0 : i32
        %eq3A_414 = arith.cmpi eq, %jit3A_412, %eq3A_413 : i32
        %jit3A_415 = arith.constant 1 : i32
        %select_n3A_416 = arith.select %eq3A_414, %jit3A_415, %jit3A_412 : i32
        %rem3A_417 = arith.remsi %select_n3A, %select_n3A_416 : i32
        %ne3A_418 = arith.constant 0 : i32
        %ne3A_419 = arith.cmpi ne, %rem3A_417, %ne3A_418 : i32
        %lt3A_420 = arith.constant 0 : i32
        %lt3A_421 = arith.cmpi slt, %rem3A_417, %lt3A_420 : i32
        %lt3A_422 = arith.constant 0 : i32
        %lt3A_423 = arith.cmpi slt, %select_n3A_416, %lt3A_422 : i32
        %ne3A_424 = arith.xori %lt3A_421, %lt3A_423 : i1
        %and3A_425 = arith.andi %ne3A_424, %ne3A_419 : i1
        %add3A_426 = arith.addi %rem3A_417, %select_n3A_416 : i32
        %select_n3A_427 = arith.select %and3A_425, %add3A_426, %rem3A_417 : i32
        %sub3A_428 = arith.constant 1 : i32
        %sub3A_429 = arith.subi %sub3A_428, %select_n3A_427 : i32
        %mul3A_430 = arith.constant 16 : i32
        %mul3A_431 = arith.muli %add3A_411, %mul3A_430 : i32
        %mul3A_432 = arith.constant 16 : i32
        %mul3A_433 = arith.muli %add3A_411, %mul3A_432 : i32
        %dma_wait3A_434 = arith.constant 0 : i32
        %dma_wait3A_435 = arith.constant 0 : i32
        %dma_wait3A_436 = tpu.memref_slice %arg8[%sub3A_429, %dma_wait3A_434, %dma_wait3A_435] : memref<2x16x128xi32, #tpu.memory_space<vmem>> -> memref<1x16x128xi32, #tpu.memory_space<vmem>>
        %dma_wait3A_437 = tpu.memref_squeeze %dma_wait3A_436 : memref<1x16x128xi32, #tpu.memory_space<vmem>> -> memref<16x128xi32, #tpu.memory_space<vmem>>
        %dma_wait3A_438 = arith.constant 0 : i32
        %dma_wait3A_439 = arith.constant 0 : i32
        %dma_wait3A_440 = tpu.memref_slice %arg3[%add3A, %dma_wait3A_438, %dma_wait3A_439] : memref<32x80x128xi32, #tpu.memory_space<hbm>> -> memref<1x80x128xi32, #tpu.memory_space<hbm>>
        %dma_wait3A_441 = tpu.memref_squeeze %dma_wait3A_440 : memref<1x80x128xi32, #tpu.memory_space<hbm>> -> memref<80x128xi32, #tpu.memory_space<hbm>>
        %dma_wait3A_442 = arith.constant 0 : i32
        %dma_wait3A_443 = tpu.memref_slice %dma_wait3A_441[%mul3A_431, %dma_wait3A_442] : memref<80x128xi32, #tpu.memory_space<hbm>> -> memref<16x128xi32, #tpu.memory_space<hbm>>
        %dma_wait3A_444 = arith.constant 0 : i32
        %dma_wait3A_445 = arith.constant 0 : i32
        %dma_wait3A_446 = tpu.memref_slice %arg8[%sub3A_429, %dma_wait3A_444, %dma_wait3A_445] : memref<2x16x128xi32, #tpu.memory_space<vmem>> -> memref<1x16x128xi32, #tpu.memory_space<vmem>>
        %dma_wait3A_447 = tpu.memref_squeeze %dma_wait3A_446 : memref<1x16x128xi32, #tpu.memory_space<vmem>> -> memref<16x128xi32, #tpu.memory_space<vmem>>
        %dma_wait3A_448 = arith.constant 0 : i32
        %dma_wait3A_449 = arith.constant 0 : i32
        %dma_wait3A_450 = tpu.memref_slice %arg3[%add3A, %dma_wait3A_448, %dma_wait3A_449] : memref<32x80x128xi32, #tpu.memory_space<hbm>> -> memref<1x80x128xi32, #tpu.memory_space<hbm>>
        %dma_wait3A_451 = tpu.memref_squeeze %dma_wait3A_450 : memref<1x80x128xi32, #tpu.memory_space<hbm>> -> memref<80x128xi32, #tpu.memory_space<hbm>>
        %dma_wait3A_452 = arith.constant 0 : i32
        %dma_wait3A_453 = tpu.memref_slice %dma_wait3A_451[%mul3A_431, %dma_wait3A_452] : memref<80x128xi32, #tpu.memory_space<hbm>> -> memref<16x128xi32, #tpu.memory_space<hbm>>
        tpu.wait_dma2 semaphore(%arg14 : memref<!tpu.dma_semaphore, #tpu.memory_space<semaphore_mem>>) src(%dma_wait3A_453 : memref<16x128xi32, #tpu.memory_space<hbm>>) dst(%dma_wait3A_447 : memref<16x128xi32, #tpu.memory_space<vmem>>)
        %dma_wait3A_454 = arith.constant 0 : i32
        %dma_wait3A_455 = arith.constant 0 : i32
        %dma_wait3A_456 = tpu.memref_slice %arg9[%sub3A_429, %dma_wait3A_454, %dma_wait3A_455] : memref<2x16x128xi32, #tpu.memory_space<vmem>> -> memref<1x16x128xi32, #tpu.memory_space<vmem>>
        %dma_wait3A_457 = tpu.memref_squeeze %dma_wait3A_456 : memref<1x16x128xi32, #tpu.memory_space<vmem>> -> memref<16x128xi32, #tpu.memory_space<vmem>>
        %dma_wait3A_458 = arith.constant 0 : i32
        %dma_wait3A_459 = arith.constant 0 : i32
        %dma_wait3A_460 = tpu.memref_slice %arg4[%add3A, %dma_wait3A_458, %dma_wait3A_459] : memref<32x80x128xi32, #tpu.memory_space<hbm>> -> memref<1x80x128xi32, #tpu.memory_space<hbm>>
        %dma_wait3A_461 = tpu.memref_squeeze %dma_wait3A_460 : memref<1x80x128xi32, #tpu.memory_space<hbm>> -> memref<80x128xi32, #tpu.memory_space<hbm>>
        %dma_wait3A_462 = arith.constant 0 : i32
        %dma_wait3A_463 = tpu.memref_slice %dma_wait3A_461[%mul3A_433, %dma_wait3A_462] : memref<80x128xi32, #tpu.memory_space<hbm>> -> memref<16x128xi32, #tpu.memory_space<hbm>>
        %dma_wait3A_464 = arith.constant 0 : i32
        %dma_wait3A_465 = arith.constant 0 : i32
        %dma_wait3A_466 = tpu.memref_slice %arg9[%sub3A_429, %dma_wait3A_464, %dma_wait3A_465] : memref<2x16x128xi32, #tpu.memory_space<vmem>> -> memref<1x16x128xi32, #tpu.memory_space<vmem>>
        %dma_wait3A_467 = tpu.memref_squeeze %dma_wait3A_466 : memref<1x16x128xi32, #tpu.memory_space<vmem>> -> memref<16x128xi32, #tpu.memory_space<vmem>>
        %dma_wait3A_468 = arith.constant 0 : i32
        %dma_wait3A_469 = arith.constant 0 : i32
        %dma_wait3A_470 = tpu.memref_slice %arg4[%add3A, %dma_wait3A_468, %dma_wait3A_469] : memref<32x80x128xi32, #tpu.memory_space<hbm>> -> memref<1x80x128xi32, #tpu.memory_space<hbm>>
        %dma_wait3A_471 = tpu.memref_squeeze %dma_wait3A_470 : memref<1x80x128xi32, #tpu.memory_space<hbm>> -> memref<80x128xi32, #tpu.memory_space<hbm>>
        %dma_wait3A_472 = arith.constant 0 : i32
        %dma_wait3A_473 = tpu.memref_slice %dma_wait3A_471[%mul3A_433, %dma_wait3A_472] : memref<80x128xi32, #tpu.memory_space<hbm>> -> memref<16x128xi32, #tpu.memory_space<hbm>>
        tpu.wait_dma2 semaphore(%arg14 : memref<!tpu.dma_semaphore, #tpu.memory_space<semaphore_mem>>) src(%dma_wait3A_473 : memref<16x128xi32, #tpu.memory_space<hbm>>) dst(%dma_wait3A_467 : memref<16x128xi32, #tpu.memory_space<vmem>>)
      } else {
      }
      %add3A_90 = arith.constant 1 : i32
      %add3A_91 = arith.addi %mul3A_37, %add3A_90 : i32
      %jit3A_92 = arith.constant 16 : i32
      %div3A_93 = arith.divsi %add3A_91, %jit3A_92 : i32
      %sign3A_94 = arith.constant 0 : i32
      %sign3A_95 = arith.cmpi sgt, %add3A_91, %sign3A_94 : i32
      %sign3A_96 = arith.extui %sign3A_95 : i1 to i32
      %sign3A_97 = arith.constant 0 : i32
      %sign3A_98 = arith.cmpi slt, %add3A_91, %sign3A_97 : i32
      %sign3A_99 = arith.extui %sign3A_98 : i1 to i32
      %sign3A_100 = arith.subi %sign3A_96, %sign3A_99 : i32
      %sign3A_101 = arith.constant 0 : i32
      %sign3A_102 = arith.cmpi sgt, %jit3A_92, %sign3A_101 : i32
      %sign3A_103 = arith.extui %sign3A_102 : i1 to i32
      %sign3A_104 = arith.constant 0 : i32
      %sign3A_105 = arith.cmpi slt, %jit3A_92, %sign3A_104 : i32
      %sign3A_106 = arith.extui %sign3A_105 : i1 to i32
      %sign3A_107 = arith.subi %sign3A_103, %sign3A_106 : i32
      %ne3A_108 = arith.cmpi ne, %sign3A_100, %sign3A_107 : i32
      %rem3A_109 = arith.remsi %add3A_91, %jit3A_92 : i32
      %ne3A_110 = arith.constant 0 : i32
      %ne3A_111 = arith.cmpi ne, %rem3A_109, %ne3A_110 : i32
      %and3A_112 = arith.andi %ne3A_108, %ne3A_111 : i1
      %sub3A_113 = arith.constant 1 : i32
      %sub3A_114 = arith.subi %div3A_93, %sub3A_113 : i32
      %select_n3A_115 = arith.select %and3A_112, %sub3A_114, %div3A_93 : i32
      %jit3A_116 = arith.constant 2 : i32
      %eq3A_117 = arith.constant 0 : i32
      %eq3A_118 = arith.cmpi eq, %jit3A_116, %eq3A_117 : i32
      %jit3A_119 = arith.constant 1 : i32
      %select_n3A_120 = arith.select %eq3A_118, %jit3A_119, %jit3A_116 : i32
      %rem3A_121 = arith.remsi %select_n3A_115, %select_n3A_120 : i32
      %ne3A_122 = arith.constant 0 : i32
      %ne3A_123 = arith.cmpi ne, %rem3A_121, %ne3A_122 : i32
      %lt3A_124 = arith.constant 0 : i32
      %lt3A_125 = arith.cmpi slt, %rem3A_121, %lt3A_124 : i32
      %lt3A_126 = arith.constant 0 : i32
      %lt3A_127 = arith.cmpi slt, %select_n3A_120, %lt3A_126 : i32
      %ne3A_128 = arith.xori %lt3A_125, %lt3A_127 : i1
      %and3A_129 = arith.andi %ne3A_128, %ne3A_123 : i1
      %add3A_130 = arith.addi %rem3A_121, %select_n3A_120 : i32
      %select_n3A_131 = arith.select %and3A_129, %add3A_130, %rem3A_121 : i32
      %jit3A_132 = arith.constant 16 : i32
      %eq3A_133 = arith.constant 0 : i32
      %eq3A_134 = arith.cmpi eq, %jit3A_132, %eq3A_133 : i32
      %jit3A_135 = arith.constant 1 : i32
      %select_n3A_136 = arith.select %eq3A_134, %jit3A_135, %jit3A_132 : i32
      %rem3A_137 = arith.remsi %add3A_91, %select_n3A_136 : i32
      %ne3A_138 = arith.constant 0 : i32
      %ne3A_139 = arith.cmpi ne, %rem3A_137, %ne3A_138 : i32
      %lt3A_140 = arith.constant 0 : i32
      %lt3A_141 = arith.cmpi slt, %rem3A_137, %lt3A_140 : i32
      %lt3A_142 = arith.constant 0 : i32
      %lt3A_143 = arith.cmpi slt, %select_n3A_136, %lt3A_142 : i32
      %ne3A_144 = arith.xori %lt3A_141, %lt3A_143 : i1
      %and3A_145 = arith.andi %ne3A_144, %ne3A_139 : i1
      %add3A_146 = arith.addi %rem3A_137, %select_n3A_136 : i32
      %select_n3A_147 = arith.select %and3A_145, %add3A_146, %rem3A_137 : i32
      %dma_start3A_148 = arith.constant 0 : i32
      %dma_start3A_149 = arith.constant 0 : i32
      %dma_start3A_150 = tpu.memref_slice %arg8[%select_n3A_131, %dma_start3A_148, %dma_start3A_149] : memref<2x16x128xi32, #tpu.memory_space<vmem>> -> memref<1x16x128xi32, #tpu.memory_space<vmem>>
      %dma_start3A_151 = tpu.memref_squeeze %dma_start3A_150 : memref<1x16x128xi32, #tpu.memory_space<vmem>> -> memref<16x128xi32, #tpu.memory_space<vmem>>
      %dma_start3A_152 = arith.constant 0 : i32
      %dma_start3A_153 = tpu.memref_slice %dma_start3A_151[%select_n3A_147, %dma_start3A_152] : memref<16x128xi32, #tpu.memory_space<vmem>> -> memref<1x128xi32, #tpu.memory_space<vmem>>
      %dma_start3A_154 = tpu.memref_squeeze %dma_start3A_153 : memref<1x128xi32, #tpu.memory_space<vmem>> -> memref<128xi32, #tpu.memory_space<vmem>>
      %dma_start3A_155 = arith.constant 0 : i32
      %dma_start3A_156 = arith.constant 0 : i32
      %dma_start3A_157 = tpu.memref_slice %arg2[%dma_start3A_155, %dma_start3A_156] : memref<10000x128xf32, #tpu.memory_space<hbm>> -> memref<10000x128xf32, #tpu.memory_space<hbm>>
      tpu.enqueue_indirect_dma source(%dma_start3A_157 : memref<10000x128xf32, #tpu.memory_space<hbm>>) target(%arg11 : memref<128x128xf32, #tpu.memory_space<vmem>>) offsets(%dma_start3A_154 : memref<128xi32, #tpu.memory_space<vmem>>) semaphore(%arg13 : memref<!tpu.dma_semaphore, #tpu.memory_space<semaphore_mem>>)
      %jit3A_158 = arith.constant 16 : i32
      %div3A_159 = arith.divsi %mul3A_37, %jit3A_158 : i32
      %sign3A_160 = arith.constant 0 : i32
      %sign3A_161 = arith.cmpi sgt, %mul3A_37, %sign3A_160 : i32
      %sign3A_162 = arith.extui %sign3A_161 : i1 to i32
      %sign3A_163 = arith.constant 0 : i32
      %sign3A_164 = arith.cmpi slt, %mul3A_37, %sign3A_163 : i32
      %sign3A_165 = arith.extui %sign3A_164 : i1 to i32
      %sign3A_166 = arith.subi %sign3A_162, %sign3A_165 : i32
      %sign3A_167 = arith.constant 0 : i32
      %sign3A_168 = arith.cmpi sgt, %jit3A_158, %sign3A_167 : i32
      %sign3A_169 = arith.extui %sign3A_168 : i1 to i32
      %sign3A_170 = arith.constant 0 : i32
      %sign3A_171 = arith.cmpi slt, %jit3A_158, %sign3A_170 : i32
      %sign3A_172 = arith.extui %sign3A_171 : i1 to i32
      %sign3A_173 = arith.subi %sign3A_169, %sign3A_172 : i32
      %ne3A_174 = arith.cmpi ne, %sign3A_166, %sign3A_173 : i32
      %rem3A_175 = arith.remsi %mul3A_37, %jit3A_158 : i32
      %ne3A_176 = arith.constant 0 : i32
      %ne3A_177 = arith.cmpi ne, %rem3A_175, %ne3A_176 : i32
      %and3A_178 = arith.andi %ne3A_174, %ne3A_177 : i1
      %sub3A_179 = arith.constant 1 : i32
      %sub3A_180 = arith.subi %div3A_159, %sub3A_179 : i32
      %select_n3A_181 = arith.select %and3A_178, %sub3A_180, %div3A_159 : i32
      %jit3A_182 = arith.constant 2 : i32
      %eq3A_183 = arith.constant 0 : i32
      %eq3A_184 = arith.cmpi eq, %jit3A_182, %eq3A_183 : i32
      %jit3A_185 = arith.constant 1 : i32
      %select_n3A_186 = arith.select %eq3A_184, %jit3A_185, %jit3A_182 : i32
      %rem3A_187 = arith.remsi %select_n3A_181, %select_n3A_186 : i32
      %ne3A_188 = arith.constant 0 : i32
      %ne3A_189 = arith.cmpi ne, %rem3A_187, %ne3A_188 : i32
      %lt3A_190 = arith.constant 0 : i32
      %lt3A_191 = arith.cmpi slt, %rem3A_187, %lt3A_190 : i32
      %lt3A_192 = arith.constant 0 : i32
      %lt3A_193 = arith.cmpi slt, %select_n3A_186, %lt3A_192 : i32
      %ne3A_194 = arith.xori %lt3A_191, %lt3A_193 : i1
      %and3A_195 = arith.andi %ne3A_194, %ne3A_189 : i1
      %add3A_196 = arith.addi %rem3A_187, %select_n3A_186 : i32
      %select_n3A_197 = arith.select %and3A_195, %add3A_196, %rem3A_187 : i32
      %jit3A_198 = arith.constant 16 : i32
      %eq3A_199 = arith.constant 0 : i32
      %eq3A_200 = arith.cmpi eq, %jit3A_198, %eq3A_199 : i32
      %jit3A_201 = arith.constant 1 : i32
      %select_n3A_202 = arith.select %eq3A_200, %jit3A_201, %jit3A_198 : i32
      %rem3A_203 = arith.remsi %mul3A_37, %select_n3A_202 : i32
      %ne3A_204 = arith.constant 0 : i32
      %ne3A_205 = arith.cmpi ne, %rem3A_203, %ne3A_204 : i32
      %lt3A_206 = arith.constant 0 : i32
      %lt3A_207 = arith.cmpi slt, %rem3A_203, %lt3A_206 : i32
      %lt3A_208 = arith.constant 0 : i32
      %lt3A_209 = arith.cmpi slt, %select_n3A_202, %lt3A_208 : i32
      %ne3A_210 = arith.xori %lt3A_207, %lt3A_209 : i1
      %and3A_211 = arith.andi %ne3A_210, %ne3A_205 : i1
      %add3A_212 = arith.addi %rem3A_203, %select_n3A_202 : i32
      %select_n3A_213 = arith.select %and3A_211, %add3A_212, %rem3A_203 : i32
      %jit3A_214 = arith.constant 16 : i32
      %div3A_215 = arith.divsi %mul3A_37, %jit3A_214 : i32
      %sign3A_216 = arith.constant 0 : i32
      %sign3A_217 = arith.cmpi sgt, %mul3A_37, %sign3A_216 : i32
      %sign3A_218 = arith.extui %sign3A_217 : i1 to i32
      %sign3A_219 = arith.constant 0 : i32
      %sign3A_220 = arith.cmpi slt, %mul3A_37, %sign3A_219 : i32
      %sign3A_221 = arith.extui %sign3A_220 : i1 to i32
      %sign3A_222 = arith.subi %sign3A_218, %sign3A_221 : i32
      %sign3A_223 = arith.constant 0 : i32
      %sign3A_224 = arith.cmpi sgt, %jit3A_214, %sign3A_223 : i32
      %sign3A_225 = arith.extui %sign3A_224 : i1 to i32
      %sign3A_226 = arith.constant 0 : i32
      %sign3A_227 = arith.cmpi slt, %jit3A_214, %sign3A_226 : i32
      %sign3A_228 = arith.extui %sign3A_227 : i1 to i32
      %sign3A_229 = arith.subi %sign3A_225, %sign3A_228 : i32
      %ne3A_230 = arith.cmpi ne, %sign3A_222, %sign3A_229 : i32
      %rem3A_231 = arith.remsi %mul3A_37, %jit3A_214 : i32
      %ne3A_232 = arith.constant 0 : i32
      %ne3A_233 = arith.cmpi ne, %rem3A_231, %ne3A_232 : i32
      %and3A_234 = arith.andi %ne3A_230, %ne3A_233 : i1
      %sub3A_235 = arith.constant 1 : i32
      %sub3A_236 = arith.subi %div3A_215, %sub3A_235 : i32
      %select_n3A_237 = arith.select %and3A_234, %sub3A_236, %div3A_215 : i32
      %jit3A_238 = arith.constant 2 : i32
      %eq3A_239 = arith.constant 0 : i32
      %eq3A_240 = arith.cmpi eq, %jit3A_238, %eq3A_239 : i32
      %jit3A_241 = arith.constant 1 : i32
      %select_n3A_242 = arith.select %eq3A_240, %jit3A_241, %jit3A_238 : i32
      %rem3A_243 = arith.remsi %select_n3A_237, %select_n3A_242 : i32
      %ne3A_244 = arith.constant 0 : i32
      %ne3A_245 = arith.cmpi ne, %rem3A_243, %ne3A_244 : i32
      %lt3A_246 = arith.constant 0 : i32
      %lt3A_247 = arith.cmpi slt, %rem3A_243, %lt3A_246 : i32
      %lt3A_248 = arith.constant 0 : i32
      %lt3A_249 = arith.cmpi slt, %select_n3A_242, %lt3A_248 : i32
      %ne3A_250 = arith.xori %lt3A_247, %lt3A_249 : i1
      %and3A_251 = arith.andi %ne3A_250, %ne3A_245 : i1
      %add3A_252 = arith.addi %rem3A_243, %select_n3A_242 : i32
      %select_n3A_253 = arith.select %and3A_251, %add3A_252, %rem3A_243 : i32
      %jit3A_254 = arith.constant 16 : i32
      %eq3A_255 = arith.constant 0 : i32
      %eq3A_256 = arith.cmpi eq, %jit3A_254, %eq3A_255 : i32
      %jit3A_257 = arith.constant 1 : i32
      %select_n3A_258 = arith.select %eq3A_256, %jit3A_257, %jit3A_254 : i32
      %rem3A_259 = arith.remsi %mul3A_37, %select_n3A_258 : i32
      %ne3A_260 = arith.constant 0 : i32
      %ne3A_261 = arith.cmpi ne, %rem3A_259, %ne3A_260 : i32
      %lt3A_262 = arith.constant 0 : i32
      %lt3A_263 = arith.cmpi slt, %rem3A_259, %lt3A_262 : i32
      %lt3A_264 = arith.constant 0 : i32
      %lt3A_265 = arith.cmpi slt, %select_n3A_258, %lt3A_264 : i32
      %ne3A_266 = arith.xori %lt3A_263, %lt3A_265 : i1
      %and3A_267 = arith.andi %ne3A_266, %ne3A_261 : i1
      %add3A_268 = arith.addi %rem3A_259, %select_n3A_258 : i32
      %select_n3A_269 = arith.select %and3A_267, %add3A_268, %rem3A_259 : i32
      %dma_wait3A = arith.constant 0 : i32
      %dma_wait3A_270 = arith.constant 0 : i32
      %dma_wait3A_271 = tpu.memref_slice %arg8[%select_n3A_197, %dma_wait3A, %dma_wait3A_270] : memref<2x16x128xi32, #tpu.memory_space<vmem>> -> memref<1x16x128xi32, #tpu.memory_space<vmem>>
      %dma_wait3A_272 = tpu.memref_squeeze %dma_wait3A_271 : memref<1x16x128xi32, #tpu.memory_space<vmem>> -> memref<16x128xi32, #tpu.memory_space<vmem>>
      %dma_wait3A_273 = arith.constant 0 : i32
      %dma_wait3A_274 = tpu.memref_slice %dma_wait3A_272[%select_n3A_213, %dma_wait3A_273] : memref<16x128xi32, #tpu.memory_space<vmem>> -> memref<1x128xi32, #tpu.memory_space<vmem>>
      %dma_wait3A_275 = tpu.memref_squeeze %dma_wait3A_274 : memref<1x128xi32, #tpu.memory_space<vmem>> -> memref<128xi32, #tpu.memory_space<vmem>>
      %dma_wait3A_276 = arith.constant 0 : i32
      %dma_wait3A_277 = arith.constant 0 : i32
      %dma_wait3A_278 = tpu.memref_slice %arg2[%dma_wait3A_276, %dma_wait3A_277] : memref<10000x128xf32, #tpu.memory_space<hbm>> -> memref<10000x128xf32, #tpu.memory_space<hbm>>
      tpu.wait_indirect_dma semaphore(%arg12 : memref<!tpu.dma_semaphore, #tpu.memory_space<semaphore_mem>>) src(%dma_wait3A_278 : memref<10000x128xf32, #tpu.memory_space<hbm>>) dst(%arg10 : memref<128x128xf32, #tpu.memory_space<vmem>>)
      "tpu.region"() ({
        %run_scoped3A_410 = tpu.sem_alloc : memref<!tpu.dma_semaphore, #tpu.memory_space<semaphore_mem>>
        %dma_start3A_411 = arith.constant 0 : i32
        %dma_start3A_412 = arith.constant 0 : i32
        %dma_start3A_413 = tpu.memref_slice %arg9[%select_n3A_253, %dma_start3A_411, %dma_start3A_412] : memref<2x16x128xi32, #tpu.memory_space<vmem>> -> memref<1x16x128xi32, #tpu.memory_space<vmem>>
        %dma_start3A_414 = tpu.memref_squeeze %dma_start3A_413 : memref<1x16x128xi32, #tpu.memory_space<vmem>> -> memref<16x128xi32, #tpu.memory_space<vmem>>
        %dma_start3A_415 = arith.constant 0 : i32
        %dma_start3A_416 = tpu.memref_slice %dma_start3A_414[%select_n3A_269, %dma_start3A_415] : memref<16x128xi32, #tpu.memory_space<vmem>> -> memref<1x128xi32, #tpu.memory_space<vmem>>
        %dma_start3A_417 = tpu.memref_squeeze %dma_start3A_416 : memref<1x128xi32, #tpu.memory_space<vmem>> -> memref<128xi32, #tpu.memory_space<vmem>>
        %dma_start3A_418 = arith.constant 0 : i32
        %dma_start3A_419 = arith.constant 0 : i32
        %dma_start3A_420 = tpu.memref_slice %arg7[%dma_start3A_418, %dma_start3A_419] : memref<10008x128xf32, #tpu.memory_space<vmem_shared>> -> memref<10008x128xf32, #tpu.memory_space<vmem_shared>>
        tpu.enqueue_indirect_dma source(%arg10 : memref<128x128xf32, #tpu.memory_space<vmem>>) target(%dma_start3A_420 : memref<10008x128xf32, #tpu.memory_space<vmem_shared>>) offsets(%dma_start3A_417 : memref<128xi32, #tpu.memory_space<vmem>>) semaphore(%run_scoped3A_410 : memref<!tpu.dma_semaphore, #tpu.memory_space<semaphore_mem>>) {add = true}
        %dma_wait3A_421 = arith.constant 0 : i32
        %dma_wait3A_422 = arith.constant 0 : i32
        %dma_wait3A_423 = tpu.memref_slice %arg9[%select_n3A_253, %dma_wait3A_421, %dma_wait3A_422] : memref<2x16x128xi32, #tpu.memory_space<vmem>> -> memref<1x16x128xi32, #tpu.memory_space<vmem>>
        %dma_wait3A_424 = tpu.memref_squeeze %dma_wait3A_423 : memref<1x16x128xi32, #tpu.memory_space<vmem>> -> memref<16x128xi32, #tpu.memory_space<vmem>>
        %dma_wait3A_425 = arith.constant 0 : i32
        %dma_wait3A_426 = tpu.memref_slice %dma_wait3A_424[%select_n3A_269, %dma_wait3A_425] : memref<16x128xi32, #tpu.memory_space<vmem>> -> memref<1x128xi32, #tpu.memory_space<vmem>>
        %dma_wait3A_427 = tpu.memref_squeeze %dma_wait3A_426 : memref<1x128xi32, #tpu.memory_space<vmem>> -> memref<128xi32, #tpu.memory_space<vmem>>
        %dma_wait3A_428 = arith.constant 0 : i32
        %dma_wait3A_429 = arith.constant 0 : i32
        %dma_wait3A_430 = tpu.memref_slice %arg7[%dma_wait3A_428, %dma_wait3A_429] : memref<10008x128xf32, #tpu.memory_space<vmem_shared>> -> memref<10008x128xf32, #tpu.memory_space<vmem_shared>>
        tpu.wait_indirect_dma semaphore(%run_scoped3A_410 : memref<!tpu.dma_semaphore, #tpu.memory_space<semaphore_mem>>) src(%arg10 : memref<128x128xf32, #tpu.memory_space<vmem>>) dst(%dma_wait3A_430 : memref<10008x128xf32, #tpu.memory_space<vmem_shared>>)
        tpu.yield
      }) : () -> ()
      %add3A_279 = arith.constant 2 : i32
      %add3A_280 = arith.addi %mul3A_37, %add3A_279 : i32
      %lt3A_281 = arith.constant 80 : i32
      %lt3A_282 = arith.cmpi slt, %add3A_280, %lt3A_281 : i32
      %convert_element_type3A_283 = arith.extui %lt3A_282 : i1 to i32
      %cond3A_284 = arith.constant 0 : i32
      %cond3A_285 = arith.cmpi ne, %convert_element_type3A_283, %cond3A_284 : i32
      scf.if %cond3A_285 {
        %add3A_410 = arith.constant 2 : i32
        %add3A_411 = arith.addi %mul3A_37, %add3A_410 : i32
        %jit3A_412 = arith.constant 16 : i32
        %div3A_413 = arith.divsi %add3A_411, %jit3A_412 : i32
        %sign3A_414 = arith.constant 0 : i32
        %sign3A_415 = arith.cmpi sgt, %add3A_411, %sign3A_414 : i32
        %sign3A_416 = arith.extui %sign3A_415 : i1 to i32
        %sign3A_417 = arith.constant 0 : i32
        %sign3A_418 = arith.cmpi slt, %add3A_411, %sign3A_417 : i32
        %sign3A_419 = arith.extui %sign3A_418 : i1 to i32
        %sign3A_420 = arith.subi %sign3A_416, %sign3A_419 : i32
        %sign3A_421 = arith.constant 0 : i32
        %sign3A_422 = arith.cmpi sgt, %jit3A_412, %sign3A_421 : i32
        %sign3A_423 = arith.extui %sign3A_422 : i1 to i32
        %sign3A_424 = arith.constant 0 : i32
        %sign3A_425 = arith.cmpi slt, %jit3A_412, %sign3A_424 : i32
        %sign3A_426 = arith.extui %sign3A_425 : i1 to i32
        %sign3A_427 = arith.subi %sign3A_423, %sign3A_426 : i32
        %ne3A_428 = arith.cmpi ne, %sign3A_420, %sign3A_427 : i32
        %rem3A_429 = arith.remsi %add3A_411, %jit3A_412 : i32
        %ne3A_430 = arith.constant 0 : i32
        %ne3A_431 = arith.cmpi ne, %rem3A_429, %ne3A_430 : i32
        %and3A_432 = arith.andi %ne3A_428, %ne3A_431 : i1
        %sub3A_433 = arith.constant 1 : i32
        %sub3A_434 = arith.subi %div3A_413, %sub3A_433 : i32
        %select_n3A_435 = arith.select %and3A_432, %sub3A_434, %div3A_413 : i32
        %jit3A_436 = arith.constant 2 : i32
        %eq3A_437 = arith.constant 0 : i32
        %eq3A_438 = arith.cmpi eq, %jit3A_436, %eq3A_437 : i32
        %jit3A_439 = arith.constant 1 : i32
        %select_n3A_440 = arith.select %eq3A_438, %jit3A_439, %jit3A_436 : i32
        %rem3A_441 = arith.remsi %select_n3A_435, %select_n3A_440 : i32
        %ne3A_442 = arith.constant 0 : i32
        %ne3A_443 = arith.cmpi ne, %rem3A_441, %ne3A_442 : i32
        %lt3A_444 = arith.constant 0 : i32
        %lt3A_445 = arith.cmpi slt, %rem3A_441, %lt3A_444 : i32
        %lt3A_446 = arith.constant 0 : i32
        %lt3A_447 = arith.cmpi slt, %select_n3A_440, %lt3A_446 : i32
        %ne3A_448 = arith.xori %lt3A_445, %lt3A_447 : i1
        %and3A_449 = arith.andi %ne3A_448, %ne3A_443 : i1
        %add3A_450 = arith.addi %rem3A_441, %select_n3A_440 : i32
        %select_n3A_451 = arith.select %and3A_449, %add3A_450, %rem3A_441 : i32
        %jit3A_452 = arith.constant 16 : i32
        %eq3A_453 = arith.constant 0 : i32
        %eq3A_454 = arith.cmpi eq, %jit3A_452, %eq3A_453 : i32
        %jit3A_455 = arith.constant 1 : i32
        %select_n3A_456 = arith.select %eq3A_454, %jit3A_455, %jit3A_452 : i32
        %rem3A_457 = arith.remsi %add3A_411, %select_n3A_456 : i32
        %ne3A_458 = arith.constant 0 : i32
        %ne3A_459 = arith.cmpi ne, %rem3A_457, %ne3A_458 : i32
        %lt3A_460 = arith.constant 0 : i32
        %lt3A_461 = arith.cmpi slt, %rem3A_457, %lt3A_460 : i32
        %lt3A_462 = arith.constant 0 : i32
        %lt3A_463 = arith.cmpi slt, %select_n3A_456, %lt3A_462 : i32
        %ne3A_464 = arith.xori %lt3A_461, %lt3A_463 : i1
        %and3A_465 = arith.andi %ne3A_464, %ne3A_459 : i1
        %add3A_466 = arith.addi %rem3A_457, %select_n3A_456 : i32
        %select_n3A_467 = arith.select %and3A_465, %add3A_466, %rem3A_457 : i32
        %dma_start3A_468 = arith.constant 0 : i32
        %dma_start3A_469 = arith.constant 0 : i32
        %dma_start3A_470 = tpu.memref_slice %arg8[%select_n3A_451, %dma_start3A_468, %dma_start3A_469] : memref<2x16x128xi32, #tpu.memory_space<vmem>> -> memref<1x16x128xi32, #tpu.memory_space<vmem>>
        %dma_start3A_471 = tpu.memref_squeeze %dma_start3A_470 : memref<1x16x128xi32, #tpu.memory_space<vmem>> -> memref<16x128xi32, #tpu.memory_space<vmem>>
        %dma_start3A_472 = arith.constant 0 : i32
        %dma_start3A_473 = tpu.memref_slice %dma_start3A_471[%select_n3A_467, %dma_start3A_472] : memref<16x128xi32, #tpu.memory_space<vmem>> -> memref<1x128xi32, #tpu.memory_space<vmem>>
        %dma_start3A_474 = tpu.memref_squeeze %dma_start3A_473 : memref<1x128xi32, #tpu.memory_space<vmem>> -> memref<128xi32, #tpu.memory_space<vmem>>
        %dma_start3A_475 = arith.constant 0 : i32
        %dma_start3A_476 = arith.constant 0 : i32
        %dma_start3A_477 = tpu.memref_slice %arg2[%dma_start3A_475, %dma_start3A_476] : memref<10000x128xf32, #tpu.memory_space<hbm>> -> memref<10000x128xf32, #tpu.memory_space<hbm>>
        tpu.enqueue_indirect_dma source(%dma_start3A_477 : memref<10000x128xf32, #tpu.memory_space<hbm>>) target(%arg10 : memref<128x128xf32, #tpu.memory_space<vmem>>) offsets(%dma_start3A_474 : memref<128xi32, #tpu.memory_space<vmem>>) semaphore(%arg12 : memref<!tpu.dma_semaphore, #tpu.memory_space<semaphore_mem>>)
      } else {
      }
      %add3A_286 = arith.constant 1 : i32
      %add3A_287 = arith.addi %mul3A_37, %add3A_286 : i32
      %jit3A_288 = arith.constant 16 : i32
      %div3A_289 = arith.divsi %add3A_287, %jit3A_288 : i32
      %sign3A_290 = arith.constant 0 : i32
      %sign3A_291 = arith.cmpi sgt, %add3A_287, %sign3A_290 : i32
      %sign3A_292 = arith.extui %sign3A_291 : i1 to i32
      %sign3A_293 = arith.constant 0 : i32
      %sign3A_294 = arith.cmpi slt, %add3A_287, %sign3A_293 : i32
      %sign3A_295 = arith.extui %sign3A_294 : i1 to i32
      %sign3A_296 = arith.subi %sign3A_292, %sign3A_295 : i32
      %sign3A_297 = arith.constant 0 : i32
      %sign3A_298 = arith.cmpi sgt, %jit3A_288, %sign3A_297 : i32
      %sign3A_299 = arith.extui %sign3A_298 : i1 to i32
      %sign3A_300 = arith.constant 0 : i32
      %sign3A_301 = arith.cmpi slt, %jit3A_288, %sign3A_300 : i32
      %sign3A_302 = arith.extui %sign3A_301 : i1 to i32
      %sign3A_303 = arith.subi %sign3A_299, %sign3A_302 : i32
      %ne3A_304 = arith.cmpi ne, %sign3A_296, %sign3A_303 : i32
      %rem3A_305 = arith.remsi %add3A_287, %jit3A_288 : i32
      %ne3A_306 = arith.constant 0 : i32
      %ne3A_307 = arith.cmpi ne, %rem3A_305, %ne3A_306 : i32
      %and3A_308 = arith.andi %ne3A_304, %ne3A_307 : i1
      %sub3A_309 = arith.constant 1 : i32
      %sub3A_310 = arith.subi %div3A_289, %sub3A_309 : i32
      %select_n3A_311 = arith.select %and3A_308, %sub3A_310, %div3A_289 : i32
      %jit3A_312 = arith.constant 2 : i32
      %eq3A_313 = arith.constant 0 : i32
      %eq3A_314 = arith.cmpi eq, %jit3A_312, %eq3A_313 : i32
      %jit3A_315 = arith.constant 1 : i32
      %select_n3A_316 = arith.select %eq3A_314, %jit3A_315, %jit3A_312 : i32
      %rem3A_317 = arith.remsi %select_n3A_311, %select_n3A_316 : i32
      %ne3A_318 = arith.constant 0 : i32
      %ne3A_319 = arith.cmpi ne, %rem3A_317, %ne3A_318 : i32
      %lt3A_320 = arith.constant 0 : i32
      %lt3A_321 = arith.cmpi slt, %rem3A_317, %lt3A_320 : i32
      %lt3A_322 = arith.constant 0 : i32
      %lt3A_323 = arith.cmpi slt, %select_n3A_316, %lt3A_322 : i32
      %ne3A_324 = arith.xori %lt3A_321, %lt3A_323 : i1
      %and3A_325 = arith.andi %ne3A_324, %ne3A_319 : i1
      %add3A_326 = arith.addi %rem3A_317, %select_n3A_316 : i32
      %select_n3A_327 = arith.select %and3A_325, %add3A_326, %rem3A_317 : i32
      %jit3A_328 = arith.constant 16 : i32
      %eq3A_329 = arith.constant 0 : i32
      %eq3A_330 = arith.cmpi eq, %jit3A_328, %eq3A_329 : i32
      %jit3A_331 = arith.constant 1 : i32
      %select_n3A_332 = arith.select %eq3A_330, %jit3A_331, %jit3A_328 : i32
      %rem3A_333 = arith.remsi %add3A_287, %select_n3A_332 : i32
      %ne3A_334 = arith.constant 0 : i32
      %ne3A_335 = arith.cmpi ne, %rem3A_333, %ne3A_334 : i32
      %lt3A_336 = arith.constant 0 : i32
      %lt3A_337 = arith.cmpi slt, %rem3A_333, %lt3A_336 : i32
      %lt3A_338 = arith.constant 0 : i32
      %lt3A_339 = arith.cmpi slt, %select_n3A_332, %lt3A_338 : i32
      %ne3A_340 = arith.xori %lt3A_337, %lt3A_339 : i1
      %and3A_341 = arith.andi %ne3A_340, %ne3A_335 : i1
      %add3A_342 = arith.addi %rem3A_333, %select_n3A_332 : i32
      %select_n3A_343 = arith.select %and3A_341, %add3A_342, %rem3A_333 : i32
      %jit3A_344 = arith.constant 16 : i32
      %div3A_345 = arith.divsi %add3A_287, %jit3A_344 : i32
      %sign3A_346 = arith.constant 0 : i32
      %sign3A_347 = arith.cmpi sgt, %add3A_287, %sign3A_346 : i32
      %sign3A_348 = arith.extui %sign3A_347 : i1 to i32
      %sign3A_349 = arith.constant 0 : i32
      %sign3A_350 = arith.cmpi slt, %add3A_287, %sign3A_349 : i32
      %sign3A_351 = arith.extui %sign3A_350 : i1 to i32
      %sign3A_352 = arith.subi %sign3A_348, %sign3A_351 : i32
      %sign3A_353 = arith.constant 0 : i32
      %sign3A_354 = arith.cmpi sgt, %jit3A_344, %sign3A_353 : i32
      %sign3A_355 = arith.extui %sign3A_354 : i1 to i32
      %sign3A_356 = arith.constant 0 : i32
      %sign3A_357 = arith.cmpi slt, %jit3A_344, %sign3A_356 : i32
      %sign3A_358 = arith.extui %sign3A_357 : i1 to i32
      %sign3A_359 = arith.subi %sign3A_355, %sign3A_358 : i32
      %ne3A_360 = arith.cmpi ne, %sign3A_352, %sign3A_359 : i32
      %rem3A_361 = arith.remsi %add3A_287, %jit3A_344 : i32
      %ne3A_362 = arith.constant 0 : i32
      %ne3A_363 = arith.cmpi ne, %rem3A_361, %ne3A_362 : i32
      %and3A_364 = arith.andi %ne3A_360, %ne3A_363 : i1
      %sub3A_365 = arith.constant 1 : i32
      %sub3A_366 = arith.subi %div3A_345, %sub3A_365 : i32
      %select_n3A_367 = arith.select %and3A_364, %sub3A_366, %div3A_345 : i32
      %jit3A_368 = arith.constant 2 : i32
      %eq3A_369 = arith.constant 0 : i32
      %eq3A_370 = arith.cmpi eq, %jit3A_368, %eq3A_369 : i32
      %jit3A_371 = arith.constant 1 : i32
      %select_n3A_372 = arith.select %eq3A_370, %jit3A_371, %jit3A_368 : i32
      %rem3A_373 = arith.remsi %select_n3A_367, %select_n3A_372 : i32
      %ne3A_374 = arith.constant 0 : i32
      %ne3A_375 = arith.cmpi ne, %rem3A_373, %ne3A_374 : i32
      %lt3A_376 = arith.constant 0 : i32
      %lt3A_377 = arith.cmpi slt, %rem3A_373, %lt3A_376 : i32
      %lt3A_378 = arith.constant 0 : i32
      %lt3A_379 = arith.cmpi slt, %select_n3A_372, %lt3A_378 : i32
      %ne3A_380 = arith.xori %lt3A_377, %lt3A_379 : i1
      %and3A_381 = arith.andi %ne3A_380, %ne3A_375 : i1
      %add3A_382 = arith.addi %rem3A_373, %select_n3A_372 : i32
      %select_n3A_383 = arith.select %and3A_381, %add3A_382, %rem3A_373 : i32
      %jit3A_384 = arith.constant 16 : i32
      %eq3A_385 = arith.constant 0 : i32
      %eq3A_386 = arith.cmpi eq, %jit3A_384, %eq3A_385 : i32
      %jit3A_387 = arith.constant 1 : i32
      %select_n3A_388 = arith.select %eq3A_386, %jit3A_387, %jit3A_384 : i32
      %rem3A_389 = arith.remsi %add3A_287, %select_n3A_388 : i32
      %ne3A_390 = arith.constant 0 : i32
      %ne3A_391 = arith.cmpi ne, %rem3A_389, %ne3A_390 : i32
      %lt3A_392 = arith.constant 0 : i32
      %lt3A_393 = arith.cmpi slt, %rem3A_389, %lt3A_392 : i32
      %lt3A_394 = arith.constant 0 : i32
      %lt3A_395 = arith.cmpi slt, %select_n3A_388, %lt3A_394 : i32
      %ne3A_396 = arith.xori %lt3A_393, %lt3A_395 : i1
      %and3A_397 = arith.andi %ne3A_396, %ne3A_391 : i1
      %add3A_398 = arith.addi %rem3A_389, %select_n3A_388 : i32
      %select_n3A_399 = arith.select %and3A_397, %add3A_398, %rem3A_389 : i32
      %dma_wait3A_400 = arith.constant 0 : i32
      %dma_wait3A_401 = arith.constant 0 : i32
      %dma_wait3A_402 = tpu.memref_slice %arg8[%select_n3A_327, %dma_wait3A_400, %dma_wait3A_401] : memref<2x16x128xi32, #tpu.memory_space<vmem>> -> memref<1x16x128xi32, #tpu.memory_space<vmem>>
      %dma_wait3A_403 = tpu.memref_squeeze %dma_wait3A_402 : memref<1x16x128xi32, #tpu.memory_space<vmem>> -> memref<16x128xi32, #tpu.memory_space<vmem>>
      %dma_wait3A_404 = arith.constant 0 : i32
      %dma_wait3A_405 = tpu.memref_slice %dma_wait3A_403[%select_n3A_343, %dma_wait3A_404] : memref<16x128xi32, #tpu.memory_space<vmem>> -> memref<1x128xi32, #tpu.memory_space<vmem>>
      %dma_wait3A_406 = tpu.memref_squeeze %dma_wait3A_405 : memref<1x128xi32, #tpu.memory_space<vmem>> -> memref<128xi32, #tpu.memory_space<vmem>>
      %dma_wait3A_407 = arith.constant 0 : i32
      %dma_wait3A_408 = arith.constant 0 : i32
      %dma_wait3A_409 = tpu.memref_slice %arg2[%dma_wait3A_407, %dma_wait3A_408] : memref<10000x128xf32, #tpu.memory_space<hbm>> -> memref<10000x128xf32, #tpu.memory_space<hbm>>
      tpu.wait_indirect_dma semaphore(%arg13 : memref<!tpu.dma_semaphore, #tpu.memory_space<semaphore_mem>>) src(%dma_wait3A_409 : memref<10000x128xf32, #tpu.memory_space<hbm>>) dst(%arg11 : memref<128x128xf32, #tpu.memory_space<vmem>>)
      "tpu.region"() ({
        %run_scoped3A_410 = tpu.sem_alloc : memref<!tpu.dma_semaphore, #tpu.memory_space<semaphore_mem>>
        %dma_start3A_411 = arith.constant 0 : i32
        %dma_start3A_412 = arith.constant 0 : i32
        %dma_start3A_413 = tpu.memref_slice %arg9[%select_n3A_383, %dma_start3A_411, %dma_start3A_412] : memref<2x16x128xi32, #tpu.memory_space<vmem>> -> memref<1x16x128xi32, #tpu.memory_space<vmem>>
        %dma_start3A_414 = tpu.memref_squeeze %dma_start3A_413 : memref<1x16x128xi32, #tpu.memory_space<vmem>> -> memref<16x128xi32, #tpu.memory_space<vmem>>
        %dma_start3A_415 = arith.constant 0 : i32
        %dma_start3A_416 = tpu.memref_slice %dma_start3A_414[%select_n3A_399, %dma_start3A_415] : memref<16x128xi32, #tpu.memory_space<vmem>> -> memref<1x128xi32, #tpu.memory_space<vmem>>
        %dma_start3A_417 = tpu.memref_squeeze %dma_start3A_416 : memref<1x128xi32, #tpu.memory_space<vmem>> -> memref<128xi32, #tpu.memory_space<vmem>>
        %dma_start3A_418 = arith.constant 0 : i32
        %dma_start3A_419 = arith.constant 0 : i32
        %dma_start3A_420 = tpu.memref_slice %arg7[%dma_start3A_418, %dma_start3A_419] : memref<10008x128xf32, #tpu.memory_space<vmem_shared>> -> memref<10008x128xf32, #tpu.memory_space<vmem_shared>>
        tpu.enqueue_indirect_dma source(%arg11 : memref<128x128xf32, #tpu.memory_space<vmem>>) target(%dma_start3A_420 : memref<10008x128xf32, #tpu.memory_space<vmem_shared>>) offsets(%dma_start3A_417 : memref<128xi32, #tpu.memory_space<vmem>>) semaphore(%run_scoped3A_410 : memref<!tpu.dma_semaphore, #tpu.memory_space<semaphore_mem>>) {add = true}
        %dma_wait3A_421 = arith.constant 0 : i32
        %dma_wait3A_422 = arith.constant 0 : i32
        %dma_wait3A_423 = tpu.memref_slice %arg9[%select_n3A_383, %dma_wait3A_421, %dma_wait3A_422] : memref<2x16x128xi32, #tpu.memory_space<vmem>> -> memref<1x16x128xi32, #tpu.memory_space<vmem>>
        %dma_wait3A_424 = tpu.memref_squeeze %dma_wait3A_423 : memref<1x16x128xi32, #tpu.memory_space<vmem>> -> memref<16x128xi32, #tpu.memory_space<vmem>>
        %dma_wait3A_425 = arith.constant 0 : i32
        %dma_wait3A_426 = tpu.memref_slice %dma_wait3A_424[%select_n3A_399, %dma_wait3A_425] : memref<16x128xi32, #tpu.memory_space<vmem>> -> memref<1x128xi32, #tpu.memory_space<vmem>>
        %dma_wait3A_427 = tpu.memref_squeeze %dma_wait3A_426 : memref<1x128xi32, #tpu.memory_space<vmem>> -> memref<128xi32, #tpu.memory_space<vmem>>
        %dma_wait3A_428 = arith.constant 0 : i32
        %dma_wait3A_429 = arith.constant 0 : i32
        %dma_wait3A_430 = tpu.memref_slice %arg7[%dma_wait3A_428, %dma_wait3A_429] : memref<10008x128xf32, #tpu.memory_space<vmem_shared>> -> memref<10008x128xf32, #tpu.memory_space<vmem_shared>>
        tpu.wait_indirect_dma semaphore(%run_scoped3A_410 : memref<!tpu.dma_semaphore, #tpu.memory_space<semaphore_mem>>) src(%arg11 : memref<128x128xf32, #tpu.memory_space<vmem>>) dst(%dma_wait3A_430 : memref<10008x128xf32, #tpu.memory_space<vmem_shared>>)
        tpu.yield
      }) : () -> ()
    }
    %scan3A_23 = arith.constant 40 : i32
    %barrier3A_24 = arith.constant 0 : index
    tpu.barrier barrier_id(%barrier3A_24)
    %lt3A_25 = arith.constant 15 : i32
    %lt3A_26 = arith.cmpi slt, %arg1, %lt3A_25 : i32
    %convert_element_type3A_27 = arith.extui %lt3A_26 : i1 to i32
    %cond3A_28 = arith.constant 0 : i32
    %cond3A_29 = arith.cmpi ne, %convert_element_type3A_27, %cond3A_28 : i32
    scf.if %cond3A_29 {
      %mul3A_35 = arith.constant 632 : i32
      %mul3A_36 = arith.muli %arg1, %mul3A_35 : i32
      %multiple_of3A = tpu.assume_multiple %mul3A_36, 8 : i32
      "tpu.region"() ({
        %run_scoped3A_37 = tpu.sem_alloc : memref<!tpu.dma_semaphore, #tpu.memory_space<semaphore_mem>>
        %dma_start3A_38 = arith.constant 0 : i32
        %dma_start3A_39 = arith.constant 0 : i32
        %dma_start3A_40 = tpu.memref_slice %arg6[%arg0, %dma_start3A_38, %dma_start3A_39] : memref<2x10008x128xf32, #tpu.memory_space<hbm>> -> memref<1x10008x128xf32, #tpu.memory_space<hbm>>
        %dma_start3A_41 = tpu.memref_squeeze %dma_start3A_40 : memref<1x10008x128xf32, #tpu.memory_space<hbm>> -> memref<10008x128xf32, #tpu.memory_space<hbm>>
        %dma_start3A_42 = arith.constant 0 : i32
        %dma_start3A_43 = tpu.memref_slice %dma_start3A_41[%multiple_of3A, %dma_start3A_42] : memref<10008x128xf32, #tpu.memory_space<hbm>> -> memref<632x128xf32, #tpu.memory_space<hbm>>
        %dma_start3A_44 = arith.constant 0 : i32
        %dma_start3A_45 = tpu.memref_slice %arg7[%multiple_of3A, %dma_start3A_44] : memref<10008x128xf32, #tpu.memory_space<vmem_shared>> -> memref<632x128xf32, #tpu.memory_space<vmem_shared>>
        tpu.enqueue_dma source(%dma_start3A_45 : memref<632x128xf32, #tpu.memory_space<vmem_shared>>) target(%dma_start3A_43 : memref<632x128xf32, #tpu.memory_space<hbm>>) target_semaphore(%run_scoped3A_37 : memref<!tpu.dma_semaphore, #tpu.memory_space<semaphore_mem>>)
        %dma_wait3A = arith.constant 0 : i32
        %dma_wait3A_46 = arith.constant 0 : i32
        %dma_wait3A_47 = tpu.memref_slice %arg6[%arg0, %dma_wait3A, %dma_wait3A_46] : memref<2x10008x128xf32, #tpu.memory_space<hbm>> -> memref<1x10008x128xf32, #tpu.memory_space<hbm>>
        %dma_wait3A_48 = tpu.memref_squeeze %dma_wait3A_47 : memref<1x10008x128xf32, #tpu.memory_space<hbm>> -> memref<10008x128xf32, #tpu.memory_space<hbm>>
        %dma_wait3A_49 = arith.constant 0 : i32
        %dma_wait3A_50 = tpu.memref_slice %dma_wait3A_48[%multiple_of3A, %dma_wait3A_49] : memref<10008x128xf32, #tpu.memory_space<hbm>> -> memref<632x128xf32, #tpu.memory_space<hbm>>
        %dma_wait3A_51 = arith.constant 0 : i32
        %dma_wait3A_52 = tpu.memref_slice %arg7[%multiple_of3A, %dma_wait3A_51] : memref<10008x128xf32, #tpu.memory_space<vmem_shared>> -> memref<632x128xf32, #tpu.memory_space<vmem_shared>>
        tpu.wait_dma2 semaphore(%run_scoped3A_37 : memref<!tpu.dma_semaphore, #tpu.memory_space<semaphore_mem>>) src(%dma_wait3A_52 : memref<632x128xf32, #tpu.memory_space<vmem_shared>>) dst(%dma_wait3A_50 : memref<632x128xf32, #tpu.memory_space<hbm>>)
        tpu.yield
      }) : () -> ()
    } else {
    }
    %eq3A_30 = arith.constant 15 : i32
    %eq3A_31 = arith.cmpi eq, %arg1, %eq3A_30 : i32
    %convert_element_type3A_32 = arith.extui %eq3A_31 : i1 to i32
    %cond3A_33 = arith.constant 0 : i32
    %cond3A_34 = arith.cmpi ne, %convert_element_type3A_32, %cond3A_33 : i32
    scf.if %cond3A_34 {
      "tpu.region"() ({
        %run_scoped3A_35 = tpu.sem_alloc : memref<!tpu.dma_semaphore, #tpu.memory_space<semaphore_mem>>
        %dma_start3A_36 = arith.constant 0 : i32
        %dma_start3A_37 = arith.constant 0 : i32
        %dma_start3A_38 = tpu.memref_slice %arg6[%arg0, %dma_start3A_36, %dma_start3A_37] : memref<2x10008x128xf32, #tpu.memory_space<hbm>> -> memref<1x10008x128xf32, #tpu.memory_space<hbm>>
        %dma_start3A_39 = tpu.memref_squeeze %dma_start3A_38 : memref<1x10008x128xf32, #tpu.memory_space<hbm>> -> memref<10008x128xf32, #tpu.memory_space<hbm>>
        %dma_start3A_40 = arith.constant 9480 : i32
        %dma_start3A_41 = arith.constant 0 : i32
        %dma_start3A_42 = tpu.memref_slice %dma_start3A_39[%dma_start3A_40, %dma_start3A_41] : memref<10008x128xf32, #tpu.memory_space<hbm>> -> memref<528x128xf32, #tpu.memory_space<hbm>>
        %dma_start3A_43 = arith.constant 9480 : i32
        %dma_start3A_44 = arith.constant 0 : i32
        %dma_start3A_45 = tpu.memref_slice %arg7[%dma_start3A_43, %dma_start3A_44] : memref<10008x128xf32, #tpu.memory_space<vmem_shared>> -> memref<528x128xf32, #tpu.memory_space<vmem_shared>>
        tpu.enqueue_dma source(%dma_start3A_45 : memref<528x128xf32, #tpu.memory_space<vmem_shared>>) target(%dma_start3A_42 : memref<528x128xf32, #tpu.memory_space<hbm>>) target_semaphore(%run_scoped3A_35 : memref<!tpu.dma_semaphore, #tpu.memory_space<semaphore_mem>>)
        %dma_wait3A = arith.constant 0 : i32
        %dma_wait3A_46 = arith.constant 0 : i32
        %dma_wait3A_47 = tpu.memref_slice %arg6[%arg0, %dma_wait3A, %dma_wait3A_46] : memref<2x10008x128xf32, #tpu.memory_space<hbm>> -> memref<1x10008x128xf32, #tpu.memory_space<hbm>>
        %dma_wait3A_48 = tpu.memref_squeeze %dma_wait3A_47 : memref<1x10008x128xf32, #tpu.memory_space<hbm>> -> memref<10008x128xf32, #tpu.memory_space<hbm>>
        %dma_wait3A_49 = arith.constant 9480 : i32
        %dma_wait3A_50 = arith.constant 0 : i32
        %dma_wait3A_51 = tpu.memref_slice %dma_wait3A_48[%dma_wait3A_49, %dma_wait3A_50] : memref<10008x128xf32, #tpu.memory_space<hbm>> -> memref<528x128xf32, #tpu.memory_space<hbm>>
        %dma_wait3A_52 = arith.constant 9480 : i32
        %dma_wait3A_53 = arith.constant 0 : i32
        %dma_wait3A_54 = tpu.memref_slice %arg7[%dma_wait3A_52, %dma_wait3A_53] : memref<10008x128xf32, #tpu.memory_space<vmem_shared>> -> memref<528x128xf32, #tpu.memory_space<vmem_shared>>
        tpu.wait_dma2 semaphore(%run_scoped3A_35 : memref<!tpu.dma_semaphore, #tpu.memory_space<semaphore_mem>>) src(%dma_wait3A_54 : memref<528x128xf32, #tpu.memory_space<vmem_shared>>) dst(%dma_wait3A_51 : memref<528x128xf32, #tpu.memory_space<hbm>>)
        tpu.yield
      }) : () -> ()
    } else {
    }
    return
  }
}

module attributes {stable_mosaic.version = 14 : i64} {
  func.func @_tc1_body(%arg0: i32, %arg1: memref<400x128xf32, #tpu.memory_space<vmem>>, %arg2: memref<128x128xf32, #tpu.memory_space<vmem>>, %arg3: memref<2x400x128xf32, #tpu.memory_space<vmem>>, %arg4: memref<400x128xf32, #tpu.memory_space<vmem>>, %arg5: memref<400x16xf32, #tpu.memory_space<vmem>>) attributes {dimension_semantics = [#tpu.dimension_semantics<arbitrary>], iteration_bounds = array<i64: 25>, scalar_prefetch = 0 : i64, scratch_operands = 0 : i64, tpu.core_type = #tpu.core_type<tc>, window_params = [{transform_indices = @transform_0, window_bounds = array<i64: 400, 128>}, {pipeline_mode = #tpu.pipeline_mode<synchronous>, transform_indices = @transform_1, window_bounds = array<i64: 128, 128>}, {transform_indices = @transform_2, window_bounds = array<i64: 2, 400, 128>}, {transform_indices = @transform_3, window_bounds = array<i64: 400, 128>}, {transform_indices = @transform_4, window_bounds = array<i64: 400, 16>}]} {
    %get3A = arith.constant 0 : index
    %get3A_0 = arith.constant 0 : index
    %get3A_1 = arith.constant 0 : index
    %get3A_2 = vector.load %arg3[%get3A, %get3A_0, %get3A_1] : memref<2x400x128xf32, #tpu.memory_space<vmem>>, vector<1x400x16xf32>
    %get3A_3 = vector.shape_cast %get3A_2 : vector<1x400x16xf32> to vector<400x16xf32>
    %get3A_4 = arith.constant 1 : index
    %get3A_5 = arith.constant 0 : index
    %get3A_6 = arith.constant 0 : index
    %get3A_7 = vector.load %arg3[%get3A_4, %get3A_5, %get3A_6] : memref<2x400x128xf32, #tpu.memory_space<vmem>>, vector<1x400x16xf32>
    %get3A_8 = vector.shape_cast %get3A_7 : vector<1x400x16xf32> to vector<400x16xf32>
    %add3A = arith.addf %get3A_3, %get3A_8 : vector<400x16xf32>
    %add3A_9 = arith.constant 1.000000e+00 : f32
    %add3A_10 = vector.broadcast %add3A_9 : f32 to vector<400x16xf32>
    %add3A_11 = arith.addf %add3A, %add3A_10 : vector<400x16xf32>
    %rsqrt3A = math.rsqrt %add3A_11 : vector<400x16xf32>
    %get3A_12 = arith.constant 0 : index
    %get3A_13 = arith.constant 0 : index
    %get3A_14 = vector.load %arg1[%get3A_12, %get3A_13] : memref<400x128xf32, #tpu.memory_space<vmem>>, vector<400x128xf32>
    %get3A_15 = arith.constant 0 : index
    %get3A_16 = arith.constant 0 : index
    %get3A_17 = vector.load %arg2[%get3A_15, %get3A_16] : memref<128x128xf32, #tpu.memory_space<vmem>>, vector<128x128xf32>
    %dot_general3A = arith.constant dense<0.000000e+00> : vector<400x128xf32>
    %dot_general3A_18 = tpu.matmul %get3A_14, %get3A_17, %dot_general3A {dimension_numbers = #tpu.dot_dimension_numbers<[1], [0], [0], [1], [0, 0, 1, 1], [], []>, transpose_lhs_hint = false} : vector<400x128xf32>, vector<128x128xf32>, vector<400x128xf32> -> vector<400x128xf32>
    %slice3A = vector.extract_strided_slice %rsqrt3A {offsets = [0, 0], sizes = [400, 1], strides = [1, 1]} : vector<400x16xf32> to vector<400x1xf32>
    %mul3A = vector.broadcast %slice3A : vector<400x1xf32> to vector<400x128xf32>
    %mul3A_19 = arith.mulf %dot_general3A_18, %mul3A : vector<400x128xf32>
    %swap3A = arith.constant 0 : index
    %swap3A_20 = arith.constant 0 : index
    %swap3A_21 = vector.load %arg4[%swap3A, %swap3A_20] : memref<400x128xf32, #tpu.memory_space<vmem>>, vector<400x128xf32>
    tpu.vector_store %arg4[%swap3A, %swap3A_20], %mul3A_19 {strides = array<i32>} : memref<400x128xf32, #tpu.memory_space<vmem>>, vector<400x128xf32>,
    %swap3A_22 = arith.constant 0 : index
    %swap3A_23 = arith.constant 0 : index
    %swap3A_24 = vector.load %arg5[%swap3A_22, %swap3A_23] : memref<400x16xf32, #tpu.memory_space<vmem>>, vector<400x16xf32>
    tpu.vector_store %arg5[%swap3A_22, %swap3A_23], %rsqrt3A {strides = array<i32>} : memref<400x16xf32, #tpu.memory_space<vmem>>, vector<400x16xf32>,
    return
  }
  func.func @transform_0(%arg0: i32) -> (i32, i32) {
    %c0_i32 = arith.constant 0 : i32
    %c0_i32_0 = arith.constant 0 : i32
    return %arg0, %c0_i32 : i32, i32
  }
  func.func @transform_1(%arg0: i32) -> (i32, i32) {
    %c0_i32 = arith.constant 0 : i32
    %c0_i32_0 = arith.constant 0 : i32
    %c0_i32_1 = arith.constant 0 : i32
    return %c0_i32, %c0_i32_0 : i32, i32
  }
  func.func @transform_2(%arg0: i32) -> (i32, i32, i32) {
    %c0_i32 = arith.constant 0 : i32
    %c0_i32_0 = arith.constant 0 : i32
    %c0_i32_1 = arith.constant 0 : i32
    return %c0_i32, %arg0, %c0_i32_0 : i32, i32, i32
  }
  func.func @transform_3(%arg0: i32) -> (i32, i32) {
    %c0_i32 = arith.constant 0 : i32
    %c0_i32_0 = arith.constant 0 : i32
    return %arg0, %c0_i32 : i32, i32
  }
  func.func @transform_4(%arg0: i32) -> (i32, i32) {
    %c0_i32 = arith.constant 0 : i32
    %c0_i32_0 = arith.constant 0 : i32
    return %arg0, %c0_i32 : i32, i32
  }
}

module attributes {stable_mosaic.version = 14 : i64} {
  func.func @_tc2_body(%arg0: i32, %arg1: memref<2x400x128xf32, #tpu.memory_space<vmem>>, %arg2: memref<400x16xf32, #tpu.memory_space<vmem>>, %arg3: memref<1x128xf32, #tpu.memory_space<vmem>>, %arg4: memref<128x128xf32, #tpu.memory_space<vmem>>, %arg5: memref<400x128xf32, #tpu.memory_space<vmem>>) attributes {dimension_semantics = [#tpu.dimension_semantics<arbitrary>], iteration_bounds = array<i64: 25>, scalar_prefetch = 0 : i64, scratch_operands = 0 : i64, tpu.core_type = #tpu.core_type<tc>, window_params = [{transform_indices = @transform_0, window_bounds = array<i64: 2, 400, 128>}, {transform_indices = @transform_1, window_bounds = array<i64: 400, 16>}, {pipeline_mode = #tpu.pipeline_mode<synchronous>, transform_indices = @transform_2, window_bounds = array<i64: 1, 128>}, {pipeline_mode = #tpu.pipeline_mode<synchronous>, transform_indices = @transform_3, window_bounds = array<i64: 128, 128>}, {transform_indices = @transform_4, window_bounds = array<i64: 400, 128>}]} {
    %get3A = arith.constant 0 : index
    %get3A_0 = arith.constant 0 : index
    %get3A_1 = vector.load %arg2[%get3A, %get3A_0] : memref<400x16xf32, #tpu.memory_space<vmem>>, vector<400x16xf32>
    %slice3A = vector.extract_strided_slice %get3A_1 {offsets = [0, 0], sizes = [400, 1], strides = [1, 1]} : vector<400x16xf32> to vector<400x1xf32>
    %get3A_2 = arith.constant 0 : index
    %get3A_3 = arith.constant 0 : index
    %get3A_4 = arith.constant 0 : index
    %get3A_5 = vector.load %arg1[%get3A_2, %get3A_3, %get3A_4] : memref<2x400x128xf32, #tpu.memory_space<vmem>>, vector<1x400x128xf32>
    %get3A_6 = vector.shape_cast %get3A_5 : vector<1x400x128xf32> to vector<400x128xf32>
    %get3A_7 = arith.constant 1 : index
    %get3A_8 = arith.constant 0 : index
    %get3A_9 = arith.constant 0 : index
    %get3A_10 = vector.load %arg1[%get3A_7, %get3A_8, %get3A_9] : memref<2x400x128xf32, #tpu.memory_space<vmem>>, vector<1x400x128xf32>
    %get3A_11 = vector.shape_cast %get3A_10 : vector<1x400x128xf32> to vector<400x128xf32>
    %add3A = arith.addf %get3A_6, %get3A_11 : vector<400x128xf32>
    %mul3A = vector.broadcast %slice3A : vector<400x1xf32> to vector<400x128xf32>
    %mul3A_12 = arith.mulf %mul3A, %add3A : vector<400x128xf32>
    %get3A_13 = arith.constant 0 : index
    %get3A_14 = arith.constant 0 : index
    %get3A_15 = vector.load %arg3[%get3A_13, %get3A_14] : memref<1x128xf32, #tpu.memory_space<vmem>>, vector<1x128xf32>
    %add3A_16 = vector.broadcast %get3A_15 : vector<1x128xf32> to vector<400x128xf32>
    %add3A_17 = arith.addf %mul3A_12, %add3A_16 : vector<400x128xf32>
    %max3A = arith.constant 0.000000e+00 : f32
    %max3A_18 = vector.broadcast %max3A : f32 to vector<400x128xf32>
    %max3A_19 = arith.maximumf %add3A_17, %max3A_18 : vector<400x128xf32>
    %get3A_20 = arith.constant 0 : index
    %get3A_21 = arith.constant 0 : index
    %get3A_22 = vector.load %arg4[%get3A_20, %get3A_21] : memref<128x128xf32, #tpu.memory_space<vmem>>, vector<128x128xf32>
    %dot_general3A = arith.constant dense<0.000000e+00> : vector<400x128xf32>
    %dot_general3A_23 = tpu.matmul %max3A_19, %get3A_22, %dot_general3A {dimension_numbers = #tpu.dot_dimension_numbers<[1], [0], [0], [1], [0, 0, 1, 1], [], []>, transpose_lhs_hint = false} : vector<400x128xf32>, vector<128x128xf32>, vector<400x128xf32> -> vector<400x128xf32>
    %mul3A_24 = vector.broadcast %slice3A : vector<400x1xf32> to vector<400x128xf32>
    %mul3A_25 = arith.mulf %dot_general3A_23, %mul3A_24 : vector<400x128xf32>
    %swap3A = arith.constant 0 : index
    %swap3A_26 = arith.constant 0 : index
    %swap3A_27 = vector.load %arg5[%swap3A, %swap3A_26] : memref<400x128xf32, #tpu.memory_space<vmem>>, vector<400x128xf32>
    tpu.vector_store %arg5[%swap3A, %swap3A_26], %mul3A_25 {strides = array<i32>} : memref<400x128xf32, #tpu.memory_space<vmem>>, vector<400x128xf32>,
    return
  }
  func.func @transform_0(%arg0: i32) -> (i32, i32, i32) {
    %c0_i32 = arith.constant 0 : i32
    %c0_i32_0 = arith.constant 0 : i32
    %c0_i32_1 = arith.constant 0 : i32
    return %c0_i32, %arg0, %c0_i32_0 : i32, i32, i32
  }
  func.func @transform_1(%arg0: i32) -> (i32, i32) {
    %c0_i32 = arith.constant 0 : i32
    %c0_i32_0 = arith.constant 0 : i32
    return %arg0, %c0_i32 : i32, i32
  }
  func.func @transform_2(%arg0: i32) -> (i32, i32) {
    %c0_i32 = arith.constant 0 : i32
    %c0_i32_0 = arith.constant 0 : i32
    %c0_i32_1 = arith.constant 0 : i32
    return %c0_i32, %c0_i32_0 : i32, i32
  }
  func.func @transform_3(%arg0: i32) -> (i32, i32) {
    %c0_i32 = arith.constant 0 : i32
    %c0_i32_0 = arith.constant 0 : i32
    %c0_i32_1 = arith.constant 0 : i32
    return %c0_i32, %c0_i32_0 : i32, i32
  }
  func.func @transform_4(%arg0: i32) -> (i32, i32) {
    %c0_i32 = arith.constant 0 : i32
    %c0_i32_0 = arith.constant 0 : i32
    return %arg0, %c0_i32 : i32, i32
  }
}

module attributes {stable_mosaic.version = 14 : i64} {
  func.func @_tc3_body(%arg0: i32, %arg1: memref<2x400x128xf32, #tpu.memory_space<vmem>>, %arg2: memref<400x16xf32, #tpu.memory_space<vmem>>, %arg3: memref<1x128xf32, #tpu.memory_space<vmem>>, %arg4: memref<400x1xi32, #tpu.memory_space<vmem>>, %arg5: memref<128x128xf32, #tpu.memory_space<vmem>>, %arg6: memref<1x128xf32, #tpu.memory_space<vmem>>, %arg7: memref<64x128xf32, #tpu.memory_space<vmem>>, %arg8: memref<64x128xf32, #tpu.memory_space<vmem>>, %arg9: memref<64x1xf32, #tpu.memory_space<vmem>>) attributes {dimension_semantics = [#tpu.dimension_semantics<arbitrary>], iteration_bounds = array<i64: 25>, scalar_prefetch = 0 : i64, scratch_operands = 2 : i64, tpu.core_type = #tpu.core_type<tc>, window_params = [{transform_indices = @transform_0, window_bounds = array<i64: 2, 400, 128>}, {transform_indices = @transform_1, window_bounds = array<i64: 400, 16>}, {pipeline_mode = #tpu.pipeline_mode<synchronous>, transform_indices = @transform_2, window_bounds = array<i64: 1, 128>}, {transform_indices = @transform_3, window_bounds = array<i64: 400, 1>}, {pipeline_mode = #tpu.pipeline_mode<synchronous>, transform_indices = @transform_4, window_bounds = array<i64: 128, 128>}, {pipeline_mode = #tpu.pipeline_mode<synchronous>, transform_indices = @transform_5, window_bounds = array<i64: 1, 128>}, {pipeline_mode = #tpu.pipeline_mode<synchronous>, transform_indices = @transform_6, window_bounds = array<i64: 64, 128>}]} {
    %eq3A = arith.constant 0 : i32
    %eq3A_0 = arith.cmpi eq, %arg0, %eq3A : i32
    %convert_element_type3A = arith.extui %eq3A_0 : i1 to i32
    %cond3A = arith.constant 0 : i32
    %cond3A_1 = arith.cmpi ne, %convert_element_type3A, %cond3A : i32
    scf.if %cond3A_1 {
      %broadcast_in_dim3A_49 = arith.constant 0.000000e+00 : f32
      %broadcast_in_dim3A_50 = vector.broadcast %broadcast_in_dim3A_49 : f32 to vector<64x128xf32>
      %swap3A_51 = arith.constant 0 : index
      %swap3A_52 = arith.constant 0 : index
      %swap3A_53 = vector.load %arg8[%swap3A_51, %swap3A_52] : memref<64x128xf32, #tpu.memory_space<vmem>>, vector<64x128xf32>
      tpu.vector_store %arg8[%swap3A_51, %swap3A_52], %broadcast_in_dim3A_50 {strides = array<i32>} : memref<64x128xf32, #tpu.memory_space<vmem>>, vector<64x128xf32>,
      %broadcast_in_dim3A_54 = arith.constant 0.000000e+00 : f32
      %broadcast_in_dim3A_55 = vector.broadcast %broadcast_in_dim3A_54 : f32 to vector<64x1xf32>
      %swap3A_56 = arith.constant 0 : index
      %swap3A_57 = arith.constant 0 : index
      %swap3A_58 = vector.load %arg9[%swap3A_56, %swap3A_57] : memref<64x1xf32, #tpu.memory_space<vmem>>, vector<64x1xf32>
      tpu.vector_store %arg9[%swap3A_56, %swap3A_57], %broadcast_in_dim3A_55 {strides = array<i32>} : memref<64x1xf32, #tpu.memory_space<vmem>>, vector<64x1xf32>,
    } else {
    }
    %get3A = arith.constant 0 : index
    %get3A_2 = arith.constant 0 : index
    %get3A_3 = vector.load %arg2[%get3A, %get3A_2] : memref<400x16xf32, #tpu.memory_space<vmem>>, vector<400x16xf32>
    %slice3A = vector.extract_strided_slice %get3A_3 {offsets = [0, 0], sizes = [400, 1], strides = [1, 1]} : vector<400x16xf32> to vector<400x1xf32>
    %get3A_4 = arith.constant 0 : index
    %get3A_5 = arith.constant 0 : index
    %get3A_6 = arith.constant 0 : index
    %get3A_7 = vector.load %arg1[%get3A_4, %get3A_5, %get3A_6] : memref<2x400x128xf32, #tpu.memory_space<vmem>>, vector<1x400x128xf32>
    %get3A_8 = vector.shape_cast %get3A_7 : vector<1x400x128xf32> to vector<400x128xf32>
    %get3A_9 = arith.constant 1 : index
    %get3A_10 = arith.constant 0 : index
    %get3A_11 = arith.constant 0 : index
    %get3A_12 = vector.load %arg1[%get3A_9, %get3A_10, %get3A_11] : memref<2x400x128xf32, #tpu.memory_space<vmem>>, vector<1x400x128xf32>
    %get3A_13 = vector.shape_cast %get3A_12 : vector<1x400x128xf32> to vector<400x128xf32>
    %add3A = arith.addf %get3A_8, %get3A_13 : vector<400x128xf32>
    %mul3A = vector.broadcast %slice3A : vector<400x1xf32> to vector<400x128xf32>
    %mul3A_14 = arith.mulf %mul3A, %add3A : vector<400x128xf32>
    %get3A_15 = arith.constant 0 : index
    %get3A_16 = arith.constant 0 : index
    %get3A_17 = vector.load %arg3[%get3A_15, %get3A_16] : memref<1x128xf32, #tpu.memory_space<vmem>>, vector<1x128xf32>
    %add3A_18 = vector.broadcast %get3A_17 : vector<1x128xf32> to vector<400x128xf32>
    %add3A_19 = arith.addf %mul3A_14, %add3A_18 : vector<400x128xf32>
    %max3A = arith.constant 0.000000e+00 : f32
    %max3A_20 = vector.broadcast %max3A : f32 to vector<400x128xf32>
    %max3A_21 = arith.maximumf %add3A_19, %max3A_20 : vector<400x128xf32>
    %iota3A = tpu.iota {dimensions = array<i32: 1>} : vector<400x64xi32>
    %get3A_22 = arith.constant 0 : index
    %get3A_23 = arith.constant 0 : index
    %get3A_24 = vector.load %arg4[%get3A_22, %get3A_23] : memref<400x1xi32, #tpu.memory_space<vmem>>, vector<400x1xi32>
    %eq3A_25 = vector.broadcast %get3A_24 : vector<400x1xi32> to vector<400x64xi32>
    %eq3A_26 = arith.cmpi eq, %iota3A, %eq3A_25 : vector<400x64xi32>
    %convert_element_type3A_27 = arith.extui %eq3A_26 : vector<400x64xi1> to vector<400x64xi32>
    %convert_element_type3A_28 = arith.sitofp %convert_element_type3A_27 : vector<400x64xi32> to vector<400x64xf32>
    %get3A_29 = arith.constant 0 : index
    %get3A_30 = arith.constant 0 : index
    %get3A_31 = vector.load %arg8[%get3A_29, %get3A_30] : memref<64x128xf32, #tpu.memory_space<vmem>>, vector<64x128xf32>
    %dot_general3A = arith.constant dense<0.000000e+00> : vector<64x128xf32>
    %dot_general3A_32 = tpu.matmul %convert_element_type3A_28, %max3A_21, %dot_general3A {dimension_numbers = #tpu.dot_dimension_numbers<[0], [0], [1], [1], [0, 1, 1, 1], [], []>, transpose_lhs_hint = false} : vector<400x64xf32>, vector<400x128xf32>, vector<64x128xf32> -> vector<64x128xf32>
    %add3A_33 = arith.addf %get3A_31, %dot_general3A_32 : vector<64x128xf32>
    %swap3A = arith.constant 0 : index
    %swap3A_34 = arith.constant 0 : index
    %swap3A_35 = vector.load %arg8[%swap3A, %swap3A_34] : memref<64x128xf32, #tpu.memory_space<vmem>>, vector<64x128xf32>
    tpu.vector_store %arg8[%swap3A, %swap3A_34], %add3A_33 {strides = array<i32>} : memref<64x128xf32, #tpu.memory_space<vmem>>, vector<64x128xf32>,
    %get3A_36 = arith.constant 0 : index
    %get3A_37 = arith.constant 0 : index
    %get3A_38 = vector.load %arg9[%get3A_36, %get3A_37] : memref<64x1xf32, #tpu.memory_space<vmem>>, vector<64x1xf32>
    %reduce_sum3A = arith.constant dense<0.000000e+00> : vector<64xf32>
    %reduce_sum3A_39 = vector.multi_reduction <add>, %convert_element_type3A_28, %reduce_sum3A [0] : vector<400x64xf32> to vector<64xf32>
    %broadcast_in_dim3A = vector.shape_cast %reduce_sum3A_39 : vector<64xf32> to vector<64x1xf32>
    %add3A_40 = arith.addf %get3A_38, %broadcast_in_dim3A : vector<64x1xf32>
    %swap3A_41 = arith.constant 0 : index
    %swap3A_42 = arith.constant 0 : index
    %swap3A_43 = vector.load %arg9[%swap3A_41, %swap3A_42] : memref<64x1xf32, #tpu.memory_space<vmem>>, vector<64x1xf32>
    tpu.vector_store %arg9[%swap3A_41, %swap3A_42], %add3A_40 {strides = array<i32>} : memref<64x1xf32, #tpu.memory_space<vmem>>, vector<64x1xf32>,
    %eq3A_44 = arith.constant 24 : i32
    %eq3A_45 = arith.cmpi eq, %arg0, %eq3A_44 : i32
    %convert_element_type3A_46 = arith.extui %eq3A_45 : i1 to i32
    %cond3A_47 = arith.constant 0 : i32
    %cond3A_48 = arith.cmpi ne, %convert_element_type3A_46, %cond3A_47 : i32
    scf.if %cond3A_48 {
      %get3A_49 = arith.constant 0 : index
      %get3A_50 = arith.constant 0 : index
      %get3A_51 = vector.load %arg8[%get3A_49, %get3A_50] : memref<64x128xf32, #tpu.memory_space<vmem>>, vector<64x128xf32>
      %get3A_52 = arith.constant 0 : index
      %get3A_53 = arith.constant 0 : index
      %get3A_54 = vector.load %arg9[%get3A_52, %get3A_53] : memref<64x1xf32, #tpu.memory_space<vmem>>, vector<64x1xf32>
      %max3A_55 = arith.constant 1.000000e+00 : f32
      %max3A_56 = vector.broadcast %max3A_55 : f32 to vector<64x1xf32>
      %max3A_57 = arith.maximumf %get3A_54, %max3A_56 : vector<64x1xf32>
      %div3A = vector.broadcast %max3A_57 : vector<64x1xf32> to vector<64x128xf32>
      %div3A_58 = arith.divf %get3A_51, %div3A : vector<64x128xf32>
      %get3A_59 = arith.constant 0 : index
      %get3A_60 = arith.constant 0 : index
      %get3A_61 = vector.load %arg5[%get3A_59, %get3A_60] : memref<128x128xf32, #tpu.memory_space<vmem>>, vector<128x128xf32>
      %dot_general3A_62 = arith.constant dense<0.000000e+00> : vector<64x128xf32>
      %dot_general3A_63 = tpu.matmul %div3A_58, %get3A_61, %dot_general3A_62 {dimension_numbers = #tpu.dot_dimension_numbers<[1], [0], [0], [1], [0, 0, 1, 1], [], []>, transpose_lhs_hint = false} : vector<64x128xf32>, vector<128x128xf32>, vector<64x128xf32> -> vector<64x128xf32>
      %get3A_64 = arith.constant 0 : index
      %get3A_65 = arith.constant 0 : index
      %get3A_66 = vector.load %arg6[%get3A_64, %get3A_65] : memref<1x128xf32, #tpu.memory_space<vmem>>, vector<1x128xf32>
      %add3A_67 = vector.broadcast %get3A_66 : vector<1x128xf32> to vector<64x128xf32>
      %add3A_68 = arith.addf %dot_general3A_63, %add3A_67 : vector<64x128xf32>
      %swap3A_69 = arith.constant 0 : index
      %swap3A_70 = arith.constant 0 : index
      %swap3A_71 = vector.load %arg7[%swap3A_69, %swap3A_70] : memref<64x128xf32, #tpu.memory_space<vmem>>, vector<64x128xf32>
      tpu.vector_store %arg7[%swap3A_69, %swap3A_70], %add3A_68 {strides = array<i32>} : memref<64x128xf32, #tpu.memory_space<vmem>>, vector<64x128xf32>,
    } else {
    }
    return
  }
  func.func @transform_0(%arg0: i32) -> (i32, i32, i32) {
    %c0_i32 = arith.constant 0 : i32
    %c0_i32_0 = arith.constant 0 : i32
    %c0_i32_1 = arith.constant 0 : i32
    return %c0_i32, %arg0, %c0_i32_0 : i32, i32, i32
  }
  func.func @transform_1(%arg0: i32) -> (i32, i32) {
    %c0_i32 = arith.constant 0 : i32
    %c0_i32_0 = arith.constant 0 : i32
    return %arg0, %c0_i32 : i32, i32
  }
  func.func @transform_2(%arg0: i32) -> (i32, i32) {
    %c0_i32 = arith.constant 0 : i32
    %c0_i32_0 = arith.constant 0 : i32
    %c0_i32_1 = arith.constant 0 : i32
    return %c0_i32, %c0_i32_0 : i32, i32
  }
  func.func @transform_3(%arg0: i32) -> (i32, i32) {
    %c0_i32 = arith.constant 0 : i32
    %c0_i32_0 = arith.constant 0 : i32
    return %arg0, %c0_i32 : i32, i32
  }
  func.func @transform_4(%arg0: i32) -> (i32, i32) {
    %c0_i32 = arith.constant 0 : i32
    %c0_i32_0 = arith.constant 0 : i32
    %c0_i32_1 = arith.constant 0 : i32
    return %c0_i32, %c0_i32_0 : i32, i32
  }
  func.func @transform_5(%arg0: i32) -> (i32, i32) {
    %c0_i32 = arith.constant 0 : i32
    %c0_i32_0 = arith.constant 0 : i32
    %c0_i32_1 = arith.constant 0 : i32
    return %c0_i32, %c0_i32_0 : i32, i32
  }
  func.func @transform_6(%arg0: i32) -> (i32, i32) {
    %c0_i32 = arith.constant 0 : i32
    %c0_i32_0 = arith.constant 0 : i32
    %c0_i32_1 = arith.constant 0 : i32
    return %c0_i32, %c0_i32_0 : i32, i32
  }
}

</mosaic_0001>

<sc_bundles>
// kernel: kernel.11.cloned.1.call-start
scs
__scs_entry_jumppad:
0x0: {  	(pc) =	sbr.rel $0x88, $3  }
0x1: {  	(tag) =	ssettag $0x0;
	lr =	simm.s32 $0x1  }
0x2: {  	[smem:$0x3F98] =	sst lr;
	_ =	strace $0xD0000000  }
0x3: {  	_ = 	snop  }
0x4: {  	_ = 	snop  }
0x5: {  	_ = 	snop  }
0x6: {  	_ = 	snop  }
0x7: {  	_ = 	snop  }
__scs_overlays_trampoline_lowered:
0x8: {  	[smem:$0x3FA7] =	sst s0  }
0x9: {  	[smem:$0x3FA8] =	sst s1  }
0xa: {  	[smem:$0x3FA9] =	sst s2  }
0xb: {  	[smem:$0x3FAA] =	sst s3  }
0xc: {  	[smem:$0x3FAB] =	sst s4  }
0xd: {  	[smem:$0x3FAC] =	sst s5  }
0xe: {  	[smem:$0x3FAD] =	sst s6  }
0xf: {  	[smem:$0x3FAE] =	sst s7  }
0x10: {  	[smem:$0x3FAF] =	sst s8  }
0x11: {  	[smem:$0x3FB0] =	sst s9;
	s0 =	simm.s32 @!p0 $0x0  }
0x12: {  	s1 =	sld [smem:$0x3F96];
	s0 =	simm.s32 @p0 $0x1  }
0x13: {  	[smem:$0x3FB1] =	sst s0;
	s0 =	simm.s32 @!p1 $0x0  }
0x14: {  	s2 =	sld [smem:$0x3F95];
	s0 =	simm.s32 @p1 $0x1  }
0x15: {  	[smem:$0x3FB2] =	sst s0;
	s0 =	simm.s32 @!p2 $0x0  }
0x16: {  	s3 =	sld [smem:$0x3FDB];
	s0 =	simm.s32 @p2 $0x1  }
0x17: {  	s4 =	simm.s32 $0x1BF5;
	[smem:$0x3FB4] =	sst s0  }
0x18: {  	s0 =	sld [smem:$0x3F97];
	_ =	swait.ge [sflag:s4], $0x0  }
0x19: {  	s7 =	sld [smem:$0x3F98]  }
0x1a: {  	s8 =	sadd.s32 $0xFFFFE003, lr  }
0x1b: {  	s9 =	sadd.s32 $0xFFFFFEF7, lr;
	s5 =	simm.s32 $0xFFFFFFFF;
	p2 =	slt.u32 s8, $0xFFFFF086  }
0x1c: {  	p1 =	slt.u32 s9, $0xF7A;
	s5 =	simm.s32 @!p2 $0x0  }
0x1d: {  	s5 =	simm.s32 @p1 $0x1;
	p0 =	seq.s32 s7, s2  }
0x1e: {  	s7 =	smul.u32 @!p0 $0xF7A, s2;
	p2 =	seq.s32 @!p0 s5, $0x0  }
0x1f: {  	s9 =	smul.u32 $0xF7A, s1;
	s8 =	simm.s32 @!p0 $0x1BF5;
	p2 =	por !p2, p0  }
0x20: {  	[sflag:s8] =	ssyncset.s32 @!p0 $0xFFFFF086;
	s6 =	sadd.s32 @!p0 s3, s7;
	s7 =	simm.s32 @!p0 $0x108  }
0x21: {  	s3 =	sadd.s32 s3, s9;
	s6 =	sadd.s32 @!p0 $0x88, s6;
	s7 =	simm.s32 @p2 $0x1082  }
0x22: {  	[simem:s7], [sflag:s8] =	dma.local @!p0 [hbm:s6], $0xF7A  }
0x23: {  	s9 =	sor.u32 $0xD0000000, s2;
	s6 =	simm.s32 $0x108;
	_ =	swait.ge @!p0 [sflag:s8], $0x0  }
0x24: {  	s3 =	sadd.s32 $0x88, s3;
	s6 =	simm.s32 @!p1 $0x1082;
	[sflag:s4] =	ssyncset.s32 $0xFFFFF086  }
0x25: {  	[simem:s6], [sflag:s4] =	dma.local [hbm:s3], $0xF7A  }
0x26: {  	[smem:$0x3F98] =	sst s1;
	(tag) =	ssettag s2;
	_ =	strace s9  }
0x27: {  	s1 =	sld [smem:$0x3FA8]  }
0x28: {  	s2 =	sld [smem:$0x3FA9]  }
0x29: {  	s4 =	sld [smem:$0x3FAB]  }
0x2a: {  	p0 =	seq.s32 s5, $0x0;
	s5 =	sld [smem:$0x3FAC]  }
0x2b: {  	s6 =	sld [smem:$0x3FAD]  }
0x2c: {  	s7 =	sld [smem:$0x3FAE]  }
0x2d: {  	s3 =	simm.s32 $0x108;
	s8 =	sld [smem:$0x3FAF]  }
0x2e: {  	s3 =	simm.s32 @!p0 $0x1082;
	s9 =	sld [smem:$0x3FB0]  }
0x2f: {  	lr =	sadd.s32 s0, s3;
	s0 =	sld [smem:$0x3FA7]  }
0x30: {  	s3 =	sld [smem:$0x3FAA]  }
0x31: {  	[smem:$0x3FB3] =	sst s10  }
0x32: {  	s10 =	sld [smem:$0x3FB1];
	_ =	sdelay $0x3  }
0x33: {  	p0 =	seq.s32 s10, $0x1;
	s10 =	sld [smem:$0x3FB3];
	_ =	sdelay $0x3  }
0x34: {  	[smem:$0x3FB3] =	sst s10  }
0x35: {  	s10 =	sld [smem:$0x3FB2];
	_ =	sdelay $0x3  }
0x36: {  	p1 =	seq.s32 s10, $0x1;
	s10 =	sld [smem:$0x3FB3];
	_ =	sdelay $0x3  }
0x37: {  	[smem:$0x3FB3] =	sst s10  }
0x38: {  	s10 =	sld [smem:$0x3FB4]  }
0x39: {  	_ = 	snop;
	(pc) =	sbr.ind lr, $3  }
0x3a: {  	_ = 	snop  }
0x3b: {  	_ = 	snop  }
0x3c: {  	p2 =	seq.s32 s10, $0x1;
	s10 =	sld [smem:$0x3FB3]  }
0x3d: {  	_ =	shalt  }
0x3e: {  	_ =	shalt  }
0x3f: {  	_ =	shalt  }
0x40: {  	_ =	shalt  }
0x41: {  	_ =	shalt  }
0x42: {  	_ =	shalt  }
0x43: {  	_ =	shalt  }
0x44: {  	_ =	shalt  }
0x45: {  	_ =	shalt  }
0x46: {  	_ =	shalt  }
0x47: {  	_ =	shalt  }
0x48: {  	_ =	shalt  }
0x49: {  	_ =	shalt  }
0x4a: {  	_ =	shalt  }
0x4b: {  	_ =	shalt  }
0x4c: {  	_ =	shalt  }
0x4d: {  	_ =	shalt  }
0x4e: {  	_ =	shalt  }
0x4f: {  	_ =	shalt  }
0x50: {  	_ =	shalt  }
0x51: {  	_ =	shalt  }
0x52: {  	_ =	shalt  }
0x53: {  	_ =	shalt  }
0x54: {  	_ =	shalt  }
0x55: {  	_ =	shalt  }
0x56: {  	_ =	shalt  }
0x57: {  	_ =	shalt  }
0x58: {  	_ =	shalt  }
0x59: {  	_ =	shalt  }
0x5a: {  	_ =	shalt  }
0x5b: {  	_ =	shalt  }
0x5c: {  	_ =	shalt  }
0x5d: {  	_ =	shalt  }
0x5e: {  	_ =	shalt  }
0x5f: {  	_ =	shalt  }
0x60: {  	_ =	shalt  }
0x61: {  	_ =	shalt  }
0x62: {  	_ =	shalt  }
0x63: {  	_ =	shalt  }
0x64: {  	_ =	shalt  }
0x65: {  	_ =	shalt  }
0x66: {  	_ =	shalt  }
0x67: {  	_ =	shalt  }
0x68: {  	_ =	shalt  }
0x69: {  	_ =	shalt  }
0x6a: {  	_ =	shalt  }
0x6b: {  	_ =	shalt  }
0x6c: {  	_ =	shalt  }
0x6d: {  	_ =	shalt  }
0x6e: {  	_ =	shalt  }
0x6f: {  	_ =	shalt  }
0x70: {  	_ =	shalt  }
0x71: {  	_ =	shalt  }
0x72: {  	_ =	shalt  }
0x73: {  	_ =	shalt  }
0x74: {  	_ =	shalt  }
0x75: {  	_ =	shalt  }
0x76: {  	_ =	shalt  }
0x77: {  	_ =	shalt  }
0x78: {  	_ =	shalt  }
0x79: {  	_ =	shalt  }
0x7a: {  	_ =	shalt  }
0x7b: {  	_ =	shalt  }
0x7c: {  	_ =	shalt  }
0x7d: {  	_ =	shalt  }
0x7e: {  	_ =	shalt  }
0x7f: {  	_ =	shalt  }
0x80: {  	_ =	shalt  }
0x81: {  	_ =	shalt  }
0x82: {  	_ =	shalt  }
0x83: {  	_ =	shalt  }
0x84: {  	_ =	shalt  }
0x85: {  	_ =	shalt  }
0x86: {  	_ =	shalt  }
0x87: {  	_ =	shalt  }
.Lfunc_end0:
.L_simem_size_0:
called_computation.1_lowered:
.L_overlay_start_0:
0x88: {  	s2 =	sld [smem:$0x3FD9]  }
0x89: {  	s3 =	sld [smem:$0x3FFE];
	_ =	sdelay $0x1  }
0x8a: {  	s1 =	srdreg.scid  }
0x8b: {  	s0 =	sand.u32 $0x1, s1  }
0x8c: {  	s16 =	sshll.u32 s0, $0xA;
	s2 =	sadd.s32 s3, s2  }
0x8d: {  	s2 =	sadd.s32 s2, s16  }
0x8e: {  	[smem:$0x3FBF] =	sst s2  }
0x8f: {  	_ = 	snop  }
0x90: {  	(tm) =	ssettm $0x1  }
0x91: {  	s17 =	sld [smem:$0x3FFB];
	_ =	sdelay $0x3  }
0x92: {  	_ =	strace s17  }
0x93: {  	s2 =	sld [smem:$0x3FFC];
	_ =	sdelay $0x3  }
0x94: {  	_ =	strace s2  }
0x95: {  	s2 =	sld [smem:$0x3FFD];
	_ =	sdelay $0x3  }
0x96: {  	_ =	strace s2  }
0x97: {  	_ =	strace $0x8FFFFFFF  }
0x98: {  	s18 =	sld [smem:$0x3FDB];
	_ =	sdelay $0x1  }
0x99: {  	s19 =	simm.s32 $_scs_section_size  }
0x9a: {  	s4 =	simm.s32 $_size__tile_overlayer_lowered;
	s5 =	simm.s32 $_tile_overlayer_lowered  }
0x9b: {  	s22 =	simm.s32 $0x1BFF;
	s21 =	sshll.u32 s5, $0x1;
	s2 =	sadd.s32 s19, s18  }
0x9c: {  	s6 =	simm.s32 $0x0;
	s20 =	sshll.u32 s4, $0x1;
	s4 =	sadd.s32 s21, s2  }
0x9d: {  	[timem:s6], [sflag:s22] =	dma.local [hbm:s4], s20  }
0x9e: {  	_ =	swait.ge [sflag:s22], s20  }
0x9f: {  	s3 =	ssub.s32 $0x0, s20;
	[sflag:s22] =	ssyncset.done $0x0  }
0xa0: {  	[sflag:s22] =	ssyncadd.s32 s3;
	_ =	sdelay $0x1  }
0xa1: {  	s23 =	simm.s32 $0x1B8B  }
0xa2: {  	_ =	swait.ge [sflag:s23], $0x1  }
0xa3: {  	[sflag:s23] =	ssyncset.done $0x0  }
0xa4: {  	s25 =	simm.s32 $0x1B8E;
	s24 =	sld [smem:$0x3FFE];
	[sflag:s23] =	ssyncadd.s32 $0xFFFFFFFF  }
0xa5: {  	s26 =	simm.s32 $execute0_lowered;
	[smem:$0x3FD2] =	sst s25  }
0xa6: {  	s4 =	sshll.u32 s26, $0x1;
	_ =	strace $0x80000049;
	[dreg:$0x1] =	wrdreg $0xFFFFFFFF  }
0xa7: {  	s28 =	simm.s32 $_size_execute0_lowered;
	s2 =	sadd.s32 s2, s4;
	[dreg:$0x0] =	wrdreg $0x0  }
0xa8: {  	s4 =	sshll.u32 s28, $0x1;
	[dreg:$0x2] =	wrdreg s2  }
0xa9: {  	[dreg:$0x3] =	wrdreg s4  }
0xaa: {  	[dreg:$0x4] =	wrdreg $0xC0  }
0xab: {  	_ =	task [dreg:s6], $0x5FFFF  }
0xac: {  	[dreg:$0x1] =	wrdreg $0xFFFFFFFF  }
0xad: {  	[dreg:$0x0] =	wrdreg $0x60  }
0xae: {  	[dreg:$0x2] =	wrdreg s24  }
0xaf: {  	[dreg:$0x3] =	wrdreg $0x0  }
0xb0: {  	[dreg:$0x4] =	wrdreg $0x9  }
0xb1: {  	_ =	task.clear_ibuf [dreg:s6], $0x5FFFF;
	_ =	strace $0x90000049  }
0xb2: {  	s29 =	simm.s32 $0x9;
	_ =	strace $0x8000004B  }
0xb3: {  	_ =	swait.ge [sflag:s29], $0x1  }
0xb4: {  	[sflag:s29] =	ssyncadd.s32 $0xFFFFFFFF  }
0xb5: {  	_ =	strace $0x9000004B  }
0xb6: {  	_ =	sfence  }
0xb7: {  	s30 =	sld [smem:$0x0];
	_ =	sdelay $0x2  }
0xb8: {  	s31 =	sshll.u32 s1, $0xD;
	s1 =	sshrl.u32 s1, $0x2  }
0xb9: {  	s3 =	sand.u32 $0x4000, s31;
	s1 =	sadd.s32 s1, s30  }
0xba: {  	s0 =	sor.u32 s3, s0;
	s1 =	sshll.u32 s1, $0x11  }
0xbb: {  	s0 =	sor.u32 s1, s0  }
0xbc: {  	s0 =	sadd.s32 $0x8F2B, s0  }
0xbd: {  	[sflag:s0] =	ssyncadd.remote.s32 $0x1  }
0xbe: {  	_ =	sfence.sel $0xFFFF  }
0xbf: {  	[dreg:$0x0] =	wrdreg $0xFFFFFFFF;
	(pc) =	sbr.abs _section_cstart, $3  }
0xc0: {  	[dreg:$0x1] =	wrdreg $0xFFFFFFFF  }
0xc1: {  	_ =	task.clear_ibuf [dreg:s6], $0x2FFFF;
	_ =	strace $0x9FFFFFFF  }
0xc2: {  	(tm) =	ssettm $0x7FFFFFFF  }
0xc3: {  	_ =	shalt  }
tec
execute0_lowered:
.L_overlay_start_1:
0x0: {  	(tag) =	ssettag $0x1  }
0x1: {  	s0 =	srdreg.scid  }
0x2: {  	s1 =	rddreg [dreg:$0x0];
	s11 =	stileid.u32  }
0x3: {  	s2 =	rddreg [dreg:$0x1];
	s22 =	simm.s32 $0x138C0;
	s23 =	simm.s32 $0x4  }
0x4: {  	s28 =	simm.s32 $0x198C0;
	s29 =	simm.s32 $0x1;
	s30 =	simm.s32 $0x2  }
0x5: {  	s31 =	simm.s32 $0x0;
	s0 =	sand.u32 $0x1, s0;
	s12 =	smul.u32 $0x2780, s11  }
0x6: {  	s5 =	sadd.s32 $0x47A00, s1;
	s6 =	smul.u32 $0x4F000, s11;
	s25 =	sadd.s32 $0x45880, s1  }
0x7: {  	p0 =	seq.s32 s11, $0xF;
	s3 =	sshll.u32 s0, $0x4;
	s7 =	smul.u32 $0x27180, s0  }
0x8: {  	s8 =	ssub.s32 $0x2, s0;
	p3 =	sne.s32 @p0 s0, $0x0;
	p4 =	sne.s32 @!p0 s0, $0x0  }
0x9: {  	s4 =	sor.u32 s11, s3;
	s3 =	simm.s32 $0x0;
	s9 =	sadd.s32 s12, s1  }
0xa: {  	s10 =	sshrl.u32 s8, $0x1;
	s6 =	sshrl.u32 s6, $0x2;
	s24 =	sadd.s32 s5, s12  }
0xb: {  	p1 =	por !p3, !p0;
	p3 =	por p3, !p0;
	p2 =	por p4, p0  }
0xc: {  	s4 =	smul.u32 $0x500, s4;
	[smem:$0x7FF] =	sst s3;
	s9 =	sadd.s32 $0x20800, s9  }
0xd: {  	s7 =	sadd.s32 s7, s1;
	_ =	strace $0x8000004A;
	[dreg:$0x4] =	wrdreg s9  }
0xe: {  	s8 =	ssub.s32 s8, s10;
	s6 =	sadd.s32 s6, s2;
	[dreg:$0x3] =	wrdreg s12  }
0xf: {  	s0 =	simm.s32 @!p1 $0x0;
	[dreg:$0x5] =	wrdreg s24;
	s9 =	sadd.s32 $0x128400, s2  }
0x10: {  	[dreg:$0x6] =	wrdreg s25;
	s14 =	sadd.s32 $0x6EC00, s7;
	s26 =	smax.u32 s8, $0x1  }
0x11: {  	s0 =	simm.s32 @p1 $0x1;
	s15 =	smov.u32 s6;
	s21 =	sshrl.u32 @!p2 s6, $0x3  }
0x12: {  	s25 =	simm.s32 $0x80;
	s4 =	sadd.s32 s4, s1;
	[dreg:$0x8] =	wrdreg s26  }
0x13: {  	s1 =	sadd.s32 $0x6CA80, s1;
	[smem:$0x7FB] =	sst s0;
	s16 =	sshrl.u32 @!p1 s9, $0x3  }
0x14: {  	p1 =	por !p4, p0;
	s17 =	sshrl.u32 @!p3 s9, $0x3;
	s26 =	simm.s32 $0x158C0  }
.Ltmp0:
0x15: {  	[dreg:$0x7] =	wrdreg s1;
	s0 =	sshll.u32 @!p1 s11, $0x6;
	(pc) =	sbr.rel .LBB2_1-.Ltmp0, $4  }
0x16: {  	s1 =	simm.s32 @!p1 $0x0;
	s18 =	sor.u32 @!p1 $0x1C04, s0;
	s0 =	sshll.u32 @!p2 s11, $0x6  }
0x17: {  	s1 =	simm.s32 @p1 $0x1;
	s20 =	sor.u32 @!p2 $0x1C04, s0;
	s0 =	simm.s32 @!p2 $0x0  }
0x18: {  	s12 =	sadd.s32 $0x16800, s4;
	[smem:$0x7FC] =	sst s1;
	s0 =	simm.s32 @p2 $0x1  }
0x19: {  	s13 =	sadd.s32 $0xC800, s4;
	s19 =	sshrl.u32 @!p1 s6, $0x3;
	[smem:$0x7FD] =	sst s0  }
.LBB2_6:
0x1a: {  	[bflag:$0x0] =	sbarrier.arrive $0xFFFF  }
0x1b: {  	s0 =	sadd.s32 @p0 $0x25080, s14;
	s1 =	sshrl.u32 @p0 s9, $0x3;
	s4 =	simm.s32 @p0 $0x1FC4  }
0x1c: {  	[hbm:s0], [sflag:s4] =	dma.local @p0 [spmem:s1], $0x2100  }
0x1d: {  	s0 =	simm.s32 @p0 $0x4  }
0x1e: {  	_ =	swait.ge @p0 [sflag:s0], $0x2100  }
0x1f: {  	[sflag:s0] =	ssyncset.done @p0 $0x0  }
0x20: {  	[sflag:s0] =	ssyncadd.s32 @p0 $0xFFFFDF00;
	s0 =	stileid.u32  }
0x21: {  	s1 =	rddreg [dreg:$0x3];
	s0 =	sshll.u32 @!p0 s0, $0x6  }
0x22: {  	s4 =	sshrl.u32 @!p0 s15, $0x3;
	s1 =	sadd.s32 @!p0 s1, s14;
	s0 =	sor.u32 @!p0 $0x1C04, s0  }
0x23: {  	[hbm:s1], [sflag:s0] =	dma.local @!p0 [spmem:s4], $0x2780  }
0x24: {  	s0 =	simm.s32 @!p0 $0x4  }
0x25: {  	_ =	swait.ge @!p0 [sflag:s0], $0x2780  }
0x26: {  	s31 =	sadd.s32 $0x1, s31;
	s24 =	rddreg [dreg:$0x8]  }
0x27: {  	p1 =	sne.s32 s31, s24  }
.Ltmp1:
0x28: {  	_ = 	snop;
	(pc) =	sbr.rel @!p1 .LBB2_7-.Ltmp1, $3  }
0x29: {  	_ =	sdelay $0x1  }
0x2a: {  	[sflag:s0] =	ssyncset.done @!p0 $0x0  }
0x2b: {  	[sflag:s0] =	ssyncadd.s32 @!p0 $0xFFFFD880  }
.LBB2_1:
0x2c: {  	s0 =	sld [smem:$0x7FB];
	_ =	sdelay $0x2  }
0x2d: {  	p1 =	seq.s32 s0, $0x1  }
0x2e: {  	s1 =	rddreg [dreg:$0x6];
	s0 =	simm.s32 @!p1 $0x1FC4  }
0x2f: {  	[spmem:s16], [sflag:s0] =	dma.local @!p1 [hbm:s1], $0x2080  }
0x30: {  	s0 =	simm.s32 @!p1 $0x4  }
0x31: {  	_ =	swait.ge @!p1 [sflag:s0], $0x2080  }
0x32: {  	[sflag:s0] =	ssyncset.done @!p1 $0x0  }
0x33: {  	s1 =	rddreg [dreg:$0x7];
	[sflag:s0] =	ssyncadd.s32 @!p1 $0xFFFFDF80;
	s0 =	simm.s32 @!p3 $0x1FC4  }
0x34: {  	[spmem:s17], [sflag:s0] =	dma.local @!p3 [hbm:s1], $0x2080  }
0x35: {  	s0 =	simm.s32 @!p3 $0x4  }
0x36: {  	_ =	swait.ge @!p3 [sflag:s0], $0x2080  }
0x37: {  	s10 =	sld [smem:$0x7FC];
	_ =	sdelay $0x1  }
0x38: {  	[sflag:s0] =	ssyncset.done @!p3 $0x0  }
0x39: {  	[sflag:s0] =	ssyncadd.s32 @!p3 $0xFFFFDF80;
	s0 =	rddreg [dreg:$0x4];
	p1 =	seq.s32 s10, $0x1  }
0x3a: {  	[spmem:s19], [sflag:s18] =	dma.local @!p1 [hbm:s0], $0x2780  }
0x3b: {  	s0 =	simm.s32 @!p1 $0x4  }
0x3c: {  	_ =	swait.ge @!p1 [sflag:s0], $0x2780  }
0x3d: {  	s11 =	sld [smem:$0x7FD];
	_ =	sdelay $0x1  }
0x3e: {  	[sflag:s0] =	ssyncset.done @!p1 $0x0  }
0x3f: {  	[sflag:s0] =	ssyncadd.s32 @!p1 $0xFFFFD880;
	s0 =	rddreg [dreg:$0x5];
	p1 =	seq.s32 s11, $0x1  }
0x40: {  	[spmem:s21], [sflag:s20] =	dma.local @!p1 [hbm:s0], $0x2780  }
0x41: {  	s0 =	simm.s32 @!p1 $0x4  }
0x42: {  	_ =	swait.ge @!p1 [sflag:s0], $0x2780  }
0x43: {  	[sflag:s0] =	ssyncset.done @!p1 $0x0  }
0x44: {  	[sflag:s0] =	ssyncadd.s32 @!p1 $0xFFFFD880  }
0x45: {  	[tilespmem:s22], [sflag:$0x4] =	stream.linear.gather [hbm4b:s12+s3], $0x800, $0x38;
	[tilespmem:$0x1D8C0] =	vst v63  }
0x46: {  	_ =	swait.ge [sflag:s23], $0x800  }
0x47: {  	[sflag:s23] =	ssyncset.done $0x0  }
0x48: {  	s24 =	simm.s32 $0x148C0;
	[sflag:s23] =	ssyncadd.s32 $0xFFFFF800  }
0x49: {  	[tilespmem:s24], [sflag:$0x4] =	stream.linear.gather [hbm4b:s13+s3], $0x800, $0x38;
	[tilespmem:$0x1D8C0] =	vst v63  }
.Ltmp2:
0x4a: {  	_ =	swait.ge [sflag:s23], $0x800;
	(pc) =	sbr.rel .LBB2_2-.Ltmp2, $4  }
0x4b: {  	[sflag:s23] =	ssyncset.done $0x0  }
0x4c: {  	s1 =	simm.s32 $0x0;
	[sflag:s23] =	ssyncadd.s32 $0xFFFFF800  }
0x4d: {  	s0 =	simm.s32 $0x0;
	s24 =	simm.s32 $0x0;
	[bflag:$0x0] =	sbarrier.arrive $0xFFFF  }
0x4e: {  	[tilespmem:s26], [sflag:$0x1] =	stream.indirect.gather [hbm4b:s5+s25], $0x80, s22, s25, $0xb8;
	[tilespmem:$0x1D8C0] =	vst v63  }
.LBB2_4:
0x4f: {  	p6 =	seq.s32 s24, $0x27  }
0x50: {  	p2 =	sne.s32 @!p6 s4, $0xE  }
0x51: {  	p4 =	por p2, p6  }
0x52: {  	s6 =	simm.s32 @!p4 $0x3  }
0x53: {  	_ =	swait.ge @!p4 [sflag:s6], $0x800  }
0x54: {  	[sflag:s6] =	ssyncset.done @!p4 $0x0  }
0x55: {  	p5 =	sne.s32 s24, $0x27;
	[sflag:s6] =	ssyncadd.s32 @!p4 $0xFFFFF800  }
0x56: {  	p2 =	por !p2, p6;
	p1 =	por @!p4 $0x1, $0x1;
	_ =	swait.ge @!p4 [sflag:s6], $0x800  }
0x57: {  	s8 =	sshll.u32 s24, $0x1;
	p1 =	por @!p2 p5, p5;
	[sflag:s6] =	ssyncset.done @!p4 $0x0  }
0x58: {  	s8 =	sadd.s32 $0x2, s8;
	p5 =	por @!p6 p1, p1;
	[sflag:s6] =	ssyncadd.s32 @!p4 $0xFFFFF800  }
.LBB2_5:
0x59: {  	s6 =	sand.u32 $0x700, s1  }
0x5a: {  	s10 =	sand.u32 $0x800, s1;
	s6 =	sor.u32 $0x80, s6  }
0x5b: {  	s11 =	sor.u32 s6, s10  }
0x5c: {  	s7 =	sshll.u32 s7, $0xB;
	s11 =	sadd.s32 $0x138C0, s11  }
0x5d: {  	[tilespmem:s28], [sflag:$0x2] =	stream.indirect.gather [hbm4b:s5+s25], $0x80, s11, s25, $0xb8;
	[tilespmem:$0x1D8C0] =	vst v63  }
0x5e: {  	s4 =	sshll.u32 s4, $0x7;
	s7 =	sand.u32 $0x800, s7;
	_ =	swait.ge [sflag:s29], $0x4000  }
0x5f: {  	s4 =	sor.u32 s4, s7;
	[sflag:s29] =	ssyncset.done $0x0  }
0x60: {  	s4 =	sadd.s32 $0x148C0, s4;
	[sflag:s29] =	ssyncadd.s32 $0xFFFFC000  }
0x61: {  	[spmem:s2] =	stream.indirect.scatter.add.f32 [tilespmem:s26], [sflag:$0x4], $0x80, s4, s25, $0xb8;
	[tilespmem:$0x1D8C0] =	vst v63  }
0x62: {  	s4 =	sshll.u32 @p5 s8, $0x7;
	_ =	swait.ge [sflag:s23], $0x4000  }
0x63: {  	s7 =	simm.s32 @p5 $0x80;
	s4 =	sand.u32 @p5 $0xF00, s4;
	[sflag:s23] =	ssyncset.done $0x0  }
0x64: {  	s8 =	simm.s32 @p5 $0x158C0;
	s4 =	sadd.s32 @p5 $0x138C0, s4;
	[sflag:s23] =	ssyncadd.s32 $0xFFFFC000  }
0x65: {  	[tilespmem:s8], [sflag:$0x1] =	stream.indirect.gather @p5 [hbm4b:s5+s7], $0x80, s4, s7, $0xb8;
	[tilespmem:$0x1D8C0] =	vst v63  }
0x66: {  	s0 =	sadd.s32 $0x2, s0;
	_ =	swait.ge [sflag:s30], $0x4000  }
0x67: {  	p1 =	sne.s32 s0, $0x50;
	s11 =	sadd.s32 s6, s10;
	[sflag:s30] =	ssyncset.done $0x0  }
.Ltmp3:
0x68: {  	s4 =	sadd.s32 $0x148C0, s11;
	[sflag:s30] =	ssyncadd.s32 $0xFFFFC000;
	(pc) =	sbr.rel @!p1 .LBB2_6-.Ltmp3, $4  }
0x69: {  	[spmem:s2] =	stream.indirect.scatter.add.f32 [tilespmem:s28], [sflag:$0x4], $0x80, s4, s25, $0xb8;
	[tilespmem:$0x1D8C0] =	vst v63  }
0x6a: {  	_ =	swait.ge [sflag:s23], $0x4000  }
0x6b: {  	[sflag:s23] =	ssyncset.done $0x0  }
0x6c: {  	s24 =	sadd.s32 $0x1, s24;
	s1 =	sadd.s32 $0x100, s1;
	[sflag:s23] =	ssyncadd.s32 $0xFFFFC000  }
.LBB2_2:
0x6d: {  	s4 =	sand.u32 $0xE, s0;
	p5 =	sgt.u32 s24, $0x1F  }
0x6e: {  	p6 =	sne.s32 @!p5 s4, $0x0  }
0x6f: {  	p5 =	por p5, p6  }
.Ltmp4:
0x70: {  	_ = 	snop;
	(pc) =	sbr.rel @p5 .LBB2_4-.Ltmp4, $2  }
0x71: {  	_ =	sdelay $0x2  }
0x72: {  	s7 =	sshrl.u32 s24, $0x3  }
0x73: {  	s8 =	sxor.u32 $0xFFFFFFFF, s7  }
0x74: {  	s10 =	sshll.u32 s7, $0x8;
	s8 =	sshll.u32 s8, $0xB  }
0x75: {  	s10 =	sadd.s32 $0x100, s10;
	s8 =	sand.u32 $0x800, s8  }
.Ltmp5:
0x76: {  	s6 =	sadd.s32 s12, s10;
	s11 =	sadd.s32 $0x138C0, s8;
	(pc) =	sbr.rel .LBB2_5-.Ltmp5, $4  }
0x77: {  	[tilespmem:s11], [sflag:$0x3] =	stream.linear.gather [hbm4b:s6+s3], $0x800, $0x38;
	[tilespmem:$0x1D8C0] =	vst v63  }
0x78: {  	s8 =	sadd.s32 $0x148C0, s8;
	s11 =	sadd.s32 s13, s10  }
0x79: {  	[tilespmem:s8], [sflag:$0x3] =	stream.linear.gather [hbm4b:s11+s3], $0x800, $0x38;
	[tilespmem:$0x1D8C0] =	vst v63  }
0x7a: {  	p5 =	por $0x1, $0x1;
	s8 =	sadd.s32 $0x2, s0  }
.LBB2_7:
0x7b: {  	_ =	sfence.sel $0x180000  }
0x7c: {  	[bflag:$0x0] =	sbarrier.arrive $0xFFFF  }
0x7d: {  	_ =	strace $0x9000004A  }
0x7e: {  	s0 =	stileid.u32;
	[bflag:$0x2] =	sbarrier.arrive $0xFFFF  }
0x7f: {  	p0 =	sne.s32 s0, $0x0;
	s0 =	rddreg [dreg:$0x2]  }
0x80: {  	s0 =	sadd.s32 @!p0 $0x100000, s0  }
0x81: {  	[sflag:s0] =	ssyncadd.tile.s32 @!p0 $0x1;
	_ =	shalt  }
.Lfunc_end2:
_tile_overlayer_lowered:
.L_overlay_start_2:
0x82: {  	(tag) =	ssettag $0x2  }
0x83: {  	s0 =	rddreg [dreg:$0x0];
	s2 =	stileid.u32  }
0x84: {  	s1 =	rddreg [dreg:$0x1];
	p0 =	sne.s32 s2, $0x0  }
0x85: {  	s3 =	rddreg [dreg:$0x2];
	[bflag:$0x3] =	sbarrier.arrive $0xFFFF;
	s2 =	simm.s32 @!p0 $0x1C04  }
0x86: {  	[timem:s3], [sflag:s2] =	dma.local @!p0 [hbm:s0], s1  }
0x87: {  	s0 =	simm.s32 @!p0 $0x4  }
0x88: {  	_ =	swait.ge @!p0 [sflag:s0], s1  }
0x89: {  	s1 =	ssub.s32 @!p0 $0x0, s1;
	[sflag:s0] =	ssyncset.done @!p0 $0x0  }
0x8a: {  	[sflag:s0] =	ssyncadd.s32 @!p0 s1  }
0x8b: {  	[bflag:$0x3] =	sbarrier.arrive $0xFFFF  }
0x8c: {  	_ =	shalt  }

// kernel: kernel.14.cloned.1.call-start
scs
__scs_entry_jumppad:
0x0: {  	(pc) =	sbr.rel $0x88, $3  }
0x1: {  	(tag) =	ssettag $0x0;
	lr =	simm.s32 $0x1  }
0x2: {  	[smem:$0x3F98] =	sst lr;
	_ =	strace $0xD0000000  }
0x3: {  	_ = 	snop  }
0x4: {  	_ = 	snop  }
0x5: {  	_ = 	snop  }
0x6: {  	_ = 	snop  }
0x7: {  	_ = 	snop  }
__scs_overlays_trampoline_lowered:
0x8: {  	[smem:$0x3FA7] =	sst s0  }
0x9: {  	[smem:$0x3FA8] =	sst s1  }
0xa: {  	[smem:$0x3FA9] =	sst s2  }
0xb: {  	[smem:$0x3FAA] =	sst s3  }
0xc: {  	[smem:$0x3FAB] =	sst s4  }
0xd: {  	[smem:$0x3FAC] =	sst s5  }
0xe: {  	[smem:$0x3FAD] =	sst s6  }
0xf: {  	[smem:$0x3FAE] =	sst s7  }
0x10: {  	[smem:$0x3FAF] =	sst s8  }
0x11: {  	[smem:$0x3FB0] =	sst s9;
	s0 =	simm.s32 @!p0 $0x0  }
0x12: {  	s1 =	sld [smem:$0x3F96];
	s0 =	simm.s32 @p0 $0x1  }
0x13: {  	[smem:$0x3FB1] =	sst s0;
	s0 =	simm.s32 @!p1 $0x0  }
0x14: {  	s2 =	sld [smem:$0x3F95];
	s0 =	simm.s32 @p1 $0x1  }
0x15: {  	[smem:$0x3FB2] =	sst s0;
	s0 =	simm.s32 @!p2 $0x0  }
0x16: {  	s3 =	sld [smem:$0x3FDB];
	s0 =	simm.s32 @p2 $0x1  }
0x17: {  	s4 =	simm.s32 $0x1BF5;
	[smem:$0x3FB4] =	sst s0  }
0x18: {  	s0 =	sld [smem:$0x3F97];
	_ =	swait.ge [sflag:s4], $0x0  }
0x19: {  	s7 =	sld [smem:$0x3F98]  }
0x1a: {  	s8 =	sadd.s32 $0xFFFFE003, lr  }
0x1b: {  	s9 =	sadd.s32 $0xFFFFFEF7, lr;
	s5 =	simm.s32 $0xFFFFFFFF;
	p2 =	slt.u32 s8, $0xFFFFF086  }
0x1c: {  	p1 =	slt.u32 s9, $0xF7A;
	s5 =	simm.s32 @!p2 $0x0  }
0x1d: {  	s5 =	simm.s32 @p1 $0x1;
	p0 =	seq.s32 s7, s2  }
0x1e: {  	s7 =	smul.u32 @!p0 $0xF7A, s2;
	p2 =	seq.s32 @!p0 s5, $0x0  }
0x1f: {  	s9 =	smul.u32 $0xF7A, s1;
	s8 =	simm.s32 @!p0 $0x1BF5;
	p2 =	por !p2, p0  }
0x20: {  	[sflag:s8] =	ssyncset.s32 @!p0 $0xFFFFF086;
	s6 =	sadd.s32 @!p0 s3, s7;
	s7 =	simm.s32 @!p0 $0x108  }
0x21: {  	s3 =	sadd.s32 s3, s9;
	s6 =	sadd.s32 @!p0 $0x88, s6;
	s7 =	simm.s32 @p2 $0x1082  }
0x22: {  	[simem:s7], [sflag:s8] =	dma.local @!p0 [hbm:s6], $0xF7A  }
0x23: {  	s9 =	sor.u32 $0xD0000000, s2;
	s6 =	simm.s32 $0x108;
	_ =	swait.ge @!p0 [sflag:s8], $0x0  }
0x24: {  	s3 =	sadd.s32 $0x88, s3;
	s6 =	simm.s32 @!p1 $0x1082;
	[sflag:s4] =	ssyncset.s32 $0xFFFFF086  }
0x25: {  	[simem:s6], [sflag:s4] =	dma.local [hbm:s3], $0xF7A  }
0x26: {  	[smem:$0x3F98] =	sst s1;
	(tag) =	ssettag s2;
	_ =	strace s9  }
0x27: {  	s1 =	sld [smem:$0x3FA8]  }
0x28: {  	s2 =	sld [smem:$0x3FA9]  }
0x29: {  	s4 =	sld [smem:$0x3FAB]  }
0x2a: {  	p0 =	seq.s32 s5, $0x0;
	s5 =	sld [smem:$0x3FAC]  }
0x2b: {  	s6 =	sld [smem:$0x3FAD]  }
0x2c: {  	s7 =	sld [smem:$0x3FAE]  }
0x2d: {  	s3 =	simm.s32 $0x108;
	s8 =	sld [smem:$0x3FAF]  }
0x2e: {  	s3 =	simm.s32 @!p0 $0x1082;
	s9 =	sld [smem:$0x3FB0]  }
0x2f: {  	lr =	sadd.s32 s0, s3;
	s0 =	sld [smem:$0x3FA7]  }
0x30: {  	s3 =	sld [smem:$0x3FAA]  }
0x31: {  	[smem:$0x3FB3] =	sst s10  }
0x32: {  	s10 =	sld [smem:$0x3FB1];
	_ =	sdelay $0x3  }
0x33: {  	p0 =	seq.s32 s10, $0x1;
	s10 =	sld [smem:$0x3FB3];
	_ =	sdelay $0x3  }
0x34: {  	[smem:$0x3FB3] =	sst s10  }
0x35: {  	s10 =	sld [smem:$0x3FB2];
	_ =	sdelay $0x3  }
0x36: {  	p1 =	seq.s32 s10, $0x1;
	s10 =	sld [smem:$0x3FB3];
	_ =	sdelay $0x3  }
0x37: {  	[smem:$0x3FB3] =	sst s10  }
0x38: {  	s10 =	sld [smem:$0x3FB4]  }
0x39: {  	_ = 	snop;
	(pc) =	sbr.ind lr, $3  }
0x3a: {  	_ = 	snop  }
0x3b: {  	_ = 	snop  }
0x3c: {  	p2 =	seq.s32 s10, $0x1;
	s10 =	sld [smem:$0x3FB3]  }
0x3d: {  	_ =	shalt  }
0x3e: {  	_ =	shalt  }
0x3f: {  	_ =	shalt  }
0x40: {  	_ =	shalt  }
0x41: {  	_ =	shalt  }
0x42: {  	_ =	shalt  }
0x43: {  	_ =	shalt  }
0x44: {  	_ =	shalt  }
0x45: {  	_ =	shalt  }
0x46: {  	_ =	shalt  }
0x47: {  	_ =	shalt  }
0x48: {  	_ =	shalt  }
0x49: {  	_ =	shalt  }
0x4a: {  	_ =	shalt  }
0x4b: {  	_ =	shalt  }
0x4c: {  	_ =	shalt  }
0x4d: {  	_ =	shalt  }
0x4e: {  	_ =	shalt  }
0x4f: {  	_ =	shalt  }
0x50: {  	_ =	shalt  }
0x51: {  	_ =	shalt  }
0x52: {  	_ =	shalt  }
0x53: {  	_ =	shalt  }
0x54: {  	_ =	shalt  }
0x55: {  	_ =	shalt  }
0x56: {  	_ =	shalt  }
0x57: {  	_ =	shalt  }
0x58: {  	_ =	shalt  }
0x59: {  	_ =	shalt  }
0x5a: {  	_ =	shalt  }
0x5b: {  	_ =	shalt  }
0x5c: {  	_ =	shalt  }
0x5d: {  	_ =	shalt  }
0x5e: {  	_ =	shalt  }
0x5f: {  	_ =	shalt  }
0x60: {  	_ =	shalt  }
0x61: {  	_ =	shalt  }
0x62: {  	_ =	shalt  }
0x63: {  	_ =	shalt  }
0x64: {  	_ =	shalt  }
0x65: {  	_ =	shalt  }
0x66: {  	_ =	shalt  }
0x67: {  	_ =	shalt  }
0x68: {  	_ =	shalt  }
0x69: {  	_ =	shalt  }
0x6a: {  	_ =	shalt  }
0x6b: {  	_ =	shalt  }
0x6c: {  	_ =	shalt  }
0x6d: {  	_ =	shalt  }
0x6e: {  	_ =	shalt  }
0x6f: {  	_ =	shalt  }
0x70: {  	_ =	shalt  }
0x71: {  	_ =	shalt  }
0x72: {  	_ =	shalt  }
0x73: {  	_ =	shalt  }
0x74: {  	_ =	shalt  }
0x75: {  	_ =	shalt  }
0x76: {  	_ =	shalt  }
0x77: {  	_ =	shalt  }
0x78: {  	_ =	shalt  }
0x79: {  	_ =	shalt  }
0x7a: {  	_ =	shalt  }
0x7b: {  	_ =	shalt  }
0x7c: {  	_ =	shalt  }
0x7d: {  	_ =	shalt  }
0x7e: {  	_ =	shalt  }
0x7f: {  	_ =	shalt  }
0x80: {  	_ =	shalt  }
0x81: {  	_ =	shalt  }
0x82: {  	_ =	shalt  }
0x83: {  	_ =	shalt  }
0x84: {  	_ =	shalt  }
0x85: {  	_ =	shalt  }
0x86: {  	_ =	shalt  }
0x87: {  	_ =	shalt  }
.Lfunc_end0:
.L_simem_size_0:
called_computation.2_lowered:
.L_overlay_start_0:
0x88: {  	s2 =	sld [smem:$0x3FD9]  }
0x89: {  	s3 =	sld [smem:$0x3FFE];
	_ =	sdelay $0x1  }
0x8a: {  	s1 =	srdreg.scid  }
0x8b: {  	s0 =	sand.u32 $0x1, s1  }
0x8c: {  	s16 =	sshll.u32 s0, $0xA;
	s2 =	sadd.s32 s3, s2  }
0x8d: {  	s2 =	sadd.s32 s2, s16  }
0x8e: {  	[smem:$0x3FBF] =	sst s2  }
0x8f: {  	_ = 	snop  }
0x90: {  	(tm) =	ssettm $0x1  }
0x91: {  	s17 =	sld [smem:$0x3FFB];
	_ =	sdelay $0x3  }
0x92: {  	_ =	strace s17  }
0x93: {  	s2 =	sld [smem:$0x3FFC];
	_ =	sdelay $0x3  }
0x94: {  	_ =	strace s2  }
0x95: {  	s2 =	sld [smem:$0x3FFD];
	_ =	sdelay $0x3  }
0x96: {  	_ =	strace s2  }
0x97: {  	_ =	strace $0x8FFFFFFF  }
0x98: {  	s18 =	sld [smem:$0x3FDB];
	_ =	sdelay $0x1  }
0x99: {  	s19 =	simm.s32 $_scs_section_size  }
0x9a: {  	s4 =	simm.s32 $_size__tile_overlayer_lowered;
	s5 =	simm.s32 $_tile_overlayer_lowered  }
0x9b: {  	s22 =	simm.s32 $0x1BFF;
	s21 =	sshll.u32 s5, $0x1;
	s2 =	sadd.s32 s19, s18  }
0x9c: {  	s6 =	simm.s32 $0x0;
	s20 =	sshll.u32 s4, $0x1;
	s4 =	sadd.s32 s21, s2  }
0x9d: {  	[timem:s6], [sflag:s22] =	dma.local [hbm:s4], s20  }
0x9e: {  	_ =	swait.ge [sflag:s22], s20  }
0x9f: {  	s3 =	ssub.s32 $0x0, s20;
	[sflag:s22] =	ssyncset.done $0x0  }
0xa0: {  	[sflag:s22] =	ssyncadd.s32 s3;
	_ =	sdelay $0x1  }
0xa1: {  	s23 =	simm.s32 $0x1B8B  }
0xa2: {  	_ =	swait.ge [sflag:s23], $0x1  }
0xa3: {  	[sflag:s23] =	ssyncset.done $0x0  }
0xa4: {  	s25 =	simm.s32 $0x1B8E;
	s24 =	sld [smem:$0x3FFE];
	[sflag:s23] =	ssyncadd.s32 $0xFFFFFFFF  }
0xa5: {  	s26 =	simm.s32 $execute0_lowered;
	[smem:$0x3FD2] =	sst s25  }
0xa6: {  	s4 =	sshll.u32 s26, $0x1;
	_ =	strace $0x8000004C;
	[dreg:$0x1] =	wrdreg $0xFFFFFFFF  }
0xa7: {  	s28 =	simm.s32 $_size_execute0_lowered;
	s2 =	sadd.s32 s2, s4;
	[dreg:$0x0] =	wrdreg $0x0  }
0xa8: {  	s4 =	sshll.u32 s28, $0x1;
	[dreg:$0x2] =	wrdreg s2  }
0xa9: {  	[dreg:$0x3] =	wrdreg s4  }
0xaa: {  	[dreg:$0x4] =	wrdreg $0xC0  }
0xab: {  	_ =	task [dreg:s6], $0x5FFFF  }
0xac: {  	[dreg:$0x1] =	wrdreg $0xFFFFFFFF  }
0xad: {  	[dreg:$0x0] =	wrdreg $0x60  }
0xae: {  	[dreg:$0x2] =	wrdreg s24  }
0xaf: {  	[dreg:$0x3] =	wrdreg $0x0  }
0xb0: {  	[dreg:$0x4] =	wrdreg $0x9  }
0xb1: {  	_ =	task.clear_ibuf [dreg:s6], $0x5FFFF;
	_ =	strace $0x9000004C  }
0xb2: {  	s29 =	simm.s32 $0x9;
	_ =	strace $0x8000004E  }
0xb3: {  	_ =	swait.ge [sflag:s29], $0x1  }
0xb4: {  	[sflag:s29] =	ssyncadd.s32 $0xFFFFFFFF  }
0xb5: {  	_ =	strace $0x9000004E  }
0xb6: {  	_ =	sfence  }
0xb7: {  	s30 =	sld [smem:$0x0];
	_ =	sdelay $0x2  }
0xb8: {  	s31 =	sshll.u32 s1, $0xD;
	s1 =	sshrl.u32 s1, $0x2  }
0xb9: {  	s3 =	sand.u32 $0x4000, s31;
	s1 =	sadd.s32 s1, s30  }
0xba: {  	s0 =	sor.u32 s3, s0;
	s1 =	sshll.u32 s1, $0x11  }
0xbb: {  	s0 =	sor.u32 s1, s0  }
0xbc: {  	s0 =	sadd.s32 $0x8F2B, s0  }
0xbd: {  	[sflag:s0] =	ssyncadd.remote.s32 $0x1  }
0xbe: {  	_ =	sfence.sel $0xFFFF  }
0xbf: {  	[dreg:$0x0] =	wrdreg $0xFFFFFFFF;
	(pc) =	sbr.abs _section_cstart, $3  }
0xc0: {  	[dreg:$0x1] =	wrdreg $0xFFFFFFFF  }
0xc1: {  	_ =	task.clear_ibuf [dreg:s6], $0x2FFFF;
	_ =	strace $0x9FFFFFFF  }
0xc2: {  	(tm) =	ssettm $0x7FFFFFFF  }
0xc3: {  	_ =	shalt  }
tec
execute0_lowered:
.L_overlay_start_1:
0x0: {  	(tag) =	ssettag $0x1  }
0x1: {  	s0 =	srdreg.scid  }
0x2: {  	s1 =	rddreg [dreg:$0x0];
	s11 =	stileid.u32  }
0x3: {  	s2 =	rddreg [dreg:$0x1];
	s22 =	simm.s32 $0x138C0;
	s23 =	simm.s32 $0x4  }
0x4: {  	s28 =	simm.s32 $0x198C0;
	s29 =	simm.s32 $0x1;
	s30 =	simm.s32 $0x2  }
0x5: {  	s31 =	simm.s32 $0x0;
	s0 =	sand.u32 $0x1, s0;
	s12 =	smul.u32 $0x2780, s11  }
0x6: {  	s5 =	sadd.s32 $0x47A00, s1;
	s6 =	smul.u32 $0x4F000, s11;
	s25 =	sadd.s32 $0x45880, s1  }
0x7: {  	p0 =	seq.s32 s11, $0xF;
	s3 =	sshll.u32 s0, $0x4;
	s7 =	smul.u32 $0x27180, s0  }
0x8: {  	s8 =	ssub.s32 $0x2, s0;
	p3 =	sne.s32 @p0 s0, $0x0;
	p4 =	sne.s32 @!p0 s0, $0x0  }
0x9: {  	s4 =	sor.u32 s11, s3;
	s3 =	simm.s32 $0x0;
	s9 =	sadd.s32 s12, s1  }
0xa: {  	s10 =	sshrl.u32 s8, $0x1;
	s6 =	sshrl.u32 s6, $0x2;
	s24 =	sadd.s32 s5, s12  }
0xb: {  	p1 =	por !p3, !p0;
	p3 =	por p3, !p0;
	p2 =	por p4, p0  }
0xc: {  	s4 =	smul.u32 $0x500, s4;
	[smem:$0x7FF] =	sst s3;
	s9 =	sadd.s32 $0x20800, s9  }
0xd: {  	s7 =	sadd.s32 s7, s1;
	_ =	strace $0x8000004D;
	[dreg:$0x4] =	wrdreg s9  }
0xe: {  	s8 =	ssub.s32 s8, s10;
	s6 =	sadd.s32 s6, s2;
	[dreg:$0x3] =	wrdreg s12  }
0xf: {  	s0 =	simm.s32 @!p1 $0x0;
	[dreg:$0x5] =	wrdreg s24;
	s9 =	sadd.s32 $0x128400, s2  }
0x10: {  	[dreg:$0x6] =	wrdreg s25;
	s14 =	sadd.s32 $0x6EC00, s7;
	s26 =	smax.u32 s8, $0x1  }
0x11: {  	s0 =	simm.s32 @p1 $0x1;
	s15 =	smov.u32 s6;
	s21 =	sshrl.u32 @!p2 s6, $0x3  }
0x12: {  	s25 =	simm.s32 $0x80;
	s4 =	sadd.s32 s4, s1;
	[dreg:$0x8] =	wrdreg s26  }
0x13: {  	s1 =	sadd.s32 $0x6CA80, s1;
	[smem:$0x7FB] =	sst s0;
	s16 =	sshrl.u32 @!p1 s9, $0x3  }
0x14: {  	p1 =	por !p4, p0;
	s17 =	sshrl.u32 @!p3 s9, $0x3;
	s26 =	simm.s32 $0x158C0  }
.Ltmp0:
0x15: {  	[dreg:$0x7] =	wrdreg s1;
	s0 =	sshll.u32 @!p1 s11, $0x6;
	(pc) =	sbr.rel .LBB2_1-.Ltmp0, $4  }
0x16: {  	s1 =	simm.s32 @!p1 $0x0;
	s18 =	sor.u32 @!p1 $0x1C04, s0;
	s0 =	sshll.u32 @!p2 s11, $0x6  }
0x17: {  	s1 =	simm.s32 @p1 $0x1;
	s20 =	sor.u32 @!p2 $0x1C04, s0;
	s0 =	simm.s32 @!p2 $0x0  }
0x18: {  	s12 =	sadd.s32 $0x16800, s4;
	[smem:$0x7FC] =	sst s1;
	s0 =	simm.s32 @p2 $0x1  }
0x19: {  	s13 =	sadd.s32 $0xC800, s4;
	s19 =	sshrl.u32 @!p1 s6, $0x3;
	[smem:$0x7FD] =	sst s0  }
.LBB2_6:
0x1a: {  	[bflag:$0x0] =	sbarrier.arrive $0xFFFF  }
0x1b: {  	s0 =	sadd.s32 @p0 $0x25080, s14;
	s1 =	sshrl.u32 @p0 s9, $0x3;
	s4 =	simm.s32 @p0 $0x1FC4  }
0x1c: {  	[hbm:s0], [sflag:s4] =	dma.local @p0 [spmem:s1], $0x2100  }
0x1d: {  	s0 =	simm.s32 @p0 $0x4  }
0x1e: {  	_ =	swait.ge @p0 [sflag:s0], $0x2100  }
0x1f: {  	[sflag:s0] =	ssyncset.done @p0 $0x0  }
0x20: {  	[sflag:s0] =	ssyncadd.s32 @p0 $0xFFFFDF00;
	s0 =	stileid.u32  }
0x21: {  	s1 =	rddreg [dreg:$0x3];
	s0 =	sshll.u32 @!p0 s0, $0x6  }
0x22: {  	s4 =	sshrl.u32 @!p0 s15, $0x3;
	s1 =	sadd.s32 @!p0 s1, s14;
	s0 =	sor.u32 @!p0 $0x1C04, s0  }
0x23: {  	[hbm:s1], [sflag:s0] =	dma.local @!p0 [spmem:s4], $0x2780  }
0x24: {  	s0 =	simm.s32 @!p0 $0x4  }
0x25: {  	_ =	swait.ge @!p0 [sflag:s0], $0x2780  }
0x26: {  	s31 =	sadd.s32 $0x1, s31;
	s24 =	rddreg [dreg:$0x8]  }
0x27: {  	p1 =	sne.s32 s31, s24  }
.Ltmp1:
0x28: {  	_ = 	snop;
	(pc) =	sbr.rel @!p1 .LBB2_7-.Ltmp1, $3  }
0x29: {  	_ =	sdelay $0x1  }
0x2a: {  	[sflag:s0] =	ssyncset.done @!p0 $0x0  }
0x2b: {  	[sflag:s0] =	ssyncadd.s32 @!p0 $0xFFFFD880  }
.LBB2_1:
0x2c: {  	s0 =	sld [smem:$0x7FB];
	_ =	sdelay $0x2  }
0x2d: {  	p1 =	seq.s32 s0, $0x1  }
0x2e: {  	s1 =	rddreg [dreg:$0x6];
	s0 =	simm.s32 @!p1 $0x1FC4  }
0x2f: {  	[spmem:s16], [sflag:s0] =	dma.local @!p1 [hbm:s1], $0x2080  }
0x30: {  	s0 =	simm.s32 @!p1 $0x4  }
0x31: {  	_ =	swait.ge @!p1 [sflag:s0], $0x2080  }
0x32: {  	[sflag:s0] =	ssyncset.done @!p1 $0x0  }
0x33: {  	s1 =	rddreg [dreg:$0x7];
	[sflag:s0] =	ssyncadd.s32 @!p1 $0xFFFFDF80;
	s0 =	simm.s32 @!p3 $0x1FC4  }
0x34: {  	[spmem:s17], [sflag:s0] =	dma.local @!p3 [hbm:s1], $0x2080  }
0x35: {  	s0 =	simm.s32 @!p3 $0x4  }
0x36: {  	_ =	swait.ge @!p3 [sflag:s0], $0x2080  }
0x37: {  	s10 =	sld [smem:$0x7FC];
	_ =	sdelay $0x1  }
0x38: {  	[sflag:s0] =	ssyncset.done @!p3 $0x0  }
0x39: {  	[sflag:s0] =	ssyncadd.s32 @!p3 $0xFFFFDF80;
	s0 =	rddreg [dreg:$0x4];
	p1 =	seq.s32 s10, $0x1  }
0x3a: {  	[spmem:s19], [sflag:s18] =	dma.local @!p1 [hbm:s0], $0x2780  }
0x3b: {  	s0 =	simm.s32 @!p1 $0x4  }
0x3c: {  	_ =	swait.ge @!p1 [sflag:s0], $0x2780  }
0x3d: {  	s11 =	sld [smem:$0x7FD];
	_ =	sdelay $0x1  }
0x3e: {  	[sflag:s0] =	ssyncset.done @!p1 $0x0  }
0x3f: {  	[sflag:s0] =	ssyncadd.s32 @!p1 $0xFFFFD880;
	s0 =	rddreg [dreg:$0x5];
	p1 =	seq.s32 s11, $0x1  }
0x40: {  	[spmem:s21], [sflag:s20] =	dma.local @!p1 [hbm:s0], $0x2780  }
0x41: {  	s0 =	simm.s32 @!p1 $0x4  }
0x42: {  	_ =	swait.ge @!p1 [sflag:s0], $0x2780  }
0x43: {  	[sflag:s0] =	ssyncset.done @!p1 $0x0  }
0x44: {  	[sflag:s0] =	ssyncadd.s32 @!p1 $0xFFFFD880  }
0x45: {  	[tilespmem:s22], [sflag:$0x4] =	stream.linear.gather [hbm4b:s12+s3], $0x800, $0x38;
	[tilespmem:$0x1D8C0] =	vst v63  }
0x46: {  	_ =	swait.ge [sflag:s23], $0x800  }
0x47: {  	[sflag:s23] =	ssyncset.done $0x0  }
0x48: {  	s24 =	simm.s32 $0x148C0;
	[sflag:s23] =	ssyncadd.s32 $0xFFFFF800  }
0x49: {  	[tilespmem:s24], [sflag:$0x4] =	stream.linear.gather [hbm4b:s13+s3], $0x800, $0x38;
	[tilespmem:$0x1D8C0] =	vst v63  }
.Ltmp2:
0x4a: {  	_ =	swait.ge [sflag:s23], $0x800;
	(pc) =	sbr.rel .LBB2_2-.Ltmp2, $4  }
0x4b: {  	[sflag:s23] =	ssyncset.done $0x0  }
0x4c: {  	s1 =	simm.s32 $0x0;
	[sflag:s23] =	ssyncadd.s32 $0xFFFFF800  }
0x4d: {  	s0 =	simm.s32 $0x0;
	s24 =	simm.s32 $0x0;
	[bflag:$0x0] =	sbarrier.arrive $0xFFFF  }
0x4e: {  	[tilespmem:s26], [sflag:$0x1] =	stream.indirect.gather [hbm4b:s5+s25], $0x80, s22, s25, $0xb8;
	[tilespmem:$0x1D8C0] =	vst v63  }
.LBB2_4:
0x4f: {  	p6 =	seq.s32 s24, $0x27  }
0x50: {  	p2 =	sne.s32 @!p6 s4, $0xE  }
0x51: {  	p4 =	por p2, p6  }
0x52: {  	s6 =	simm.s32 @!p4 $0x3  }
0x53: {  	_ =	swait.ge @!p4 [sflag:s6], $0x800  }
0x54: {  	[sflag:s6] =	ssyncset.done @!p4 $0x0  }
0x55: {  	p5 =	sne.s32 s24, $0x27;
	[sflag:s6] =	ssyncadd.s32 @!p4 $0xFFFFF800  }
0x56: {  	p2 =	por !p2, p6;
	p1 =	por @!p4 $0x1, $0x1;
	_ =	swait.ge @!p4 [sflag:s6], $0x800  }
0x57: {  	s8 =	sshll.u32 s24, $0x1;
	p1 =	por @!p2 p5, p5;
	[sflag:s6] =	ssyncset.done @!p4 $0x0  }
0x58: {  	s8 =	sadd.s32 $0x2, s8;
	p5 =	por @!p6 p1, p1;
	[sflag:s6] =	ssyncadd.s32 @!p4 $0xFFFFF800  }
.LBB2_5:
0x59: {  	s6 =	sand.u32 $0x700, s1  }
0x5a: {  	s10 =	sand.u32 $0x800, s1;
	s6 =	sor.u32 $0x80, s6  }
0x5b: {  	s11 =	sor.u32 s6, s10  }
0x5c: {  	s7 =	sshll.u32 s7, $0xB;
	s11 =	sadd.s32 $0x138C0, s11  }
0x5d: {  	[tilespmem:s28], [sflag:$0x2] =	stream.indirect.gather [hbm4b:s5+s25], $0x80, s11, s25, $0xb8;
	[tilespmem:$0x1D8C0] =	vst v63  }
0x5e: {  	s4 =	sshll.u32 s4, $0x7;
	s7 =	sand.u32 $0x800, s7;
	_ =	swait.ge [sflag:s29], $0x4000  }
0x5f: {  	s4 =	sor.u32 s4, s7;
	[sflag:s29] =	ssyncset.done $0x0  }
0x60: {  	s4 =	sadd.s32 $0x148C0, s4;
	[sflag:s29] =	ssyncadd.s32 $0xFFFFC000  }
0x61: {  	[spmem:s2] =	stream.indirect.scatter.add.f32 [tilespmem:s26], [sflag:$0x4], $0x80, s4, s25, $0xb8;
	[tilespmem:$0x1D8C0] =	vst v63  }
0x62: {  	s4 =	sshll.u32 @p5 s8, $0x7;
	_ =	swait.ge [sflag:s23], $0x4000  }
0x63: {  	s7 =	simm.s32 @p5 $0x80;
	s4 =	sand.u32 @p5 $0xF00, s4;
	[sflag:s23] =	ssyncset.done $0x0  }
0x64: {  	s8 =	simm.s32 @p5 $0x158C0;
	s4 =	sadd.s32 @p5 $0x138C0, s4;
	[sflag:s23] =	ssyncadd.s32 $0xFFFFC000  }
0x65: {  	[tilespmem:s8], [sflag:$0x1] =	stream.indirect.gather @p5 [hbm4b:s5+s7], $0x80, s4, s7, $0xb8;
	[tilespmem:$0x1D8C0] =	vst v63  }
0x66: {  	s0 =	sadd.s32 $0x2, s0;
	_ =	swait.ge [sflag:s30], $0x4000  }
0x67: {  	p1 =	sne.s32 s0, $0x50;
	s11 =	sadd.s32 s6, s10;
	[sflag:s30] =	ssyncset.done $0x0  }
.Ltmp3:
0x68: {  	s4 =	sadd.s32 $0x148C0, s11;
	[sflag:s30] =	ssyncadd.s32 $0xFFFFC000;
	(pc) =	sbr.rel @!p1 .LBB2_6-.Ltmp3, $4  }
0x69: {  	[spmem:s2] =	stream.indirect.scatter.add.f32 [tilespmem:s28], [sflag:$0x4], $0x80, s4, s25, $0xb8;
	[tilespmem:$0x1D8C0] =	vst v63  }
0x6a: {  	_ =	swait.ge [sflag:s23], $0x4000  }
0x6b: {  	[sflag:s23] =	ssyncset.done $0x0  }
0x6c: {  	s24 =	sadd.s32 $0x1, s24;
	s1 =	sadd.s32 $0x100, s1;
	[sflag:s23] =	ssyncadd.s32 $0xFFFFC000  }
.LBB2_2:
0x6d: {  	s4 =	sand.u32 $0xE, s0;
	p5 =	sgt.u32 s24, $0x1F  }
0x6e: {  	p6 =	sne.s32 @!p5 s4, $0x0  }
0x6f: {  	p5 =	por p5, p6  }
.Ltmp4:
0x70: {  	_ = 	snop;
	(pc) =	sbr.rel @p5 .LBB2_4-.Ltmp4, $2  }
0x71: {  	_ =	sdelay $0x2  }
0x72: {  	s7 =	sshrl.u32 s24, $0x3  }
0x73: {  	s8 =	sxor.u32 $0xFFFFFFFF, s7  }
0x74: {  	s10 =	sshll.u32 s7, $0x8;
	s8 =	sshll.u32 s8, $0xB  }
0x75: {  	s10 =	sadd.s32 $0x100, s10;
	s8 =	sand.u32 $0x800, s8  }
.Ltmp5:
0x76: {  	s6 =	sadd.s32 s12, s10;
	s11 =	sadd.s32 $0x138C0, s8;
	(pc) =	sbr.rel .LBB2_5-.Ltmp5, $4  }
0x77: {  	[tilespmem:s11], [sflag:$0x3] =	stream.linear.gather [hbm4b:s6+s3], $0x800, $0x38;
	[tilespmem:$0x1D8C0] =	vst v63  }
0x78: {  	s8 =	sadd.s32 $0x148C0, s8;
	s11 =	sadd.s32 s13, s10  }
0x79: {  	[tilespmem:s8], [sflag:$0x3] =	stream.linear.gather [hbm4b:s11+s3], $0x800, $0x38;
	[tilespmem:$0x1D8C0] =	vst v63  }
0x7a: {  	p5 =	por $0x1, $0x1;
	s8 =	sadd.s32 $0x2, s0  }
.LBB2_7:
0x7b: {  	_ =	sfence.sel $0x180000  }
0x7c: {  	[bflag:$0x0] =	sbarrier.arrive $0xFFFF  }
0x7d: {  	_ =	strace $0x9000004D  }
0x7e: {  	s0 =	stileid.u32;
	[bflag:$0x2] =	sbarrier.arrive $0xFFFF  }
0x7f: {  	p0 =	sne.s32 s0, $0x0;
	s0 =	rddreg [dreg:$0x2]  }
0x80: {  	s0 =	sadd.s32 @!p0 $0x100000, s0  }
0x81: {  	[sflag:s0] =	ssyncadd.tile.s32 @!p0 $0x1;
	_ =	shalt  }
.Lfunc_end2:
_tile_overlayer_lowered:
.L_overlay_start_2:
0x82: {  	(tag) =	ssettag $0x2  }
0x83: {  	s0 =	rddreg [dreg:$0x0];
	s2 =	stileid.u32  }
0x84: {  	s1 =	rddreg [dreg:$0x1];
	p0 =	sne.s32 s2, $0x0  }
0x85: {  	s3 =	rddreg [dreg:$0x2];
	[bflag:$0x3] =	sbarrier.arrive $0xFFFF;
	s2 =	simm.s32 @!p0 $0x1C04  }
0x86: {  	[timem:s3], [sflag:s2] =	dma.local @!p0 [hbm:s0], s1  }
0x87: {  	s0 =	simm.s32 @!p0 $0x4  }
0x88: {  	_ =	swait.ge @!p0 [sflag:s0], s1  }
0x89: {  	s1 =	ssub.s32 @!p0 $0x0, s1;
	[sflag:s0] =	ssyncset.done @!p0 $0x0  }
0x8a: {  	[sflag:s0] =	ssyncadd.s32 @!p0 s1  }
0x8b: {  	[bflag:$0x3] =	sbarrier.arrive $0xFFFF  }
0x8c: {  	_ =	shalt  }

// kernel: kernel.8.cloned.1.call-start
scs
__scs_entry_jumppad:
0x0: {  	(pc) =	sbr.rel $0x88, $3  }
0x1: {  	(tag) =	ssettag $0x0;
	lr =	simm.s32 $0x1  }
0x2: {  	[smem:$0x3F98] =	sst lr;
	_ =	strace $0xD0000000  }
0x3: {  	_ = 	snop  }
0x4: {  	_ = 	snop  }
0x5: {  	_ = 	snop  }
0x6: {  	_ = 	snop  }
0x7: {  	_ = 	snop  }
__scs_overlays_trampoline_lowered:
0x8: {  	[smem:$0x3FA7] =	sst s0  }
0x9: {  	[smem:$0x3FA8] =	sst s1  }
0xa: {  	[smem:$0x3FA9] =	sst s2  }
0xb: {  	[smem:$0x3FAA] =	sst s3  }
0xc: {  	[smem:$0x3FAB] =	sst s4  }
0xd: {  	[smem:$0x3FAC] =	sst s5  }
0xe: {  	[smem:$0x3FAD] =	sst s6  }
0xf: {  	[smem:$0x3FAE] =	sst s7  }
0x10: {  	[smem:$0x3FAF] =	sst s8  }
0x11: {  	[smem:$0x3FB0] =	sst s9;
	s0 =	simm.s32 @!p0 $0x0  }
0x12: {  	s1 =	sld [smem:$0x3F96];
	s0 =	simm.s32 @p0 $0x1  }
0x13: {  	[smem:$0x3FB1] =	sst s0;
	s0 =	simm.s32 @!p1 $0x0  }
0x14: {  	s2 =	sld [smem:$0x3F95];
	s0 =	simm.s32 @p1 $0x1  }
0x15: {  	[smem:$0x3FB2] =	sst s0;
	s0 =	simm.s32 @!p2 $0x0  }
0x16: {  	s3 =	sld [smem:$0x3FDB];
	s0 =	simm.s32 @p2 $0x1  }
0x17: {  	s4 =	simm.s32 $0x1BF5;
	[smem:$0x3FB4] =	sst s0  }
0x18: {  	s0 =	sld [smem:$0x3F97];
	_ =	swait.ge [sflag:s4], $0x0  }
0x19: {  	s7 =	sld [smem:$0x3F98]  }
0x1a: {  	s8 =	sadd.s32 $0xFFFFE003, lr  }
0x1b: {  	s9 =	sadd.s32 $0xFFFFFEF7, lr;
	s5 =	simm.s32 $0xFFFFFFFF;
	p2 =	slt.u32 s8, $0xFFFFF086  }
0x1c: {  	p1 =	slt.u32 s9, $0xF7A;
	s5 =	simm.s32 @!p2 $0x0  }
0x1d: {  	s5 =	simm.s32 @p1 $0x1;
	p0 =	seq.s32 s7, s2  }
0x1e: {  	s7 =	smul.u32 @!p0 $0xF7A, s2;
	p2 =	seq.s32 @!p0 s5, $0x0  }
0x1f: {  	s9 =	smul.u32 $0xF7A, s1;
	s8 =	simm.s32 @!p0 $0x1BF5;
	p2 =	por !p2, p0  }
0x20: {  	[sflag:s8] =	ssyncset.s32 @!p0 $0xFFFFF086;
	s6 =	sadd.s32 @!p0 s3, s7;
	s7 =	simm.s32 @!p0 $0x108  }
0x21: {  	s3 =	sadd.s32 s3, s9;
	s6 =	sadd.s32 @!p0 $0x88, s6;
	s7 =	simm.s32 @p2 $0x1082  }
0x22: {  	[simem:s7], [sflag:s8] =	dma.local @!p0 [hbm:s6], $0xF7A  }
0x23: {  	s9 =	sor.u32 $0xD0000000, s2;
	s6 =	simm.s32 $0x108;
	_ =	swait.ge @!p0 [sflag:s8], $0x0  }
0x24: {  	s3 =	sadd.s32 $0x88, s3;
	s6 =	simm.s32 @!p1 $0x1082;
	[sflag:s4] =	ssyncset.s32 $0xFFFFF086  }
0x25: {  	[simem:s6], [sflag:s4] =	dma.local [hbm:s3], $0xF7A  }
0x26: {  	[smem:$0x3F98] =	sst s1;
	(tag) =	ssettag s2;
	_ =	strace s9  }
0x27: {  	s1 =	sld [smem:$0x3FA8]  }
0x28: {  	s2 =	sld [smem:$0x3FA9]  }
0x29: {  	s4 =	sld [smem:$0x3FAB]  }
0x2a: {  	p0 =	seq.s32 s5, $0x0;
	s5 =	sld [smem:$0x3FAC]  }
0x2b: {  	s6 =	sld [smem:$0x3FAD]  }
0x2c: {  	s7 =	sld [smem:$0x3FAE]  }
0x2d: {  	s3 =	simm.s32 $0x108;
	s8 =	sld [smem:$0x3FAF]  }
0x2e: {  	s3 =	simm.s32 @!p0 $0x1082;
	s9 =	sld [smem:$0x3FB0]  }
0x2f: {  	lr =	sadd.s32 s0, s3;
	s0 =	sld [smem:$0x3FA7]  }
0x30: {  	s3 =	sld [smem:$0x3FAA]  }
0x31: {  	[smem:$0x3FB3] =	sst s10  }
0x32: {  	s10 =	sld [smem:$0x3FB1];
	_ =	sdelay $0x3  }
0x33: {  	p0 =	seq.s32 s10, $0x1;
	s10 =	sld [smem:$0x3FB3];
	_ =	sdelay $0x3  }
0x34: {  	[smem:$0x3FB3] =	sst s10  }
0x35: {  	s10 =	sld [smem:$0x3FB2];
	_ =	sdelay $0x3  }
0x36: {  	p1 =	seq.s32 s10, $0x1;
	s10 =	sld [smem:$0x3FB3];
	_ =	sdelay $0x3  }
0x37: {  	[smem:$0x3FB3] =	sst s10  }
0x38: {  	s10 =	sld [smem:$0x3FB4]  }
0x39: {  	_ = 	snop;
	(pc) =	sbr.ind lr, $3  }
0x3a: {  	_ = 	snop  }
0x3b: {  	_ = 	snop  }
0x3c: {  	p2 =	seq.s32 s10, $0x1;
	s10 =	sld [smem:$0x3FB3]  }
0x3d: {  	_ =	shalt  }
0x3e: {  	_ =	shalt  }
0x3f: {  	_ =	shalt  }
0x40: {  	_ =	shalt  }
0x41: {  	_ =	shalt  }
0x42: {  	_ =	shalt  }
0x43: {  	_ =	shalt  }
0x44: {  	_ =	shalt  }
0x45: {  	_ =	shalt  }
0x46: {  	_ =	shalt  }
0x47: {  	_ =	shalt  }
0x48: {  	_ =	shalt  }
0x49: {  	_ =	shalt  }
0x4a: {  	_ =	shalt  }
0x4b: {  	_ =	shalt  }
0x4c: {  	_ =	shalt  }
0x4d: {  	_ =	shalt  }
0x4e: {  	_ =	shalt  }
0x4f: {  	_ =	shalt  }
0x50: {  	_ =	shalt  }
0x51: {  	_ =	shalt  }
0x52: {  	_ =	shalt  }
0x53: {  	_ =	shalt  }
0x54: {  	_ =	shalt  }
0x55: {  	_ =	shalt  }
0x56: {  	_ =	shalt  }
0x57: {  	_ =	shalt  }
0x58: {  	_ =	shalt  }
0x59: {  	_ =	shalt  }
0x5a: {  	_ =	shalt  }
0x5b: {  	_ =	shalt  }
0x5c: {  	_ =	shalt  }
0x5d: {  	_ =	shalt  }
0x5e: {  	_ =	shalt  }
0x5f: {  	_ =	shalt  }
0x60: {  	_ =	shalt  }
0x61: {  	_ =	shalt  }
0x62: {  	_ =	shalt  }
0x63: {  	_ =	shalt  }
0x64: {  	_ =	shalt  }
0x65: {  	_ =	shalt  }
0x66: {  	_ =	shalt  }
0x67: {  	_ =	shalt  }
0x68: {  	_ =	shalt  }
0x69: {  	_ =	shalt  }
0x6a: {  	_ =	shalt  }
0x6b: {  	_ =	shalt  }
0x6c: {  	_ =	shalt  }
0x6d: {  	_ =	shalt  }
0x6e: {  	_ =	shalt  }
0x6f: {  	_ =	shalt  }
0x70: {  	_ =	shalt  }
0x71: {  	_ =	shalt  }
0x72: {  	_ =	shalt  }
0x73: {  	_ =	shalt  }
0x74: {  	_ =	shalt  }
0x75: {  	_ =	shalt  }
0x76: {  	_ =	shalt  }
0x77: {  	_ =	shalt  }
0x78: {  	_ =	shalt  }
0x79: {  	_ =	shalt  }
0x7a: {  	_ =	shalt  }
0x7b: {  	_ =	shalt  }
0x7c: {  	_ =	shalt  }
0x7d: {  	_ =	shalt  }
0x7e: {  	_ =	shalt  }
0x7f: {  	_ =	shalt  }
0x80: {  	_ =	shalt  }
0x81: {  	_ =	shalt  }
0x82: {  	_ =	shalt  }
0x83: {  	_ =	shalt  }
0x84: {  	_ =	shalt  }
0x85: {  	_ =	shalt  }
0x86: {  	_ =	shalt  }
0x87: {  	_ =	shalt  }
.Lfunc_end0:
.L_simem_size_0:
called_computation_lowered:
.L_overlay_start_0:
0x88: {  	s2 =	sld [smem:$0x3FD9]  }
0x89: {  	s3 =	sld [smem:$0x3FFE];
	_ =	sdelay $0x1  }
0x8a: {  	s1 =	srdreg.scid  }
0x8b: {  	s0 =	sand.u32 $0x1, s1  }
0x8c: {  	s16 =	sshll.u32 s0, $0xA;
	s2 =	sadd.s32 s3, s2  }
0x8d: {  	s2 =	sadd.s32 s2, s16  }
0x8e: {  	[smem:$0x3FBF] =	sst s2  }
0x8f: {  	_ = 	snop  }
0x90: {  	(tm) =	ssettm $0x1  }
0x91: {  	s17 =	sld [smem:$0x3FFB];
	_ =	sdelay $0x3  }
0x92: {  	_ =	strace s17  }
0x93: {  	s2 =	sld [smem:$0x3FFC];
	_ =	sdelay $0x3  }
0x94: {  	_ =	strace s2  }
0x95: {  	s2 =	sld [smem:$0x3FFD];
	_ =	sdelay $0x3  }
0x96: {  	_ =	strace s2  }
0x97: {  	_ =	strace $0x8FFFFFFF  }
0x98: {  	s18 =	sld [smem:$0x3FDB];
	_ =	sdelay $0x1  }
0x99: {  	s19 =	simm.s32 $_scs_section_size  }
0x9a: {  	s4 =	simm.s32 $_size__tile_overlayer_lowered;
	s5 =	simm.s32 $_tile_overlayer_lowered  }
0x9b: {  	s22 =	simm.s32 $0x1BFF;
	s21 =	sshll.u32 s5, $0x1;
	s2 =	sadd.s32 s19, s18  }
0x9c: {  	s6 =	simm.s32 $0x0;
	s20 =	sshll.u32 s4, $0x1;
	s4 =	sadd.s32 s21, s2  }
0x9d: {  	[timem:s6], [sflag:s22] =	dma.local [hbm:s4], s20  }
0x9e: {  	_ =	swait.ge [sflag:s22], s20  }
0x9f: {  	s3 =	ssub.s32 $0x0, s20;
	[sflag:s22] =	ssyncset.done $0x0  }
0xa0: {  	[sflag:s22] =	ssyncadd.s32 s3;
	_ =	sdelay $0x1  }
0xa1: {  	s23 =	simm.s32 $0x1B8B  }
0xa2: {  	_ =	swait.ge [sflag:s23], $0x1  }
0xa3: {  	[sflag:s23] =	ssyncset.done $0x0  }
0xa4: {  	s25 =	simm.s32 $0x1B8E;
	s24 =	sld [smem:$0x3FFE];
	[sflag:s23] =	ssyncadd.s32 $0xFFFFFFFF  }
0xa5: {  	s26 =	simm.s32 $execute0_lowered;
	[smem:$0x3FD2] =	sst s25  }
0xa6: {  	s4 =	sshll.u32 s26, $0x1;
	_ =	strace $0x80000046;
	[dreg:$0x1] =	wrdreg $0xFFFFFFFF  }
0xa7: {  	s28 =	simm.s32 $_size_execute0_lowered;
	s2 =	sadd.s32 s2, s4;
	[dreg:$0x0] =	wrdreg $0x0  }
0xa8: {  	s4 =	sshll.u32 s28, $0x1;
	[dreg:$0x2] =	wrdreg s2  }
0xa9: {  	[dreg:$0x3] =	wrdreg s4  }
0xaa: {  	[dreg:$0x4] =	wrdreg $0xC0  }
0xab: {  	_ =	task [dreg:s6], $0x5FFFF  }
0xac: {  	[dreg:$0x1] =	wrdreg $0xFFFFFFFF  }
0xad: {  	[dreg:$0x0] =	wrdreg $0x60  }
0xae: {  	[dreg:$0x2] =	wrdreg s24  }
0xaf: {  	[dreg:$0x3] =	wrdreg $0x0  }
0xb0: {  	[dreg:$0x4] =	wrdreg $0x9  }
0xb1: {  	_ =	task.clear_ibuf [dreg:s6], $0x5FFFF;
	_ =	strace $0x90000046  }
0xb2: {  	s29 =	simm.s32 $0x9;
	_ =	strace $0x80000048  }
0xb3: {  	_ =	swait.ge [sflag:s29], $0x1  }
0xb4: {  	[sflag:s29] =	ssyncadd.s32 $0xFFFFFFFF  }
0xb5: {  	_ =	strace $0x90000048  }
0xb6: {  	_ =	sfence  }
0xb7: {  	s30 =	sld [smem:$0x0];
	_ =	sdelay $0x2  }
0xb8: {  	s31 =	sshll.u32 s1, $0xD;
	s1 =	sshrl.u32 s1, $0x2  }
0xb9: {  	s3 =	sand.u32 $0x4000, s31;
	s1 =	sadd.s32 s1, s30  }
0xba: {  	s0 =	sor.u32 s3, s0;
	s1 =	sshll.u32 s1, $0x11  }
0xbb: {  	s0 =	sor.u32 s1, s0  }
0xbc: {  	s0 =	sadd.s32 $0x8F2B, s0  }
0xbd: {  	[sflag:s0] =	ssyncadd.remote.s32 $0x1  }
0xbe: {  	_ =	sfence.sel $0xFFFF  }
0xbf: {  	[dreg:$0x0] =	wrdreg $0xFFFFFFFF;
	(pc) =	sbr.abs _section_cstart, $3  }
0xc0: {  	[dreg:$0x1] =	wrdreg $0xFFFFFFFF  }
0xc1: {  	_ =	task.clear_ibuf [dreg:s6], $0x2FFFF;
	_ =	strace $0x9FFFFFFF  }
0xc2: {  	(tm) =	ssettm $0x7FFFFFFF  }
0xc3: {  	_ =	shalt  }
tec
execute0_lowered:
.L_overlay_start_1:
0x0: {  	(tag) =	ssettag $0x1  }
0x1: {  	s6 =	rddreg [dreg:$0x0]  }
0x2: {  	s0 =	srdreg.scid;
	s2 =	rddreg [dreg:$0x1];
	s3 =	simm.s32 $0x0  }
0x3: {  	s14 =	simm.s32 $0x138C0;
	s5 =	sand.u32 $0x1, s0;
	s0 =	stileid.u32  }
0x4: {  	s15 =	simm.s32 $0x80;
	s16 =	simm.s32 $0x1;
	s18 =	smul.u32 $0x2780, s0  }
0x5: {  	[smem:$0x7FF] =	sst s3;
	s1 =	sshll.u32 s5, $0x4;
	s7 =	smul.u32 $0x27180, s5  }
0x6: {  	s9 =	smul.u32 $0x4F000, s0;
	s5 =	ssub.s32 $0x2, s5;
	s1 =	sor.u32 s0, s1  }
0x7: {  	p0 =	seq.s32 s0, $0xF;
	s31 =	sshrl.u32 s5, $0x1;
	s4 =	smul.u32 $0x500, s1  }
0x8: {  	s1 =	rddreg [dreg:$0x2];
	_ =	strace $0x80000047;
	s10 =	sadd.s32 s18, s6  }
0x9: {  	s11 =	sadd.s32 s7, s6;
	s9 =	sshrl.u32 s9, $0x2;
	s12 =	ssub.s32 s5, s31  }
0xa: {  	s13 =	sadd.s32 s9, s2;
	s5 =	sadd.s32 $0x20800, s10;
	s9 =	sadd.s32 $0x128400, s2  }
0xb: {  	s19 =	sadd.s32 $0x48200, s11;
	s10 =	sshll.u32 @!p0 s0, $0x6;
	s8 =	sadd.s32 s4, s6  }
0xc: {  	s4 =	sadd.s32 $0x47A00, s6;
	s6 =	sadd.s32 $0x45880, s6;
	s9 =	sshrl.u32 @p0 s9, $0x3  }
0xd: {  	s10 =	sor.u32 @!p0 $0x1C02, s10;
	s11 =	sshrl.u32 @!p0 s13, $0x3;
	s13 =	simm.s32 $0x2  }
0xe: {  	s17 =	sadd.s32 @p0 $0x25080, s19;
	s18 =	sadd.s32 @!p0 s18, s19;
	s19 =	simm.s32 $0x0  }
0xf: {  	s7 =	sadd.s32 $0x2800, s8;
	s8 =	smax.u32 s12, $0x1;
	s12 =	simm.s32 $0x160C0  }
.LBB2_1:
0x10: {  	s20 =	simm.s32 @p0 $0x1FC2  }
0x11: {  	[spmem:s9], [sflag:s20] =	dma.local @p0 [hbm:s6], $0x2080  }
0x12: {  	s20 =	simm.s32 @p0 $0x2  }
0x13: {  	_ =	swait.ge @p0 [sflag:s20], $0x2080  }
0x14: {  	[sflag:s20] =	ssyncset.done @p0 $0x0  }
0x15: {  	[sflag:s20] =	ssyncadd.s32 @p0 $0xFFFFDF80;
	s20 =	simm.s32 @!p0 $0x2  }
0x16: {  	[spmem:s11], [sflag:s10] =	dma.local @!p0 [hbm:s5], $0x2780  }
0x17: {  	_ =	swait.ge @!p0 [sflag:s20], $0x2780  }
0x18: {  	[sflag:s20] =	ssyncset.done @!p0 $0x0  }
0x19: {  	[sflag:s20] =	ssyncadd.s32 @!p0 $0xFFFFD880  }
0x1a: {  	[tilespmem:s12], [sflag:$0x2] =	stream.linear.gather [hbm4b:s4+s3], $0x4000, $0x38;
	[tilespmem:$0x1A0C0] =	vst v63  }
0x1b: {  	_ =	swait.ge [sflag:s13], $0x4000  }
0x1c: {  	[sflag:s13] =	ssyncset.done $0x0  }
0x1d: {  	[sflag:s13] =	ssyncadd.s32 $0xFFFFC000  }
0x1e: {  	[tilespmem:s14], [sflag:$0x2] =	stream.linear.gather [hbm4b:s7+s3], $0x2800, $0x38;
	[tilespmem:$0x1A0C0] =	vst v63  }
0x1f: {  	_ =	swait.ge [sflag:s13], $0x2800  }
0x20: {  	[sflag:s13] =	ssyncset.done $0x0  }
0x21: {  	[sflag:s13] =	ssyncadd.s32 $0xFFFFD800  }
0x22: {  	s20 =	simm.s32 $0x0;
	[bflag:$0x0] =	sbarrier.arrive $0xFFFF  }
.LBB2_2:
0x23: {  	p1 =	sne.s32 s20, $0x9E00  }
.Ltmp0:
0x24: {  	_ = 	snop;
	(pc) =	sbr.rel @p1 .LBB2_2-.Ltmp0, $4  }
0x25: {  	_ = 	snop  }
0x26: {  	s21 =	sshra.s32 s20, $0x2  }
0x27: {  	s20 =	sadd.s32 $0x200, s20;
	s21 =	sadd.s32 $0x138C0, s21  }
0x28: {  	[spmem:s2] =	stream.indirect.scatter.add.f32 [tilespmem:s12], [sflag:$0x1], $0x80, s21, s15, $0xb8;
	[tilespmem:$0x1A0C0] =	vst v63  }
0x29: {  	_ =	swait.ge [sflag:s16], $0x4000  }
0x2a: {  	s20 =	simm.s32 $0x4F;
	[sflag:s16] =	ssyncset.done $0x0  }
.LBB2_4:
0x2b: {  	p1 =	sne.s32 s20, $0x1;
	s20 =	sadd.s32 $0xFFFFFFFF, s20;
	[sflag:s16] =	ssyncadd.s32 $0xFFFFC000  }
.Ltmp1:
0x2c: {  	(pc) =	sbr.rel @p1 .LBB2_4-.Ltmp1, $3  }
0x2d: {  	_ =	sdelay $0x1  }
0x2e: {  	_ =	swait.ge [sflag:s16], $0x4000  }
0x2f: {  	[sflag:s16] =	ssyncset.done $0x0  }
0x30: {  	[sflag:s16] =	ssyncadd.s32 $0xFFFFC000  }
0x31: {  	s20 =	simm.s32 @p0 $0x1FC2;
	[bflag:$0x0] =	sbarrier.arrive $0xFFFF  }
0x32: {  	[hbm:s17], [sflag:s20] =	dma.local @p0 [spmem:s9], $0x2100  }
0x33: {  	s20 =	simm.s32 @p0 $0x2  }
0x34: {  	s19 =	sadd.s32 $0x1, s19;
	_ =	swait.ge @p0 [sflag:s20], $0x2100  }
0x35: {  	p1 =	sne.s32 s19, s8;
	[sflag:s20] =	ssyncset.done @p0 $0x0  }
.Ltmp2:
0x36: {  	[sflag:s20] =	ssyncadd.s32 @p0 $0xFFFFDF00;
	s20 =	simm.s32 @!p0 $0x2;
	(pc) =	sbr.rel @p1 .LBB2_1-.Ltmp2, $4  }
0x37: {  	[hbm:s18], [sflag:s10] =	dma.local @!p0 [spmem:s11], $0x2780  }
0x38: {  	_ =	swait.ge @!p0 [sflag:s20], $0x2780  }
0x39: {  	[sflag:s20] =	ssyncset.done @!p0 $0x0  }
0x3a: {  	[sflag:s20] =	ssyncadd.s32 @!p0 $0xFFFFD880  }
0x3b: {  	_ =	sfence.sel $0x180000  }
0x3c: {  	[bflag:$0x0] =	sbarrier.arrive $0xFFFF  }
0x3d: {  	p0 =	sne.s32 s0, $0x0;
	_ =	strace $0x90000047  }
0x3e: {  	s0 =	sadd.s32 @!p0 $0x100000, s1;
	[bflag:$0x2] =	sbarrier.arrive $0xFFFF  }
0x3f: {  	[sflag:s0] =	ssyncadd.tile.s32 @!p0 $0x1;
	_ =	shalt  }
.Lfunc_end2:
_tile_overlayer_lowered:
.L_overlay_start_2:
0x40: {  	(tag) =	ssettag $0x2  }
0x41: {  	s0 =	rddreg [dreg:$0x0];
	s2 =	stileid.u32  }
0x42: {  	s1 =	rddreg [dreg:$0x1];
	p0 =	sne.s32 s2, $0x0  }
0x43: {  	s3 =	rddreg [dreg:$0x2];
	[bflag:$0x3] =	sbarrier.arrive $0xFFFF;
	s2 =	simm.s32 @!p0 $0x1C02  }
0x44: {  	[timem:s3], [sflag:s2] =	dma.local @!p0 [hbm:s0], s1  }
0x45: {  	s0 =	simm.s32 @!p0 $0x2  }
0x46: {  	_ =	swait.ge @!p0 [sflag:s0], s1  }
0x47: {  	s1 =	ssub.s32 @!p0 $0x0, s1;
	[sflag:s0] =	ssyncset.done @!p0 $0x0  }
0x48: {  	[sflag:s0] =	ssyncadd.s32 @!p0 s1  }
0x49: {  	[bflag:$0x3] =	sbarrier.arrive $0xFFFF  }
0x4a: {  	_ =	shalt  }

</sc_bundles>
